<compile_context>
chip_gen: v7x
topology: tpu7x:2x2x1
jax: 0.10.2.dev20260603
libtpu: 0.0.44.dev20260713+nightly
codegen_flags: <defaults>
</compile_context>

<pallas_src>
import functools

import jax
import jax.numpy as jnp
from jax import lax
from jax.experimental import pallas as pl
from jax.experimental.pallas import tpu as pltpu
from jax.experimental.pallas import tpu_sc as plsc

CUBE = 32
KPAD = 48
LOW = -(CUBE // 2)
NBOX = 256
G = CUBE * CUBE * CUBE
F32 = jnp.float32
I32 = jnp.int32


def _tables_body(cx_ref, cy_ref, cz_ref, czt_ref, vox_ref,
                 ox_ref, oy_ref, ozt_ref, aux_ref):
    cx = cx_ref[:]
    cy = cy_ref[:]
    cz = cz_ref[:]
    czt = czt_ref[:]
    vx = vox_ref[0:1, 0:1]
    vy = vox_ref[1:2, 0:1]
    vz = vox_ref[2:3, 0:1]

    bminx = jnp.min(cx, axis=0, keepdims=True)
    bmaxx = jnp.max(cx, axis=0, keepdims=True)
    bminy = jnp.min(cy, axis=0, keepdims=True)
    bmaxy = jnp.max(cy, axis=0, keepdims=True)
    bminz = jnp.min(cz, axis=0, keepdims=True)
    bmaxz = jnp.max(cz, axis=0, keepdims=True)

    bvol = ((bmaxx - bminx) * (bmaxy - bminy)) * (bmaxz - bminz)

    hy = cy[0:1, :] - cy[3:4, :]
    hx = cx[0:1, :] - cx[3:4, :]
    ang = jnp.arctan2(hy, hx)
    sinr = jnp.sin(ang)
    cosr = jnp.cos(ang)

    maxh = jnp.max(cz)
    minh = jnp.min(cz)

    iv = lax.broadcasted_iota(I32, (CUBE, NBOX), 0).astype(F32) + LOW
    gx0 = iv * vx
    gx1 = (iv + 1.0) * vx
    ox_ref[:] = jnp.maximum(jnp.minimum(gx1, bmaxx) - jnp.maximum(gx0, bminx), 0.0)
    gy0 = iv * vy
    gy1 = (iv + 1.0) * vy
    oy_ref[:] = jnp.maximum(jnp.minimum(gy1, bmaxy) - jnp.maximum(gy0, bminy), 0.0)

    kvi = lax.broadcasted_iota(I32, (NBOX, KPAD), 1)
    kvt = kvi.astype(F32) + LOW
    bminzt = jnp.min(czt, axis=1, keepdims=True)
    bmaxzt = jnp.max(czt, axis=1, keepdims=True)
    gz0 = kvt * vz
    gz1 = (kvt + 1.0) * vz
    ozt = jnp.maximum(jnp.minimum(gz1, bmaxzt) - jnp.maximum(gz0, bminzt), 0.0)
    ozt = jnp.where(kvi < CUBE, ozt, 0.0)
    ozt_ref[:] = ozt

    ozmax = jnp.max(ozt, axis=0, keepdims=True)
    kact = ozmax > 0.0
    klane = lax.broadcasted_iota(I32, (1, KPAD), 1)
    klo = jnp.min(jnp.where(kact, klane, 9999))
    khi = jnp.max(jnp.where(kact, klane, -1))
    nkg = jnp.maximum((khi - klo + 16) // 16, 0)

    lane_i = lax.broadcasted_iota(I32, (1, NBOX), 1)
    lane = lane_i.astype(F32)
    c0 = lane + LOW
    c1 = c0 + 1.0
    dxr = c1 * vx - c0 * vx
    dyr = c1 * vy - c0 * vy
    dzr = jnp.where(lane_i < CUBE, c1 * vz - c0 * vz, 0.0)
    z0 = c0 * vz
    z1 = c1 * vz
    outside = (z0 > maxh) | (z1 < minh)
    insider = jnp.where(outside | (lane_i >= CUBE), 0.0, 1.0)
    voxvol = (vx * vy) * vz
    thresh = jnp.broadcast_to(0.5 * voxvol, (1, NBOX))
    constr = jnp.where(lane_i == 1, klo.astype(F32),
                       jnp.where(lane_i == 2, nkg.astype(F32), 0.0))
    constr = jnp.where(lane_i == 0, thresh, constr)
    aux_ref[:] = jnp.concatenate(
        [bvol, sinr, cosr, dxr, dyr, dzr, insider, constr], axis=0)


def _sweep_body(oxf_hbm, oyf_hbm, oztf_hbm, aux_hbm, out_hbm,
                oxf_v, oyf_v, oztf_v, bvol_v, sin_v, cos_v,
                dx_v, dy_v, dz_v, ins_v, th_v, act_v, res_v, dsem):
    c = lax.axis_index("c")
    s = lax.axis_index("s")
    wid = s * 2 + c

    pltpu.sync_copy(oxf_hbm, oxf_v)
    pltpu.sync_copy(oyf_hbm, oyf_v)
    pltpu.sync_copy(oztf_hbm, oztf_v)
    pltpu.sync_copy(aux_hbm.at[0], bvol_v)
    pltpu.sync_copy(aux_hbm.at[1], sin_v)
    pltpu.sync_copy(aux_hbm.at[2], cos_v)
    pltpu.sync_copy(aux_hbm.at[3, pl.ds(0, 32)], dx_v)
    pltpu.sync_copy(aux_hbm.at[4, pl.ds(0, 32)], dy_v)
    pltpu.sync_copy(aux_hbm.at[5, pl.ds(0, KPAD)], dz_v)
    pltpu.sync_copy(aux_hbm.at[6, pl.ds(0, KPAD)], ins_v)
    pltpu.sync_copy(aux_hbm.at[7, pl.ds(0, 16)], th_v)

    lanes = lax.iota(I32, 16)
    thv = th_v[...]
    thresh = thv[0]
    klo = thv[1].astype(I32)
    nkg = thv[2].astype(I32)
    zero = jnp.zeros((16,), F32)

    def q_body(q, carry):
        i = wid + q
        i = i - 32 * (i >= 32).astype(I32)
        j = q
        i_s = jnp.full((16,), 0, I32) + i
        j_s = jnp.full((16,), 0, I32) + j
        dxi = plsc.load_gather(dx_v, [i_s])
        dyj = plsc.load_gather(dy_v, [j_s])
        gxy = dxi * dyj
        irow = i * NBOX
        jrow = j * NBOX

        for cz in range(4):
            res_v[pl.ds(q * 64 + cz * 16, 16)] = zero

        cnt = jnp.int32(0)
        for cch in range(NBOX // 16):
            base = cch * 16
            sxyv = oxf_v[pl.ds(irow + base, 16)] * oyf_v[pl.ds(jrow + base, 16)]
            m = sxyv > 0.0
            plsc.store_compressed(act_v.at[pl.ds(cnt, 16)], base + lanes,
                                  mask=m)
            cnt = cnt + plsc.all_reduce_population_count(m)[0]
        nch = (cnt + 15) // 16

        def kg_body(kg, carry2):
            koff = klo + kg * 16
            kvec = koff + lanes
            inb = kvec < CUBE
            dzv = plsc.load_gather(dz_v, [kvec])
            insv = plsc.load_gather(ins_v, [kvec])
            gvolv = gxy * dzv

            def c_body(cb, st):
                bv, bi = st
                idxr = act_v[pl.ds(cb * 16, 16)]
                valid = (cb * 16 + lanes) < cnt
                idxv = jnp.where(valid, idxr, 0)
                oxg = plsc.load_gather(oxf_v, [irow + idxv])
                oyg = plsc.load_gather(oyf_v, [jrow + idxv])
                sxyv = jnp.where(valid, oxg * oyg, 0.0)
                bvv = plsc.load_gather(bvol_v, [idxv])
                ozbase = idxv * KPAD + koff
                for t in range(16):
                    ozidx = jnp.full((16,), 0, I32) + ozbase[t] + lanes
                    ozv = plsc.load_gather(oztf_v, [ozidx])
                    inter = sxyv[t] * ozv
                    u = (gvolv + bvv[t]) - inter
                    iou = inter / jnp.maximum(u, F32(0.1))
                    upd = iou > bv
                    bv = jnp.where(upd, iou, bv)
                    bi = jnp.where(upd, idxv[t], bi)
                return bv, bi

            init = (jnp.full((16,), -1.0, F32),
                    jnp.zeros((16,), I32))
            bv, bi = lax.fori_loop(0, nch, c_body, init)

            oxg2 = plsc.load_gather(oxf_v, [irow + bi])
            oyg2 = plsc.load_gather(oyf_v, [jrow + bi])
            ozg2 = plsc.load_gather(oztf_v, [bi * KPAD + koff + lanes])
            bint = (oxg2 * oyg2) * ozg2

            ok = (bint > thresh) & (insv > 0.5)
            sinv = plsc.load_gather(sin_v, [bi])
            cosv = plsc.load_gather(cos_v, [bi])
            cs = jnp.where(ok, sinv, zero)
            cc = jnp.where(ok, cosv, zero)
            ridx = q * 64 + kvec * 2
            plsc.store_scatter(res_v, [ridx], cs, mask=inb)
            plsc.store_scatter(res_v, [ridx + 1], cc, mask=inb)
            return carry2

        lax.fori_loop(0, nkg, kg_body, 0)

        pltpu.async_copy(res_v.at[pl.ds(q * 64, 64)],
                         out_hbm.at[pl.ds((i * 1024 + j * 32) * 2, 64)], dsem)
        return carry

    lax.fori_loop(0, CUBE, q_body, 0)

    def drain_body(q, carry):
        pltpu.make_async_copy(
            res_v.at[pl.ds(0, 64)],
            out_hbm.at[pl.ds(0, 64)], dsem).wait()
        return carry

    lax.fori_loop(0, CUBE, drain_body, 0)


def kernel(corners3d, neck_voxel_sizes):
    corners3d = corners3d.astype(F32)
    cx = corners3d[:, :, 0].T
    cy = corners3d[:, :, 1].T
    cz = corners3d[:, :, 2].T
    czt = corners3d[:, :, 2]
    vox = jnp.broadcast_to(neck_voxel_sizes.astype(F32).reshape(3, 1), (3, 128))
    vox = jnp.concatenate([vox, jnp.zeros((5, 128), F32)], axis=0)

    ox, oy, ozt, aux = pl.pallas_call(
        _tables_body,
        out_shape=[
            jax.ShapeDtypeStruct((CUBE, NBOX), F32),
            jax.ShapeDtypeStruct((CUBE, NBOX), F32),
            jax.ShapeDtypeStruct((NBOX, KPAD), F32),
            jax.ShapeDtypeStruct((8, NBOX), F32),
        ],
    )(cx, cy, cz, czt, vox)

    mesh = plsc.VectorSubcoreMesh(core_axis_name="c", subcore_axis_name="s",
                                  num_cores=2, num_subcores=16)
    sweep = functools.partial(
        pl.kernel,
        out_type=jax.ShapeDtypeStruct((G * 2,), F32),
        mesh=mesh,
        compiler_params=pltpu.CompilerParams(
            use_tc_tiling_on_sc=False, needs_layout_passes=False),
        scratch_types=[
            pltpu.VMEM((CUBE * NBOX,), F32),
            pltpu.VMEM((CUBE * NBOX,), F32),
            pltpu.VMEM((NBOX * KPAD,), F32),
            pltpu.VMEM((NBOX,), F32),
            pltpu.VMEM((NBOX,), F32),
            pltpu.VMEM((NBOX,), F32),
            pltpu.VMEM((CUBE,), F32),
            pltpu.VMEM((CUBE,), F32),
            pltpu.VMEM((KPAD,), F32),
            pltpu.VMEM((KPAD,), F32),
            pltpu.VMEM((16,), F32),
            pltpu.VMEM((NBOX + 16,), I32),
            pltpu.VMEM((2048,), F32),
            pltpu.SemaphoreType.DMA,
        ],
    )(_sweep_body)
    return sweep(ox.reshape(-1), oy.reshape(-1), ozt.reshape(-1),
                 aux).reshape(G, 2)

# --- scband reference (transcript-rebuilt; emitter-appended) ---
"""Pipeline reference for scband-box3d-encoder-75453985456565 (READ-ONLY COPY).

The authoritative reference and input builder live on the scoring server;
editing this copy changes nothing except your own understanding.
"""

import jax, jax.numpy as jnp
import numpy as np

CUBE = 32
LOW = -(CUBE // 2)


def setup_inputs(seed: int = 0) -> dict:
    key = jax.random.key(seed)
    k1, k2 = jax.random.split(key)
    corners3d = jax.random.normal(k1, (256, 8, 3), dtype=jnp.float32)
    # voxel sizes must be strictly positive; uniform in [0.1, 1.0)
    neck_voxel_sizes = jax.random.uniform(k2, (1, 3), dtype=jnp.float32, minval=0.1, maxval=1.0)
    return {"corners3d": corners3d, "neck_voxel_sizes": neck_voxel_sizes}


def _box3d_encode(corners3d, neck_voxel_sizes):
    # Build dense ijk grid, equivalent of fvdb.gridbatch_from_dense ijk enumeration
    coords = jnp.arange(LOW, LOW + CUBE, dtype=jnp.float32)
    ii, jj, kk = jnp.meshgrid(coords, coords, coords, indexing='ij')
    ijk = jnp.stack([ii.ravel(), jj.ravel(), kk.ravel()], axis=-1)  # [G,3]
    vox = neck_voxel_sizes[0]  # [3]
    vox_vol = jnp.prod(vox)
    offsets = jnp.array([[0, 0, 0], [1, 0, 0], [1, 1, 0], [0, 1, 0],
                         [0, 0, 1], [1, 0, 1], [1, 1, 1], [0, 1, 1]], dtype=jnp.float32)
    dense_grid_corners = (ijk[:, None, :] + offsets[None, :, :]) * vox  # [G,8,3]

    corners3d = corners3d.astype(jnp.float32)
    heading_bev = jnp.arctan2(corners3d[:, 0, 1] - corners3d[:, 3, 1],
                              corners3d[:, 0, 0] - corners3d[:, 3, 0])
    heading_bev_enc = jnp.stack([jnp.sin(heading_bev), jnp.cos(heading_bev)], axis=-1)  # [N,2]

    max_height = jnp.max(corners3d[:, :, 2])
    min_height = jnp.min(corners3d[:, :, 2])
    z = dense_grid_corners[:, :, 2]
    outside = jnp.all(z > max_height, axis=1) | jnp.all(z < min_height, axis=1)
    inside = ~outside  # [G]

    # box3d_overlap replaced by axis-aligned bounding-box overlap
    # (grid cells are axis-aligned cubes; boxes reduced to their AABB)
    gmin = jnp.min(dense_grid_corners, axis=1)  # [G,3]
    gmax = jnp.max(dense_grid_corners, axis=1)  # [G,3]
    bmin = jnp.min(corners3d, axis=1)  # [N,3]
    bmax = jnp.max(corners3d, axis=1)  # [N,3]
    overlap = jnp.clip(jnp.minimum(gmax[:, None, :], bmax[None, :, :]) -
                       jnp.maximum(gmin[:, None, :], bmin[None, :, :]), 0.0, None)
    intersection_vol = jnp.prod(overlap, axis=-1)  # [G,N]
    gvol = jnp.prod(gmax - gmin, axis=-1)  # [G]
    bvol = jnp.prod(bmax - bmin, axis=-1)  # [N]
    union = gvol[:, None] + bvol[None, :] - intersection_vol
    iou_3d = intersection_vol / jnp.maximum(union, 0.1)  # eps=0.1 analog

    # zero out rows that were never computed (outside in height)
    intersection_vol = jnp.where(inside[:, None], intersection_vol, 0.0)
    iou_3d = jnp.where(inside[:, None], iou_3d, 0.0)

    max_iou_corner_idx = jnp.argmax(iou_3d, axis=1)  # [G]
    gathered_vol = jnp.take_along_axis(intersection_vol, max_iou_corner_idx[:, None], axis=1)[:, 0]
    mask = gathered_vol > 0.5 * vox_vol  # [G]
    cond = jnp.where(mask[:, None], heading_bev_enc[max_iou_corner_idx], 0.0)  # [G,2]
    return cond


def reference(corners3d, neck_voxel_sizes):
    return _box3d_encode(corners3d, neck_voxel_sizes)

if __name__ == "__main__":
    import jax
    _d = setup_inputs()
    print(jax.jit(kernel)(*tuple(_d.values())))

</pallas_src>

<mosaic_0001>
#map = affine_map<(d0, d1) -> (0)>
#map1 = affine_map<(d0, d1) -> (0, 0)>
module attributes {stable_mosaic.version = 14 : i64} {
  func.func @_sweep_body(%arg0: i32, %arg1: i32, %arg2: memref<8192xf32, #tpu.memory_space<hbm>>, %arg3: memref<8192xf32, #tpu.memory_space<hbm>>, %arg4: memref<12288xf32, #tpu.memory_space<hbm>>, %arg5: memref<8x256xf32, #tpu.memory_space<hbm>>, %arg6: memref<65536xf32, #tpu.memory_space<hbm>>, %arg7: memref<8192xf32, #tpu.memory_space<vmem>>, %arg8: memref<8192xf32, #tpu.memory_space<vmem>>, %arg9: memref<12288xf32, #tpu.memory_space<vmem>>, %arg10: memref<256xf32, #tpu.memory_space<vmem>>, %arg11: memref<256xf32, #tpu.memory_space<vmem>>, %arg12: memref<256xf32, #tpu.memory_space<vmem>>, %arg13: memref<32xf32, #tpu.memory_space<vmem>>, %arg14: memref<32xf32, #tpu.memory_space<vmem>>, %arg15: memref<48xf32, #tpu.memory_space<vmem>>, %arg16: memref<48xf32, #tpu.memory_space<vmem>>, %arg17: memref<16xf32, #tpu.memory_space<vmem>>, %arg18: memref<272xi32, #tpu.memory_space<vmem>>, %arg19: memref<2048xf32, #tpu.memory_space<vmem>>, %arg20: memref<!tpu.dma_semaphore, #tpu.memory_space<semaphore_mem>>) attributes {dimension_semantics = [#tpu.dimension_semantics<core_parallel>, #tpu.dimension_semantics<subcore_parallel>], iteration_bounds = array<i64: 2, 16>, scalar_prefetch = 0 : i64, scratch_operands = 14 : i64, tpu.core_type = #tpu.core_type<sc_vector_subcore>, window_params = [{transform_indices = #map}, {transform_indices = #map}, {transform_indices = #map}, {transform_indices = #map1}, {transform_indices = #map}]} {
    %mul3A = arith.constant 2 : i32
    %mul3A_0 = arith.muli %arg1, %mul3A : i32
    %add3A = arith.addi %mul3A_0, %arg0 : i32
    "tpu.region"() ({
      %run_scoped3A_26 = tpu.sem_alloc : memref<!tpu.dma_semaphore, #tpu.memory_space<semaphore_mem>>
      tpu.enqueue_dma source(%arg2 : memref<8192xf32, #tpu.memory_space<hbm>>) target(%arg7 : memref<8192xf32, #tpu.memory_space<vmem>>) target_semaphore(%run_scoped3A_26 : memref<!tpu.dma_semaphore, #tpu.memory_space<semaphore_mem>>)
      tpu.wait_dma2 semaphore(%run_scoped3A_26 : memref<!tpu.dma_semaphore, #tpu.memory_space<semaphore_mem>>) src(%arg2 : memref<8192xf32, #tpu.memory_space<hbm>>) dst(%arg7 : memref<8192xf32, #tpu.memory_space<vmem>>)
      tpu.yield
    }) : () -> ()
    "tpu.region"() ({
      %run_scoped3A_26 = tpu.sem_alloc : memref<!tpu.dma_semaphore, #tpu.memory_space<semaphore_mem>>
      tpu.enqueue_dma source(%arg3 : memref<8192xf32, #tpu.memory_space<hbm>>) target(%arg8 : memref<8192xf32, #tpu.memory_space<vmem>>) target_semaphore(%run_scoped3A_26 : memref<!tpu.dma_semaphore, #tpu.memory_space<semaphore_mem>>)
      tpu.wait_dma2 semaphore(%run_scoped3A_26 : memref<!tpu.dma_semaphore, #tpu.memory_space<semaphore_mem>>) src(%arg3 : memref<8192xf32, #tpu.memory_space<hbm>>) dst(%arg8 : memref<8192xf32, #tpu.memory_space<vmem>>)
      tpu.yield
    }) : () -> ()
    "tpu.region"() ({
      %run_scoped3A_26 = tpu.sem_alloc : memref<!tpu.dma_semaphore, #tpu.memory_space<semaphore_mem>>
      tpu.enqueue_dma source(%arg4 : memref<12288xf32, #tpu.memory_space<hbm>>) target(%arg9 : memref<12288xf32, #tpu.memory_space<vmem>>) target_semaphore(%run_scoped3A_26 : memref<!tpu.dma_semaphore, #tpu.memory_space<semaphore_mem>>)
      tpu.wait_dma2 semaphore(%run_scoped3A_26 : memref<!tpu.dma_semaphore, #tpu.memory_space<semaphore_mem>>) src(%arg4 : memref<12288xf32, #tpu.memory_space<hbm>>) dst(%arg9 : memref<12288xf32, #tpu.memory_space<vmem>>)
      tpu.yield
    }) : () -> ()
    %run_scoped3A = arith.constant 0 : i32
    "tpu.region"() ({
      %run_scoped3A_26 = tpu.sem_alloc : memref<!tpu.dma_semaphore, #tpu.memory_space<semaphore_mem>>
      %dma_start3A = arith.constant 0 : i32
      %dma_start3A_27 = tpu.memref_slice %arg5[%run_scoped3A, %dma_start3A] : memref<8x256xf32, #tpu.memory_space<hbm>> -> memref<1x256xf32, #tpu.memory_space<hbm>>
      %dma_start3A_28 = tpu.memref_squeeze %dma_start3A_27 : memref<1x256xf32, #tpu.memory_space<hbm>> -> memref<256xf32, #tpu.memory_space<hbm>>
      %dma_start3A_29 = arith.constant 0 : i32
      %dma_start3A_30 = tpu.memref_slice %arg5[%run_scoped3A, %dma_start3A_29] : memref<8x256xf32, #tpu.memory_space<hbm>> -> memref<1x256xf32, #tpu.memory_space<hbm>>
      %dma_start3A_31 = tpu.memref_squeeze %dma_start3A_30 : memref<1x256xf32, #tpu.memory_space<hbm>> -> memref<256xf32, #tpu.memory_space<hbm>>
      tpu.enqueue_dma source(%dma_start3A_31 : memref<256xf32, #tpu.memory_space<hbm>>) target(%arg10 : memref<256xf32, #tpu.memory_space<vmem>>) target_semaphore(%run_scoped3A_26 : memref<!tpu.dma_semaphore, #tpu.memory_space<semaphore_mem>>)
      %dma_wait3A = arith.constant 0 : i32
      %dma_wait3A_32 = tpu.memref_slice %arg5[%run_scoped3A, %dma_wait3A] : memref<8x256xf32, #tpu.memory_space<hbm>> -> memref<1x256xf32, #tpu.memory_space<hbm>>
      %dma_wait3A_33 = tpu.memref_squeeze %dma_wait3A_32 : memref<1x256xf32, #tpu.memory_space<hbm>> -> memref<256xf32, #tpu.memory_space<hbm>>
      %dma_wait3A_34 = arith.constant 0 : i32
      %dma_wait3A_35 = tpu.memref_slice %arg5[%run_scoped3A, %dma_wait3A_34] : memref<8x256xf32, #tpu.memory_space<hbm>> -> memref<1x256xf32, #tpu.memory_space<hbm>>
      %dma_wait3A_36 = tpu.memref_squeeze %dma_wait3A_35 : memref<1x256xf32, #tpu.memory_space<hbm>> -> memref<256xf32, #tpu.memory_space<hbm>>
      tpu.wait_dma2 semaphore(%run_scoped3A_26 : memref<!tpu.dma_semaphore, #tpu.memory_space<semaphore_mem>>) src(%dma_wait3A_36 : memref<256xf32, #tpu.memory_space<hbm>>) dst(%arg10 : memref<256xf32, #tpu.memory_space<vmem>>)
      tpu.yield
    }) : () -> ()
    %run_scoped3A_1 = arith.constant 1 : i32
    "tpu.region"() ({
      %run_scoped3A_26 = tpu.sem_alloc : memref<!tpu.dma_semaphore, #tpu.memory_space<semaphore_mem>>
      %dma_start3A = arith.constant 0 : i32
      %dma_start3A_27 = tpu.memref_slice %arg5[%run_scoped3A_1, %dma_start3A] : memref<8x256xf32, #tpu.memory_space<hbm>> -> memref<1x256xf32, #tpu.memory_space<hbm>>
      %dma_start3A_28 = tpu.memref_squeeze %dma_start3A_27 : memref<1x256xf32, #tpu.memory_space<hbm>> -> memref<256xf32, #tpu.memory_space<hbm>>
      %dma_start3A_29 = arith.constant 0 : i32
      %dma_start3A_30 = tpu.memref_slice %arg5[%run_scoped3A_1, %dma_start3A_29] : memref<8x256xf32, #tpu.memory_space<hbm>> -> memref<1x256xf32, #tpu.memory_space<hbm>>
      %dma_start3A_31 = tpu.memref_squeeze %dma_start3A_30 : memref<1x256xf32, #tpu.memory_space<hbm>> -> memref<256xf32, #tpu.memory_space<hbm>>
      tpu.enqueue_dma source(%dma_start3A_31 : memref<256xf32, #tpu.memory_space<hbm>>) target(%arg11 : memref<256xf32, #tpu.memory_space<vmem>>) target_semaphore(%run_scoped3A_26 : memref<!tpu.dma_semaphore, #tpu.memory_space<semaphore_mem>>)
      %dma_wait3A = arith.constant 0 : i32
      %dma_wait3A_32 = tpu.memref_slice %arg5[%run_scoped3A_1, %dma_wait3A] : memref<8x256xf32, #tpu.memory_space<hbm>> -> memref<1x256xf32, #tpu.memory_space<hbm>>
      %dma_wait3A_33 = tpu.memref_squeeze %dma_wait3A_32 : memref<1x256xf32, #tpu.memory_space<hbm>> -> memref<256xf32, #tpu.memory_space<hbm>>
      %dma_wait3A_34 = arith.constant 0 : i32
      %dma_wait3A_35 = tpu.memref_slice %arg5[%run_scoped3A_1, %dma_wait3A_34] : memref<8x256xf32, #tpu.memory_space<hbm>> -> memref<1x256xf32, #tpu.memory_space<hbm>>
      %dma_wait3A_36 = tpu.memref_squeeze %dma_wait3A_35 : memref<1x256xf32, #tpu.memory_space<hbm>> -> memref<256xf32, #tpu.memory_space<hbm>>
      tpu.wait_dma2 semaphore(%run_scoped3A_26 : memref<!tpu.dma_semaphore, #tpu.memory_space<semaphore_mem>>) src(%dma_wait3A_36 : memref<256xf32, #tpu.memory_space<hbm>>) dst(%arg11 : memref<256xf32, #tpu.memory_space<vmem>>)
      tpu.yield
    }) : () -> ()
    %run_scoped3A_2 = arith.constant 2 : i32
    "tpu.region"() ({
      %run_scoped3A_26 = tpu.sem_alloc : memref<!tpu.dma_semaphore, #tpu.memory_space<semaphore_mem>>
      %dma_start3A = arith.constant 0 : i32
      %dma_start3A_27 = tpu.memref_slice %arg5[%run_scoped3A_2, %dma_start3A] : memref<8x256xf32, #tpu.memory_space<hbm>> -> memref<1x256xf32, #tpu.memory_space<hbm>>
      %dma_start3A_28 = tpu.memref_squeeze %dma_start3A_27 : memref<1x256xf32, #tpu.memory_space<hbm>> -> memref<256xf32, #tpu.memory_space<hbm>>
      %dma_start3A_29 = arith.constant 0 : i32
      %dma_start3A_30 = tpu.memref_slice %arg5[%run_scoped3A_2, %dma_start3A_29] : memref<8x256xf32, #tpu.memory_space<hbm>> -> memref<1x256xf32, #tpu.memory_space<hbm>>
      %dma_start3A_31 = tpu.memref_squeeze %dma_start3A_30 : memref<1x256xf32, #tpu.memory_space<hbm>> -> memref<256xf32, #tpu.memory_space<hbm>>
      tpu.enqueue_dma source(%dma_start3A_31 : memref<256xf32, #tpu.memory_space<hbm>>) target(%arg12 : memref<256xf32, #tpu.memory_space<vmem>>) target_semaphore(%run_scoped3A_26 : memref<!tpu.dma_semaphore, #tpu.memory_space<semaphore_mem>>)
      %dma_wait3A = arith.constant 0 : i32
      %dma_wait3A_32 = tpu.memref_slice %arg5[%run_scoped3A_2, %dma_wait3A] : memref<8x256xf32, #tpu.memory_space<hbm>> -> memref<1x256xf32, #tpu.memory_space<hbm>>
      %dma_wait3A_33 = tpu.memref_squeeze %dma_wait3A_32 : memref<1x256xf32, #tpu.memory_space<hbm>> -> memref<256xf32, #tpu.memory_space<hbm>>
      %dma_wait3A_34 = arith.constant 0 : i32
      %dma_wait3A_35 = tpu.memref_slice %arg5[%run_scoped3A_2, %dma_wait3A_34] : memref<8x256xf32, #tpu.memory_space<hbm>> -> memref<1x256xf32, #tpu.memory_space<hbm>>
      %dma_wait3A_36 = tpu.memref_squeeze %dma_wait3A_35 : memref<1x256xf32, #tpu.memory_space<hbm>> -> memref<256xf32, #tpu.memory_space<hbm>>
      tpu.wait_dma2 semaphore(%run_scoped3A_26 : memref<!tpu.dma_semaphore, #tpu.memory_space<semaphore_mem>>) src(%dma_wait3A_36 : memref<256xf32, #tpu.memory_space<hbm>>) dst(%arg12 : memref<256xf32, #tpu.memory_space<vmem>>)
      tpu.yield
    }) : () -> ()
    %run_scoped3A_3 = arith.constant 3 : i32
    "tpu.region"() ({
      %run_scoped3A_26 = tpu.sem_alloc : memref<!tpu.dma_semaphore, #tpu.memory_space<semaphore_mem>>
      %dma_start3A = arith.constant 0 : i32
      %dma_start3A_27 = tpu.memref_slice %arg5[%run_scoped3A_3, %dma_start3A] : memref<8x256xf32, #tpu.memory_space<hbm>> -> memref<1x32xf32, #tpu.memory_space<hbm>>
      %dma_start3A_28 = tpu.memref_squeeze %dma_start3A_27 : memref<1x32xf32, #tpu.memory_space<hbm>> -> memref<32xf32, #tpu.memory_space<hbm>>
      %dma_start3A_29 = arith.constant 0 : i32
      %dma_start3A_30 = tpu.memref_slice %arg5[%run_scoped3A_3, %dma_start3A_29] : memref<8x256xf32, #tpu.memory_space<hbm>> -> memref<1x32xf32, #tpu.memory_space<hbm>>
      %dma_start3A_31 = tpu.memref_squeeze %dma_start3A_30 : memref<1x32xf32, #tpu.memory_space<hbm>> -> memref<32xf32, #tpu.memory_space<hbm>>
      tpu.enqueue_dma source(%dma_start3A_31 : memref<32xf32, #tpu.memory_space<hbm>>) target(%arg13 : memref<32xf32, #tpu.memory_space<vmem>>) target_semaphore(%run_scoped3A_26 : memref<!tpu.dma_semaphore, #tpu.memory_space<semaphore_mem>>)
      %dma_wait3A = arith.constant 0 : i32
      %dma_wait3A_32 = tpu.memref_slice %arg5[%run_scoped3A_3, %dma_wait3A] : memref<8x256xf32, #tpu.memory_space<hbm>> -> memref<1x32xf32, #tpu.memory_space<hbm>>
      %dma_wait3A_33 = tpu.memref_squeeze %dma_wait3A_32 : memref<1x32xf32, #tpu.memory_space<hbm>> -> memref<32xf32, #tpu.memory_space<hbm>>
      %dma_wait3A_34 = arith.constant 0 : i32
      %dma_wait3A_35 = tpu.memref_slice %arg5[%run_scoped3A_3, %dma_wait3A_34] : memref<8x256xf32, #tpu.memory_space<hbm>> -> memref<1x32xf32, #tpu.memory_space<hbm>>
      %dma_wait3A_36 = tpu.memref_squeeze %dma_wait3A_35 : memref<1x32xf32, #tpu.memory_space<hbm>> -> memref<32xf32, #tpu.memory_space<hbm>>
      tpu.wait_dma2 semaphore(%run_scoped3A_26 : memref<!tpu.dma_semaphore, #tpu.memory_space<semaphore_mem>>) src(%dma_wait3A_36 : memref<32xf32, #tpu.memory_space<hbm>>) dst(%arg13 : memref<32xf32, #tpu.memory_space<vmem>>)
      tpu.yield
    }) : () -> ()
    %run_scoped3A_4 = arith.constant 4 : i32
    "tpu.region"() ({
      %run_scoped3A_26 = tpu.sem_alloc : memref<!tpu.dma_semaphore, #tpu.memory_space<semaphore_mem>>
      %dma_start3A = arith.constant 0 : i32
      %dma_start3A_27 = tpu.memref_slice %arg5[%run_scoped3A_4, %dma_start3A] : memref<8x256xf32, #tpu.memory_space<hbm>> -> memref<1x32xf32, #tpu.memory_space<hbm>>
      %dma_start3A_28 = tpu.memref_squeeze %dma_start3A_27 : memref<1x32xf32, #tpu.memory_space<hbm>> -> memref<32xf32, #tpu.memory_space<hbm>>
      %dma_start3A_29 = arith.constant 0 : i32
      %dma_start3A_30 = tpu.memref_slice %arg5[%run_scoped3A_4, %dma_start3A_29] : memref<8x256xf32, #tpu.memory_space<hbm>> -> memref<1x32xf32, #tpu.memory_space<hbm>>
      %dma_start3A_31 = tpu.memref_squeeze %dma_start3A_30 : memref<1x32xf32, #tpu.memory_space<hbm>> -> memref<32xf32, #tpu.memory_space<hbm>>
      tpu.enqueue_dma source(%dma_start3A_31 : memref<32xf32, #tpu.memory_space<hbm>>) target(%arg14 : memref<32xf32, #tpu.memory_space<vmem>>) target_semaphore(%run_scoped3A_26 : memref<!tpu.dma_semaphore, #tpu.memory_space<semaphore_mem>>)
      %dma_wait3A = arith.constant 0 : i32
      %dma_wait3A_32 = tpu.memref_slice %arg5[%run_scoped3A_4, %dma_wait3A] : memref<8x256xf32, #tpu.memory_space<hbm>> -> memref<1x32xf32, #tpu.memory_space<hbm>>
      %dma_wait3A_33 = tpu.memref_squeeze %dma_wait3A_32 : memref<1x32xf32, #tpu.memory_space<hbm>> -> memref<32xf32, #tpu.memory_space<hbm>>
      %dma_wait3A_34 = arith.constant 0 : i32
      %dma_wait3A_35 = tpu.memref_slice %arg5[%run_scoped3A_4, %dma_wait3A_34] : memref<8x256xf32, #tpu.memory_space<hbm>> -> memref<1x32xf32, #tpu.memory_space<hbm>>
      %dma_wait3A_36 = tpu.memref_squeeze %dma_wait3A_35 : memref<1x32xf32, #tpu.memory_space<hbm>> -> memref<32xf32, #tpu.memory_space<hbm>>
      tpu.wait_dma2 semaphore(%run_scoped3A_26 : memref<!tpu.dma_semaphore, #tpu.memory_space<semaphore_mem>>) src(%dma_wait3A_36 : memref<32xf32, #tpu.memory_space<hbm>>) dst(%arg14 : memref<32xf32, #tpu.memory_space<vmem>>)
      tpu.yield
    }) : () -> ()
    %run_scoped3A_5 = arith.constant 5 : i32
    "tpu.region"() ({
      %run_scoped3A_26 = tpu.sem_alloc : memref<!tpu.dma_semaphore, #tpu.memory_space<semaphore_mem>>
      %dma_start3A = arith.constant 0 : i32
      %dma_start3A_27 = tpu.memref_slice %arg5[%run_scoped3A_5, %dma_start3A] : memref<8x256xf32, #tpu.memory_space<hbm>> -> memref<1x48xf32, #tpu.memory_space<hbm>>
      %dma_start3A_28 = tpu.memref_squeeze %dma_start3A_27 : memref<1x48xf32, #tpu.memory_space<hbm>> -> memref<48xf32, #tpu.memory_space<hbm>>
      %dma_start3A_29 = arith.constant 0 : i32
      %dma_start3A_30 = tpu.memref_slice %arg5[%run_scoped3A_5, %dma_start3A_29] : memref<8x256xf32, #tpu.memory_space<hbm>> -> memref<1x48xf32, #tpu.memory_space<hbm>>
      %dma_start3A_31 = tpu.memref_squeeze %dma_start3A_30 : memref<1x48xf32, #tpu.memory_space<hbm>> -> memref<48xf32, #tpu.memory_space<hbm>>
      tpu.enqueue_dma source(%dma_start3A_31 : memref<48xf32, #tpu.memory_space<hbm>>) target(%arg15 : memref<48xf32, #tpu.memory_space<vmem>>) target_semaphore(%run_scoped3A_26 : memref<!tpu.dma_semaphore, #tpu.memory_space<semaphore_mem>>)
      %dma_wait3A = arith.constant 0 : i32
      %dma_wait3A_32 = tpu.memref_slice %arg5[%run_scoped3A_5, %dma_wait3A] : memref<8x256xf32, #tpu.memory_space<hbm>> -> memref<1x48xf32, #tpu.memory_space<hbm>>
      %dma_wait3A_33 = tpu.memref_squeeze %dma_wait3A_32 : memref<1x48xf32, #tpu.memory_space<hbm>> -> memref<48xf32, #tpu.memory_space<hbm>>
      %dma_wait3A_34 = arith.constant 0 : i32
      %dma_wait3A_35 = tpu.memref_slice %arg5[%run_scoped3A_5, %dma_wait3A_34] : memref<8x256xf32, #tpu.memory_space<hbm>> -> memref<1x48xf32, #tpu.memory_space<hbm>>
      %dma_wait3A_36 = tpu.memref_squeeze %dma_wait3A_35 : memref<1x48xf32, #tpu.memory_space<hbm>> -> memref<48xf32, #tpu.memory_space<hbm>>
      tpu.wait_dma2 semaphore(%run_scoped3A_26 : memref<!tpu.dma_semaphore, #tpu.memory_space<semaphore_mem>>) src(%dma_wait3A_36 : memref<48xf32, #tpu.memory_space<hbm>>) dst(%arg15 : memref<48xf32, #tpu.memory_space<vmem>>)
      tpu.yield
    }) : () -> ()
    %run_scoped3A_6 = arith.constant 6 : i32
    "tpu.region"() ({
      %run_scoped3A_26 = tpu.sem_alloc : memref<!tpu.dma_semaphore, #tpu.memory_space<semaphore_mem>>
      %dma_start3A = arith.constant 0 : i32
      %dma_start3A_27 = tpu.memref_slice %arg5[%run_scoped3A_6, %dma_start3A] : memref<8x256xf32, #tpu.memory_space<hbm>> -> memref<1x48xf32, #tpu.memory_space<hbm>>
      %dma_start3A_28 = tpu.memref_squeeze %dma_start3A_27 : memref<1x48xf32, #tpu.memory_space<hbm>> -> memref<48xf32, #tpu.memory_space<hbm>>
      %dma_start3A_29 = arith.constant 0 : i32
      %dma_start3A_30 = tpu.memref_slice %arg5[%run_scoped3A_6, %dma_start3A_29] : memref<8x256xf32, #tpu.memory_space<hbm>> -> memref<1x48xf32, #tpu.memory_space<hbm>>
      %dma_start3A_31 = tpu.memref_squeeze %dma_start3A_30 : memref<1x48xf32, #tpu.memory_space<hbm>> -> memref<48xf32, #tpu.memory_space<hbm>>
      tpu.enqueue_dma source(%dma_start3A_31 : memref<48xf32, #tpu.memory_space<hbm>>) target(%arg16 : memref<48xf32, #tpu.memory_space<vmem>>) target_semaphore(%run_scoped3A_26 : memref<!tpu.dma_semaphore, #tpu.memory_space<semaphore_mem>>)
      %dma_wait3A = arith.constant 0 : i32
      %dma_wait3A_32 = tpu.memref_slice %arg5[%run_scoped3A_6, %dma_wait3A] : memref<8x256xf32, #tpu.memory_space<hbm>> -> memref<1x48xf32, #tpu.memory_space<hbm>>
      %dma_wait3A_33 = tpu.memref_squeeze %dma_wait3A_32 : memref<1x48xf32, #tpu.memory_space<hbm>> -> memref<48xf32, #tpu.memory_space<hbm>>
      %dma_wait3A_34 = arith.constant 0 : i32
      %dma_wait3A_35 = tpu.memref_slice %arg5[%run_scoped3A_6, %dma_wait3A_34] : memref<8x256xf32, #tpu.memory_space<hbm>> -> memref<1x48xf32, #tpu.memory_space<hbm>>
      %dma_wait3A_36 = tpu.memref_squeeze %dma_wait3A_35 : memref<1x48xf32, #tpu.memory_space<hbm>> -> memref<48xf32, #tpu.memory_space<hbm>>
      tpu.wait_dma2 semaphore(%run_scoped3A_26 : memref<!tpu.dma_semaphore, #tpu.memory_space<semaphore_mem>>) src(%dma_wait3A_36 : memref<48xf32, #tpu.memory_space<hbm>>) dst(%arg16 : memref<48xf32, #tpu.memory_space<vmem>>)
      tpu.yield
    }) : () -> ()
    %run_scoped3A_7 = arith.constant 7 : i32
    "tpu.region"() ({
      %run_scoped3A_26 = tpu.sem_alloc : memref<!tpu.dma_semaphore, #tpu.memory_space<semaphore_mem>>
      %dma_start3A = arith.constant 0 : i32
      %dma_start3A_27 = tpu.memref_slice %arg5[%run_scoped3A_7, %dma_start3A] : memref<8x256xf32, #tpu.memory_space<hbm>> -> memref<1x16xf32, #tpu.memory_space<hbm>>
      %dma_start3A_28 = tpu.memref_squeeze %dma_start3A_27 : memref<1x16xf32, #tpu.memory_space<hbm>> -> memref<16xf32, #tpu.memory_space<hbm>>
      %dma_start3A_29 = arith.constant 0 : i32
      %dma_start3A_30 = tpu.memref_slice %arg5[%run_scoped3A_7, %dma_start3A_29] : memref<8x256xf32, #tpu.memory_space<hbm>> -> memref<1x16xf32, #tpu.memory_space<hbm>>
      %dma_start3A_31 = tpu.memref_squeeze %dma_start3A_30 : memref<1x16xf32, #tpu.memory_space<hbm>> -> memref<16xf32, #tpu.memory_space<hbm>>
      tpu.enqueue_dma source(%dma_start3A_31 : memref<16xf32, #tpu.memory_space<hbm>>) target(%arg17 : memref<16xf32, #tpu.memory_space<vmem>>) target_semaphore(%run_scoped3A_26 : memref<!tpu.dma_semaphore, #tpu.memory_space<semaphore_mem>>)
      %dma_wait3A = arith.constant 0 : i32
      %dma_wait3A_32 = tpu.memref_slice %arg5[%run_scoped3A_7, %dma_wait3A] : memref<8x256xf32, #tpu.memory_space<hbm>> -> memref<1x16xf32, #tpu.memory_space<hbm>>
      %dma_wait3A_33 = tpu.memref_squeeze %dma_wait3A_32 : memref<1x16xf32, #tpu.memory_space<hbm>> -> memref<16xf32, #tpu.memory_space<hbm>>
      %dma_wait3A_34 = arith.constant 0 : i32
      %dma_wait3A_35 = tpu.memref_slice %arg5[%run_scoped3A_7, %dma_wait3A_34] : memref<8x256xf32, #tpu.memory_space<hbm>> -> memref<1x16xf32, #tpu.memory_space<hbm>>
      %dma_wait3A_36 = tpu.memref_squeeze %dma_wait3A_35 : memref<1x16xf32, #tpu.memory_space<hbm>> -> memref<16xf32, #tpu.memory_space<hbm>>
      tpu.wait_dma2 semaphore(%run_scoped3A_26 : memref<!tpu.dma_semaphore, #tpu.memory_space<semaphore_mem>>) src(%dma_wait3A_36 : memref<16xf32, #tpu.memory_space<hbm>>) dst(%arg17 : memref<16xf32, #tpu.memory_space<vmem>>)
      tpu.yield
    }) : () -> ()
    %iota3A = tpu.iota {dimensions = array<i32: 0>} : vector<16xi32>
    %get3A = arith.constant 0 : index
    %get3A_8 = tpu.vector_load %arg17[%get3A] {strides = array<i32>} : memref<16xf32, #tpu.memory_space<vmem>>, vector<16xf32>,
    %slice3A = vector.extract_strided_slice %get3A_8 {offsets = [0], sizes = [1], strides = [1]} : vector<16xf32> to vector<1xf32>
    %squeeze3A = vector.extract %slice3A[0] : f32 from vector<1xf32>
    %slice3A_9 = vector.extract_strided_slice %get3A_8 {offsets = [1], sizes = [1], strides = [1]} : vector<16xf32> to vector<1xf32>
    %squeeze3A_10 = vector.extract %slice3A_9[0] : f32 from vector<1xf32>
    %convert_element_type3A = arith.fptosi %squeeze3A_10 : f32 to i32
    %slice3A_11 = vector.extract_strided_slice %get3A_8 {offsets = [2], sizes = [1], strides = [1]} : vector<16xf32> to vector<1xf32>
    %squeeze3A_12 = vector.extract %slice3A_11[0] : f32 from vector<1xf32>
    %convert_element_type3A_13 = arith.fptosi %squeeze3A_12 : f32 to i32
    %broadcast_in_dim3A = arith.constant 0.000000e+00 : f32
    %broadcast_in_dim3A_14 = vector.broadcast %broadcast_in_dim3A : f32 to vector<16xf32>
    %scan3A = arith.constant 0 : i32
    %scan3A_15 = arith.constant 0 : i32
    %scan3A_16 = arith.constant 32 : i32
    %scan3A_17 = arith.addi %scan3A_15, %scan3A_16 : i32
    %scan3A_18 = arith.constant 1 : i32
    scf.for %scan3A_26 = %scan3A_15 to %scan3A_17 step %scan3A_18  : i32 {
      %add3A_27 = arith.addi %add3A, %scan3A_26 : i32
      %ge3A = arith.constant 32 : i32
      %ge3A_28 = arith.cmpi sge, %add3A_27, %ge3A : i32
      %convert_element_type3A_29 = arith.extui %ge3A_28 : i1 to i32
      %mul3A_30 = arith.constant 32 : i32
      %mul3A_31 = arith.muli %mul3A_30, %convert_element_type3A_29 : i32
      %sub3A = arith.subi %add3A_27, %mul3A_31 : i32
      %broadcast_in_dim3A_32 = arith.constant 0 : i32
      %broadcast_in_dim3A_33 = vector.broadcast %broadcast_in_dim3A_32 : i32 to vector<16xi32>
      %add3A_34 = vector.broadcast %sub3A : i32 to vector<16xi32>
      %add3A_35 = arith.addi %broadcast_in_dim3A_33, %add3A_34 : vector<16xi32>
      %broadcast_in_dim3A_36 = arith.constant 0 : i32
      %broadcast_in_dim3A_37 = vector.broadcast %broadcast_in_dim3A_36 : i32 to vector<16xi32>
      %add3A_38 = vector.broadcast %scan3A_26 : i32 to vector<16xi32>
      %add3A_39 = arith.addi %broadcast_in_dim3A_37, %add3A_38 : vector<16xi32>
      %gather3A = tpu.vector_load_idx %arg13[%add3A_35] : memref<32xf32, #tpu.memory_space<vmem>>[vector<16xi32>], vector<16xf32>,
      %gather3A_40 = tpu.vector_load_idx %arg14[%add3A_39] : memref<32xf32, #tpu.memory_space<vmem>>[vector<16xi32>], vector<16xf32>,
      %mul3A_41 = arith.mulf %gather3A, %gather3A_40 : vector<16xf32>
      %mul3A_42 = arith.constant 256 : i32
      %mul3A_43 = arith.muli %sub3A, %mul3A_42 : i32
      %mul3A_44 = arith.constant 256 : i32
      %mul3A_45 = arith.muli %scan3A_26, %mul3A_44 : i32
      %mul3A_46 = arith.constant 64 : i32
      %mul3A_47 = arith.muli %scan3A_26, %mul3A_46 : i32
      %add3A_48 = arith.constant 0 : i32
      %add3A_49 = arith.addi %mul3A_47, %add3A_48 : i32
      %swap3A = arith.index_cast %add3A_49 : i32 to index
      %swap3A_50 = tpu.vector_load %arg19[%swap3A] {strides = array<i32>} : memref<2048xf32, #tpu.memory_space<vmem>>, vector<16xf32>,
      tpu.vector_store %arg19[%swap3A], %broadcast_in_dim3A_14 {strides = array<i32>} : memref<2048xf32, #tpu.memory_space<vmem>>, vector<16xf32>,
      %mul3A_51 = arith.constant 64 : i32
      %mul3A_52 = arith.muli %scan3A_26, %mul3A_51 : i32
      %add3A_53 = arith.constant 16 : i32
      %add3A_54 = arith.addi %mul3A_52, %add3A_53 : i32
      %swap3A_55 = arith.index_cast %add3A_54 : i32 to index
      %swap3A_56 = tpu.vector_load %arg19[%swap3A_55] {strides = array<i32>} : memref<2048xf32, #tpu.memory_space<vmem>>, vector<16xf32>,
      tpu.vector_store %arg19[%swap3A_55], %broadcast_in_dim3A_14 {strides = array<i32>} : memref<2048xf32, #tpu.memory_space<vmem>>, vector<16xf32>,
      %mul3A_57 = arith.constant 64 : i32
      %mul3A_58 = arith.muli %scan3A_26, %mul3A_57 : i32
      %add3A_59 = arith.constant 32 : i32
      %add3A_60 = arith.addi %mul3A_58, %add3A_59 : i32
      %swap3A_61 = arith.index_cast %add3A_60 : i32 to index
      %swap3A_62 = tpu.vector_load %arg19[%swap3A_61] {strides = array<i32>} : memref<2048xf32, #tpu.memory_space<vmem>>, vector<16xf32>,
      tpu.vector_store %arg19[%swap3A_61], %broadcast_in_dim3A_14 {strides = array<i32>} : memref<2048xf32, #tpu.memory_space<vmem>>, vector<16xf32>,
      %mul3A_63 = arith.constant 64 : i32
      %mul3A_64 = arith.muli %scan3A_26, %mul3A_63 : i32
      %add3A_65 = arith.constant 48 : i32
      %add3A_66 = arith.addi %mul3A_64, %add3A_65 : i32
      %swap3A_67 = arith.index_cast %add3A_66 : i32 to index
      %swap3A_68 = tpu.vector_load %arg19[%swap3A_67] {strides = array<i32>} : memref<2048xf32, #tpu.memory_space<vmem>>, vector<16xf32>,
      tpu.vector_store %arg19[%swap3A_67], %broadcast_in_dim3A_14 {strides = array<i32>} : memref<2048xf32, #tpu.memory_space<vmem>>, vector<16xf32>,
      %add3A_69 = arith.constant 0 : i32
      %add3A_70 = arith.addi %mul3A_43, %add3A_69 : i32
      %get3A_71 = arith.index_cast %add3A_70 : i32 to index
      %get3A_72 = tpu.vector_load %arg7[%get3A_71] {strides = array<i32>} : memref<8192xf32, #tpu.memory_space<vmem>>, vector<16xf32>,
      %add3A_73 = arith.constant 0 : i32
      %add3A_74 = arith.addi %mul3A_45, %add3A_73 : i32
      %get3A_75 = arith.index_cast %add3A_74 : i32 to index
      %get3A_76 = tpu.vector_load %arg8[%get3A_75] {strides = array<i32>} : memref<8192xf32, #tpu.memory_space<vmem>>, vector<16xf32>,
      %mul3A_77 = arith.mulf %get3A_72, %get3A_76 : vector<16xf32>
      %gt3A = arith.constant 0.000000e+00 : f32
      %gt3A_78 = vector.broadcast %gt3A : f32 to vector<16xf32>
      %gt3A_79 = arith.cmpf ogt, %mul3A_77, %gt3A_78 : vector<16xf32>
      %add3A_80 = arith.constant 0 : i32
      %add3A_81 = vector.broadcast %add3A_80 : i32 to vector<16xi32>
      %add3A_82 = arith.addi %add3A_81, %iota3A : vector<16xi32>
      %swap3A_83 = arith.constant 0 : i32
      %swap3A_84 = arith.index_cast %swap3A_83 : i32 to index
      %swap3A_85 = tpu.vector_load %arg18[%swap3A_84] masked %gt3A_79 {strides = array<i32>} : memref<272xi32, #tpu.memory_space<vmem>>, vector<16xi32>, vector<16xi1>
      tpu.vector_store %arg18[%swap3A_84], %add3A_82 masked %gt3A_79 {strides = array<i32>} : memref<272xi32, #tpu.memory_space<vmem>>, vector<16xi32>, vector<16xi1>
      %all_reduce_population_count3A = tpu.all_reduce %gt3A_79 {dim = 0 : i64, kind = #tpu.reduction_kind<sum>} : vector<16xi1> -> vector<16xi32>
      %slice3A_86 = vector.extract_strided_slice %all_reduce_population_count3A {offsets = [0], sizes = [1], strides = [1]} : vector<16xi32> to vector<1xi32>
      %squeeze3A_87 = vector.extract %slice3A_86[0] : i32 from vector<1xi32>
      %add3A_88 = arith.constant 0 : i32
      %add3A_89 = arith.addi %add3A_88, %squeeze3A_87 : i32
      %add3A_90 = arith.constant 16 : i32
      %add3A_91 = arith.addi %mul3A_43, %add3A_90 : i32
      %get3A_92 = arith.index_cast %add3A_91 : i32 to index
      %get3A_93 = tpu.vector_load %arg7[%get3A_92] {strides = array<i32>} : memref<8192xf32, #tpu.memory_space<vmem>>, vector<16xf32>,
      %add3A_94 = arith.constant 16 : i32
      %add3A_95 = arith.addi %mul3A_45, %add3A_94 : i32
      %get3A_96 = arith.index_cast %add3A_95 : i32 to index
      %get3A_97 = tpu.vector_load %arg8[%get3A_96] {strides = array<i32>} : memref<8192xf32, #tpu.memory_space<vmem>>, vector<16xf32>,
      %mul3A_98 = arith.mulf %get3A_93, %get3A_97 : vector<16xf32>
      %gt3A_99 = arith.constant 0.000000e+00 : f32
      %gt3A_100 = vector.broadcast %gt3A_99 : f32 to vector<16xf32>
      %gt3A_101 = arith.cmpf ogt, %mul3A_98, %gt3A_100 : vector<16xf32>
      %add3A_102 = arith.constant 16 : i32
      %add3A_103 = vector.broadcast %add3A_102 : i32 to vector<16xi32>
      %add3A_104 = arith.addi %add3A_103, %iota3A : vector<16xi32>
      %swap3A_105 = arith.index_cast %add3A_89 : i32 to index
      %swap3A_106 = tpu.vector_load %arg18[%swap3A_105] masked %gt3A_101 {strides = array<i32>} : memref<272xi32, #tpu.memory_space<vmem>>, vector<16xi32>, vector<16xi1>
      tpu.vector_store %arg18[%swap3A_105], %add3A_104 masked %gt3A_101 {strides = array<i32>} : memref<272xi32, #tpu.memory_space<vmem>>, vector<16xi32>, vector<16xi1>
      %all_reduce_population_count3A_107 = tpu.all_reduce %gt3A_101 {dim = 0 : i64, kind = #tpu.reduction_kind<sum>} : vector<16xi1> -> vector<16xi32>
      %slice3A_108 = vector.extract_strided_slice %all_reduce_population_count3A_107 {offsets = [0], sizes = [1], strides = [1]} : vector<16xi32> to vector<1xi32>
      %squeeze3A_109 = vector.extract %slice3A_108[0] : i32 from vector<1xi32>
      %add3A_110 = arith.addi %add3A_89, %squeeze3A_109 : i32
      %add3A_111 = arith.constant 32 : i32
      %add3A_112 = arith.addi %mul3A_43, %add3A_111 : i32
      %get3A_113 = arith.index_cast %add3A_112 : i32 to index
      %get3A_114 = tpu.vector_load %arg7[%get3A_113] {strides = array<i32>} : memref<8192xf32, #tpu.memory_space<vmem>>, vector<16xf32>,
      %add3A_115 = arith.constant 32 : i32
      %add3A_116 = arith.addi %mul3A_45, %add3A_115 : i32
      %get3A_117 = arith.index_cast %add3A_116 : i32 to index
      %get3A_118 = tpu.vector_load %arg8[%get3A_117] {strides = array<i32>} : memref<8192xf32, #tpu.memory_space<vmem>>, vector<16xf32>,
      %mul3A_119 = arith.mulf %get3A_114, %get3A_118 : vector<16xf32>
      %gt3A_120 = arith.constant 0.000000e+00 : f32
      %gt3A_121 = vector.broadcast %gt3A_120 : f32 to vector<16xf32>
      %gt3A_122 = arith.cmpf ogt, %mul3A_119, %gt3A_121 : vector<16xf32>
      %add3A_123 = arith.constant 32 : i32
      %add3A_124 = vector.broadcast %add3A_123 : i32 to vector<16xi32>
      %add3A_125 = arith.addi %add3A_124, %iota3A : vector<16xi32>
      %swap3A_126 = arith.index_cast %add3A_110 : i32 to index
      %swap3A_127 = tpu.vector_load %arg18[%swap3A_126] masked %gt3A_122 {strides = array<i32>} : memref<272xi32, #tpu.memory_space<vmem>>, vector<16xi32>, vector<16xi1>
      tpu.vector_store %arg18[%swap3A_126], %add3A_125 masked %gt3A_122 {strides = array<i32>} : memref<272xi32, #tpu.memory_space<vmem>>, vector<16xi32>, vector<16xi1>
      %all_reduce_population_count3A_128 = tpu.all_reduce %gt3A_122 {dim = 0 : i64, kind = #tpu.reduction_kind<sum>} : vector<16xi1> -> vector<16xi32>
      %slice3A_129 = vector.extract_strided_slice %all_reduce_population_count3A_128 {offsets = [0], sizes = [1], strides = [1]} : vector<16xi32> to vector<1xi32>
      %squeeze3A_130 = vector.extract %slice3A_129[0] : i32 from vector<1xi32>
      %add3A_131 = arith.addi %add3A_110, %squeeze3A_130 : i32
      %add3A_132 = arith.constant 48 : i32
      %add3A_133 = arith.addi %mul3A_43, %add3A_132 : i32
      %get3A_134 = arith.index_cast %add3A_133 : i32 to index
      %get3A_135 = tpu.vector_load %arg7[%get3A_134] {strides = array<i32>} : memref<8192xf32, #tpu.memory_space<vmem>>, vector<16xf32>,
      %add3A_136 = arith.constant 48 : i32
      %add3A_137 = arith.addi %mul3A_45, %add3A_136 : i32
      %get3A_138 = arith.index_cast %add3A_137 : i32 to index
      %get3A_139 = tpu.vector_load %arg8[%get3A_138] {strides = array<i32>} : memref<8192xf32, #tpu.memory_space<vmem>>, vector<16xf32>,
      %mul3A_140 = arith.mulf %get3A_135, %get3A_139 : vector<16xf32>
      %gt3A_141 = arith.constant 0.000000e+00 : f32
      %gt3A_142 = vector.broadcast %gt3A_141 : f32 to vector<16xf32>
      %gt3A_143 = arith.cmpf ogt, %mul3A_140, %gt3A_142 : vector<16xf32>
      %add3A_144 = arith.constant 48 : i32
      %add3A_145 = vector.broadcast %add3A_144 : i32 to vector<16xi32>
      %add3A_146 = arith.addi %add3A_145, %iota3A : vector<16xi32>
      %swap3A_147 = arith.index_cast %add3A_131 : i32 to index
      %swap3A_148 = tpu.vector_load %arg18[%swap3A_147] masked %gt3A_143 {strides = array<i32>} : memref<272xi32, #tpu.memory_space<vmem>>, vector<16xi32>, vector<16xi1>
      tpu.vector_store %arg18[%swap3A_147], %add3A_146 masked %gt3A_143 {strides = array<i32>} : memref<272xi32, #tpu.memory_space<vmem>>, vector<16xi32>, vector<16xi1>
      %all_reduce_population_count3A_149 = tpu.all_reduce %gt3A_143 {dim = 0 : i64, kind = #tpu.reduction_kind<sum>} : vector<16xi1> -> vector<16xi32>
      %slice3A_150 = vector.extract_strided_slice %all_reduce_population_count3A_149 {offsets = [0], sizes = [1], strides = [1]} : vector<16xi32> to vector<1xi32>
      %squeeze3A_151 = vector.extract %slice3A_150[0] : i32 from vector<1xi32>
      %add3A_152 = arith.addi %add3A_131, %squeeze3A_151 : i32
      %add3A_153 = arith.constant 64 : i32
      %add3A_154 = arith.addi %mul3A_43, %add3A_153 : i32
      %get3A_155 = arith.index_cast %add3A_154 : i32 to index
      %get3A_156 = tpu.vector_load %arg7[%get3A_155] {strides = array<i32>} : memref<8192xf32, #tpu.memory_space<vmem>>, vector<16xf32>,
      %add3A_157 = arith.constant 64 : i32
      %add3A_158 = arith.addi %mul3A_45, %add3A_157 : i32
      %get3A_159 = arith.index_cast %add3A_158 : i32 to index
      %get3A_160 = tpu.vector_load %arg8[%get3A_159] {strides = array<i32>} : memref<8192xf32, #tpu.memory_space<vmem>>, vector<16xf32>,
      %mul3A_161 = arith.mulf %get3A_156, %get3A_160 : vector<16xf32>
      %gt3A_162 = arith.constant 0.000000e+00 : f32
      %gt3A_163 = vector.broadcast %gt3A_162 : f32 to vector<16xf32>
      %gt3A_164 = arith.cmpf ogt, %mul3A_161, %gt3A_163 : vector<16xf32>
      %add3A_165 = arith.constant 64 : i32
      %add3A_166 = vector.broadcast %add3A_165 : i32 to vector<16xi32>
      %add3A_167 = arith.addi %add3A_166, %iota3A : vector<16xi32>
      %swap3A_168 = arith.index_cast %add3A_152 : i32 to index
      %swap3A_169 = tpu.vector_load %arg18[%swap3A_168] masked %gt3A_164 {strides = array<i32>} : memref<272xi32, #tpu.memory_space<vmem>>, vector<16xi32>, vector<16xi1>
      tpu.vector_store %arg18[%swap3A_168], %add3A_167 masked %gt3A_164 {strides = array<i32>} : memref<272xi32, #tpu.memory_space<vmem>>, vector<16xi32>, vector<16xi1>
      %all_reduce_population_count3A_170 = tpu.all_reduce %gt3A_164 {dim = 0 : i64, kind = #tpu.reduction_kind<sum>} : vector<16xi1> -> vector<16xi32>
      %slice3A_171 = vector.extract_strided_slice %all_reduce_population_count3A_170 {offsets = [0], sizes = [1], strides = [1]} : vector<16xi32> to vector<1xi32>
      %squeeze3A_172 = vector.extract %slice3A_171[0] : i32 from vector<1xi32>
      %add3A_173 = arith.addi %add3A_152, %squeeze3A_172 : i32
      %add3A_174 = arith.constant 80 : i32
      %add3A_175 = arith.addi %mul3A_43, %add3A_174 : i32
      %get3A_176 = arith.index_cast %add3A_175 : i32 to index
      %get3A_177 = tpu.vector_load %arg7[%get3A_176] {strides = array<i32>} : memref<8192xf32, #tpu.memory_space<vmem>>, vector<16xf32>,
      %add3A_178 = arith.constant 80 : i32
      %add3A_179 = arith.addi %mul3A_45, %add3A_178 : i32
      %get3A_180 = arith.index_cast %add3A_179 : i32 to index
      %get3A_181 = tpu.vector_load %arg8[%get3A_180] {strides = array<i32>} : memref<8192xf32, #tpu.memory_space<vmem>>, vector<16xf32>,
      %mul3A_182 = arith.mulf %get3A_177, %get3A_181 : vector<16xf32>
      %gt3A_183 = arith.constant 0.000000e+00 : f32
      %gt3A_184 = vector.broadcast %gt3A_183 : f32 to vector<16xf32>
      %gt3A_185 = arith.cmpf ogt, %mul3A_182, %gt3A_184 : vector<16xf32>
      %add3A_186 = arith.constant 80 : i32
      %add3A_187 = vector.broadcast %add3A_186 : i32 to vector<16xi32>
      %add3A_188 = arith.addi %add3A_187, %iota3A : vector<16xi32>
      %swap3A_189 = arith.index_cast %add3A_173 : i32 to index
      %swap3A_190 = tpu.vector_load %arg18[%swap3A_189] masked %gt3A_185 {strides = array<i32>} : memref<272xi32, #tpu.memory_space<vmem>>, vector<16xi32>, vector<16xi1>
      tpu.vector_store %arg18[%swap3A_189], %add3A_188 masked %gt3A_185 {strides = array<i32>} : memref<272xi32, #tpu.memory_space<vmem>>, vector<16xi32>, vector<16xi1>
      %all_reduce_population_count3A_191 = tpu.all_reduce %gt3A_185 {dim = 0 : i64, kind = #tpu.reduction_kind<sum>} : vector<16xi1> -> vector<16xi32>
      %slice3A_192 = vector.extract_strided_slice %all_reduce_population_count3A_191 {offsets = [0], sizes = [1], strides = [1]} : vector<16xi32> to vector<1xi32>
      %squeeze3A_193 = vector.extract %slice3A_192[0] : i32 from vector<1xi32>
      %add3A_194 = arith.addi %add3A_173, %squeeze3A_193 : i32
      %add3A_195 = arith.constant 96 : i32
      %add3A_196 = arith.addi %mul3A_43, %add3A_195 : i32
      %get3A_197 = arith.index_cast %add3A_196 : i32 to index
      %get3A_198 = tpu.vector_load %arg7[%get3A_197] {strides = array<i32>} : memref<8192xf32, #tpu.memory_space<vmem>>, vector<16xf32>,
      %add3A_199 = arith.constant 96 : i32
      %add3A_200 = arith.addi %mul3A_45, %add3A_199 : i32
      %get3A_201 = arith.index_cast %add3A_200 : i32 to index
      %get3A_202 = tpu.vector_load %arg8[%get3A_201] {strides = array<i32>} : memref<8192xf32, #tpu.memory_space<vmem>>, vector<16xf32>,
      %mul3A_203 = arith.mulf %get3A_198, %get3A_202 : vector<16xf32>
      %gt3A_204 = arith.constant 0.000000e+00 : f32
      %gt3A_205 = vector.broadcast %gt3A_204 : f32 to vector<16xf32>
      %gt3A_206 = arith.cmpf ogt, %mul3A_203, %gt3A_205 : vector<16xf32>
      %add3A_207 = arith.constant 96 : i32
      %add3A_208 = vector.broadcast %add3A_207 : i32 to vector<16xi32>
      %add3A_209 = arith.addi %add3A_208, %iota3A : vector<16xi32>
      %swap3A_210 = arith.index_cast %add3A_194 : i32 to index
      %swap3A_211 = tpu.vector_load %arg18[%swap3A_210] masked %gt3A_206 {strides = array<i32>} : memref<272xi32, #tpu.memory_space<vmem>>, vector<16xi32>, vector<16xi1>
      tpu.vector_store %arg18[%swap3A_210], %add3A_209 masked %gt3A_206 {strides = array<i32>} : memref<272xi32, #tpu.memory_space<vmem>>, vector<16xi32>, vector<16xi1>
      %all_reduce_population_count3A_212 = tpu.all_reduce %gt3A_206 {dim = 0 : i64, kind = #tpu.reduction_kind<sum>} : vector<16xi1> -> vector<16xi32>
      %slice3A_213 = vector.extract_strided_slice %all_reduce_population_count3A_212 {offsets = [0], sizes = [1], strides = [1]} : vector<16xi32> to vector<1xi32>
      %squeeze3A_214 = vector.extract %slice3A_213[0] : i32 from vector<1xi32>
      %add3A_215 = arith.addi %add3A_194, %squeeze3A_214 : i32
      %add3A_216 = arith.constant 112 : i32
      %add3A_217 = arith.addi %mul3A_43, %add3A_216 : i32
      %get3A_218 = arith.index_cast %add3A_217 : i32 to index
      %get3A_219 = tpu.vector_load %arg7[%get3A_218] {strides = array<i32>} : memref<8192xf32, #tpu.memory_space<vmem>>, vector<16xf32>,
      %add3A_220 = arith.constant 112 : i32
      %add3A_221 = arith.addi %mul3A_45, %add3A_220 : i32
      %get3A_222 = arith.index_cast %add3A_221 : i32 to index
      %get3A_223 = tpu.vector_load %arg8[%get3A_222] {strides = array<i32>} : memref<8192xf32, #tpu.memory_space<vmem>>, vector<16xf32>,
      %mul3A_224 = arith.mulf %get3A_219, %get3A_223 : vector<16xf32>
      %gt3A_225 = arith.constant 0.000000e+00 : f32
      %gt3A_226 = vector.broadcast %gt3A_225 : f32 to vector<16xf32>
      %gt3A_227 = arith.cmpf ogt, %mul3A_224, %gt3A_226 : vector<16xf32>
      %add3A_228 = arith.constant 112 : i32
      %add3A_229 = vector.broadcast %add3A_228 : i32 to vector<16xi32>
      %add3A_230 = arith.addi %add3A_229, %iota3A : vector<16xi32>
      %swap3A_231 = arith.index_cast %add3A_215 : i32 to index
      %swap3A_232 = tpu.vector_load %arg18[%swap3A_231] masked %gt3A_227 {strides = array<i32>} : memref<272xi32, #tpu.memory_space<vmem>>, vector<16xi32>, vector<16xi1>
      tpu.vector_store %arg18[%swap3A_231], %add3A_230 masked %gt3A_227 {strides = array<i32>} : memref<272xi32, #tpu.memory_space<vmem>>, vector<16xi32>, vector<16xi1>
      %all_reduce_population_count3A_233 = tpu.all_reduce %gt3A_227 {dim = 0 : i64, kind = #tpu.reduction_kind<sum>} : vector<16xi1> -> vector<16xi32>
      %slice3A_234 = vector.extract_strided_slice %all_reduce_population_count3A_233 {offsets = [0], sizes = [1], strides = [1]} : vector<16xi32> to vector<1xi32>
      %squeeze3A_235 = vector.extract %slice3A_234[0] : i32 from vector<1xi32>
      %add3A_236 = arith.addi %add3A_215, %squeeze3A_235 : i32
      %add3A_237 = arith.constant 128 : i32
      %add3A_238 = arith.addi %mul3A_43, %add3A_237 : i32
      %get3A_239 = arith.index_cast %add3A_238 : i32 to index
      %get3A_240 = tpu.vector_load %arg7[%get3A_239] {strides = array<i32>} : memref<8192xf32, #tpu.memory_space<vmem>>, vector<16xf32>,
      %add3A_241 = arith.constant 128 : i32
      %add3A_242 = arith.addi %mul3A_45, %add3A_241 : i32
      %get3A_243 = arith.index_cast %add3A_242 : i32 to index
      %get3A_244 = tpu.vector_load %arg8[%get3A_243] {strides = array<i32>} : memref<8192xf32, #tpu.memory_space<vmem>>, vector<16xf32>,
      %mul3A_245 = arith.mulf %get3A_240, %get3A_244 : vector<16xf32>
      %gt3A_246 = arith.constant 0.000000e+00 : f32
      %gt3A_247 = vector.broadcast %gt3A_246 : f32 to vector<16xf32>
      %gt3A_248 = arith.cmpf ogt, %mul3A_245, %gt3A_247 : vector<16xf32>
      %add3A_249 = arith.constant 128 : i32
      %add3A_250 = vector.broadcast %add3A_249 : i32 to vector<16xi32>
      %add3A_251 = arith.addi %add3A_250, %iota3A : vector<16xi32>
      %swap3A_252 = arith.index_cast %add3A_236 : i32 to index
      %swap3A_253 = tpu.vector_load %arg18[%swap3A_252] masked %gt3A_248 {strides = array<i32>} : memref<272xi32, #tpu.memory_space<vmem>>, vector<16xi32>, vector<16xi1>
      tpu.vector_store %arg18[%swap3A_252], %add3A_251 masked %gt3A_248 {strides = array<i32>} : memref<272xi32, #tpu.memory_space<vmem>>, vector<16xi32>, vector<16xi1>
      %all_reduce_population_count3A_254 = tpu.all_reduce %gt3A_248 {dim = 0 : i64, kind = #tpu.reduction_kind<sum>} : vector<16xi1> -> vector<16xi32>
      %slice3A_255 = vector.extract_strided_slice %all_reduce_population_count3A_254 {offsets = [0], sizes = [1], strides = [1]} : vector<16xi32> to vector<1xi32>
      %squeeze3A_256 = vector.extract %slice3A_255[0] : i32 from vector<1xi32>
      %add3A_257 = arith.addi %add3A_236, %squeeze3A_256 : i32
      %add3A_258 = arith.constant 144 : i32
      %add3A_259 = arith.addi %mul3A_43, %add3A_258 : i32
      %get3A_260 = arith.index_cast %add3A_259 : i32 to index
      %get3A_261 = tpu.vector_load %arg7[%get3A_260] {strides = array<i32>} : memref<8192xf32, #tpu.memory_space<vmem>>, vector<16xf32>,
      %add3A_262 = arith.constant 144 : i32
      %add3A_263 = arith.addi %mul3A_45, %add3A_262 : i32
      %get3A_264 = arith.index_cast %add3A_263 : i32 to index
      %get3A_265 = tpu.vector_load %arg8[%get3A_264] {strides = array<i32>} : memref<8192xf32, #tpu.memory_space<vmem>>, vector<16xf32>,
      %mul3A_266 = arith.mulf %get3A_261, %get3A_265 : vector<16xf32>
      %gt3A_267 = arith.constant 0.000000e+00 : f32
      %gt3A_268 = vector.broadcast %gt3A_267 : f32 to vector<16xf32>
      %gt3A_269 = arith.cmpf ogt, %mul3A_266, %gt3A_268 : vector<16xf32>
      %add3A_270 = arith.constant 144 : i32
      %add3A_271 = vector.broadcast %add3A_270 : i32 to vector<16xi32>
      %add3A_272 = arith.addi %add3A_271, %iota3A : vector<16xi32>
      %swap3A_273 = arith.index_cast %add3A_257 : i32 to index
      %swap3A_274 = tpu.vector_load %arg18[%swap3A_273] masked %gt3A_269 {strides = array<i32>} : memref<272xi32, #tpu.memory_space<vmem>>, vector<16xi32>, vector<16xi1>
      tpu.vector_store %arg18[%swap3A_273], %add3A_272 masked %gt3A_269 {strides = array<i32>} : memref<272xi32, #tpu.memory_space<vmem>>, vector<16xi32>, vector<16xi1>
      %all_reduce_population_count3A_275 = tpu.all_reduce %gt3A_269 {dim = 0 : i64, kind = #tpu.reduction_kind<sum>} : vector<16xi1> -> vector<16xi32>
      %slice3A_276 = vector.extract_strided_slice %all_reduce_population_count3A_275 {offsets = [0], sizes = [1], strides = [1]} : vector<16xi32> to vector<1xi32>
      %squeeze3A_277 = vector.extract %slice3A_276[0] : i32 from vector<1xi32>
      %add3A_278 = arith.addi %add3A_257, %squeeze3A_277 : i32
      %add3A_279 = arith.constant 160 : i32
      %add3A_280 = arith.addi %mul3A_43, %add3A_279 : i32
      %get3A_281 = arith.index_cast %add3A_280 : i32 to index
      %get3A_282 = tpu.vector_load %arg7[%get3A_281] {strides = array<i32>} : memref<8192xf32, #tpu.memory_space<vmem>>, vector<16xf32>,
      %add3A_283 = arith.constant 160 : i32
      %add3A_284 = arith.addi %mul3A_45, %add3A_283 : i32
      %get3A_285 = arith.index_cast %add3A_284 : i32 to index
      %get3A_286 = tpu.vector_load %arg8[%get3A_285] {strides = array<i32>} : memref<8192xf32, #tpu.memory_space<vmem>>, vector<16xf32>,
      %mul3A_287 = arith.mulf %get3A_282, %get3A_286 : vector<16xf32>
      %gt3A_288 = arith.constant 0.000000e+00 : f32
      %gt3A_289 = vector.broadcast %gt3A_288 : f32 to vector<16xf32>
      %gt3A_290 = arith.cmpf ogt, %mul3A_287, %gt3A_289 : vector<16xf32>
      %add3A_291 = arith.constant 160 : i32
      %add3A_292 = vector.broadcast %add3A_291 : i32 to vector<16xi32>
      %add3A_293 = arith.addi %add3A_292, %iota3A : vector<16xi32>
      %swap3A_294 = arith.index_cast %add3A_278 : i32 to index
      %swap3A_295 = tpu.vector_load %arg18[%swap3A_294] masked %gt3A_290 {strides = array<i32>} : memref<272xi32, #tpu.memory_space<vmem>>, vector<16xi32>, vector<16xi1>
      tpu.vector_store %arg18[%swap3A_294], %add3A_293 masked %gt3A_290 {strides = array<i32>} : memref<272xi32, #tpu.memory_space<vmem>>, vector<16xi32>, vector<16xi1>
      %all_reduce_population_count3A_296 = tpu.all_reduce %gt3A_290 {dim = 0 : i64, kind = #tpu.reduction_kind<sum>} : vector<16xi1> -> vector<16xi32>
      %slice3A_297 = vector.extract_strided_slice %all_reduce_population_count3A_296 {offsets = [0], sizes = [1], strides = [1]} : vector<16xi32> to vector<1xi32>
      %squeeze3A_298 = vector.extract %slice3A_297[0] : i32 from vector<1xi32>
      %add3A_299 = arith.addi %add3A_278, %squeeze3A_298 : i32
      %add3A_300 = arith.constant 176 : i32
      %add3A_301 = arith.addi %mul3A_43, %add3A_300 : i32
      %get3A_302 = arith.index_cast %add3A_301 : i32 to index
      %get3A_303 = tpu.vector_load %arg7[%get3A_302] {strides = array<i32>} : memref<8192xf32, #tpu.memory_space<vmem>>, vector<16xf32>,
      %add3A_304 = arith.constant 176 : i32
      %add3A_305 = arith.addi %mul3A_45, %add3A_304 : i32
      %get3A_306 = arith.index_cast %add3A_305 : i32 to index
      %get3A_307 = tpu.vector_load %arg8[%get3A_306] {strides = array<i32>} : memref<8192xf32, #tpu.memory_space<vmem>>, vector<16xf32>,
      %mul3A_308 = arith.mulf %get3A_303, %get3A_307 : vector<16xf32>
      %gt3A_309 = arith.constant 0.000000e+00 : f32
      %gt3A_310 = vector.broadcast %gt3A_309 : f32 to vector<16xf32>
      %gt3A_311 = arith.cmpf ogt, %mul3A_308, %gt3A_310 : vector<16xf32>
      %add3A_312 = arith.constant 176 : i32
      %add3A_313 = vector.broadcast %add3A_312 : i32 to vector<16xi32>
      %add3A_314 = arith.addi %add3A_313, %iota3A : vector<16xi32>
      %swap3A_315 = arith.index_cast %add3A_299 : i32 to index
      %swap3A_316 = tpu.vector_load %arg18[%swap3A_315] masked %gt3A_311 {strides = array<i32>} : memref<272xi32, #tpu.memory_space<vmem>>, vector<16xi32>, vector<16xi1>
      tpu.vector_store %arg18[%swap3A_315], %add3A_314 masked %gt3A_311 {strides = array<i32>} : memref<272xi32, #tpu.memory_space<vmem>>, vector<16xi32>, vector<16xi1>
      %all_reduce_population_count3A_317 = tpu.all_reduce %gt3A_311 {dim = 0 : i64, kind = #tpu.reduction_kind<sum>} : vector<16xi1> -> vector<16xi32>
      %slice3A_318 = vector.extract_strided_slice %all_reduce_population_count3A_317 {offsets = [0], sizes = [1], strides = [1]} : vector<16xi32> to vector<1xi32>
      %squeeze3A_319 = vector.extract %slice3A_318[0] : i32 from vector<1xi32>
      %add3A_320 = arith.addi %add3A_299, %squeeze3A_319 : i32
      %add3A_321 = arith.constant 192 : i32
      %add3A_322 = arith.addi %mul3A_43, %add3A_321 : i32
      %get3A_323 = arith.index_cast %add3A_322 : i32 to index
      %get3A_324 = tpu.vector_load %arg7[%get3A_323] {strides = array<i32>} : memref<8192xf32, #tpu.memory_space<vmem>>, vector<16xf32>,
      %add3A_325 = arith.constant 192 : i32
      %add3A_326 = arith.addi %mul3A_45, %add3A_325 : i32
      %get3A_327 = arith.index_cast %add3A_326 : i32 to index
      %get3A_328 = tpu.vector_load %arg8[%get3A_327] {strides = array<i32>} : memref<8192xf32, #tpu.memory_space<vmem>>, vector<16xf32>,
      %mul3A_329 = arith.mulf %get3A_324, %get3A_328 : vector<16xf32>
      %gt3A_330 = arith.constant 0.000000e+00 : f32
      %gt3A_331 = vector.broadcast %gt3A_330 : f32 to vector<16xf32>
      %gt3A_332 = arith.cmpf ogt, %mul3A_329, %gt3A_331 : vector<16xf32>
      %add3A_333 = arith.constant 192 : i32
      %add3A_334 = vector.broadcast %add3A_333 : i32 to vector<16xi32>
      %add3A_335 = arith.addi %add3A_334, %iota3A : vector<16xi32>
      %swap3A_336 = arith.index_cast %add3A_320 : i32 to index
      %swap3A_337 = tpu.vector_load %arg18[%swap3A_336] masked %gt3A_332 {strides = array<i32>} : memref<272xi32, #tpu.memory_space<vmem>>, vector<16xi32>, vector<16xi1>
      tpu.vector_store %arg18[%swap3A_336], %add3A_335 masked %gt3A_332 {strides = array<i32>} : memref<272xi32, #tpu.memory_space<vmem>>, vector<16xi32>, vector<16xi1>
      %all_reduce_population_count3A_338 = tpu.all_reduce %gt3A_332 {dim = 0 : i64, kind = #tpu.reduction_kind<sum>} : vector<16xi1> -> vector<16xi32>
      %slice3A_339 = vector.extract_strided_slice %all_reduce_population_count3A_338 {offsets = [0], sizes = [1], strides = [1]} : vector<16xi32> to vector<1xi32>
      %squeeze3A_340 = vector.extract %slice3A_339[0] : i32 from vector<1xi32>
      %add3A_341 = arith.addi %add3A_320, %squeeze3A_340 : i32
      %add3A_342 = arith.constant 208 : i32
      %add3A_343 = arith.addi %mul3A_43, %add3A_342 : i32
      %get3A_344 = arith.index_cast %add3A_343 : i32 to index
      %get3A_345 = tpu.vector_load %arg7[%get3A_344] {strides = array<i32>} : memref<8192xf32, #tpu.memory_space<vmem>>, vector<16xf32>,
      %add3A_346 = arith.constant 208 : i32
      %add3A_347 = arith.addi %mul3A_45, %add3A_346 : i32
      %get3A_348 = arith.index_cast %add3A_347 : i32 to index
      %get3A_349 = tpu.vector_load %arg8[%get3A_348] {strides = array<i32>} : memref<8192xf32, #tpu.memory_space<vmem>>, vector<16xf32>,
      %mul3A_350 = arith.mulf %get3A_345, %get3A_349 : vector<16xf32>
      %gt3A_351 = arith.constant 0.000000e+00 : f32
      %gt3A_352 = vector.broadcast %gt3A_351 : f32 to vector<16xf32>
      %gt3A_353 = arith.cmpf ogt, %mul3A_350, %gt3A_352 : vector<16xf32>
      %add3A_354 = arith.constant 208 : i32
      %add3A_355 = vector.broadcast %add3A_354 : i32 to vector<16xi32>
      %add3A_356 = arith.addi %add3A_355, %iota3A : vector<16xi32>
      %swap3A_357 = arith.index_cast %add3A_341 : i32 to index
      %swap3A_358 = tpu.vector_load %arg18[%swap3A_357] masked %gt3A_353 {strides = array<i32>} : memref<272xi32, #tpu.memory_space<vmem>>, vector<16xi32>, vector<16xi1>
      tpu.vector_store %arg18[%swap3A_357], %add3A_356 masked %gt3A_353 {strides = array<i32>} : memref<272xi32, #tpu.memory_space<vmem>>, vector<16xi32>, vector<16xi1>
      %all_reduce_population_count3A_359 = tpu.all_reduce %gt3A_353 {dim = 0 : i64, kind = #tpu.reduction_kind<sum>} : vector<16xi1> -> vector<16xi32>
      %slice3A_360 = vector.extract_strided_slice %all_reduce_population_count3A_359 {offsets = [0], sizes = [1], strides = [1]} : vector<16xi32> to vector<1xi32>
      %squeeze3A_361 = vector.extract %slice3A_360[0] : i32 from vector<1xi32>
      %add3A_362 = arith.addi %add3A_341, %squeeze3A_361 : i32
      %add3A_363 = arith.constant 224 : i32
      %add3A_364 = arith.addi %mul3A_43, %add3A_363 : i32
      %get3A_365 = arith.index_cast %add3A_364 : i32 to index
      %get3A_366 = tpu.vector_load %arg7[%get3A_365] {strides = array<i32>} : memref<8192xf32, #tpu.memory_space<vmem>>, vector<16xf32>,
      %add3A_367 = arith.constant 224 : i32
      %add3A_368 = arith.addi %mul3A_45, %add3A_367 : i32
      %get3A_369 = arith.index_cast %add3A_368 : i32 to index
      %get3A_370 = tpu.vector_load %arg8[%get3A_369] {strides = array<i32>} : memref<8192xf32, #tpu.memory_space<vmem>>, vector<16xf32>,
      %mul3A_371 = arith.mulf %get3A_366, %get3A_370 : vector<16xf32>
      %gt3A_372 = arith.constant 0.000000e+00 : f32
      %gt3A_373 = vector.broadcast %gt3A_372 : f32 to vector<16xf32>
      %gt3A_374 = arith.cmpf ogt, %mul3A_371, %gt3A_373 : vector<16xf32>
      %add3A_375 = arith.constant 224 : i32
      %add3A_376 = vector.broadcast %add3A_375 : i32 to vector<16xi32>
      %add3A_377 = arith.addi %add3A_376, %iota3A : vector<16xi32>
      %swap3A_378 = arith.index_cast %add3A_362 : i32 to index
      %swap3A_379 = tpu.vector_load %arg18[%swap3A_378] masked %gt3A_374 {strides = array<i32>} : memref<272xi32, #tpu.memory_space<vmem>>, vector<16xi32>, vector<16xi1>
      tpu.vector_store %arg18[%swap3A_378], %add3A_377 masked %gt3A_374 {strides = array<i32>} : memref<272xi32, #tpu.memory_space<vmem>>, vector<16xi32>, vector<16xi1>
      %all_reduce_population_count3A_380 = tpu.all_reduce %gt3A_374 {dim = 0 : i64, kind = #tpu.reduction_kind<sum>} : vector<16xi1> -> vector<16xi32>
      %slice3A_381 = vector.extract_strided_slice %all_reduce_population_count3A_380 {offsets = [0], sizes = [1], strides = [1]} : vector<16xi32> to vector<1xi32>
      %squeeze3A_382 = vector.extract %slice3A_381[0] : i32 from vector<1xi32>
      %add3A_383 = arith.addi %add3A_362, %squeeze3A_382 : i32
      %add3A_384 = arith.constant 240 : i32
      %add3A_385 = arith.addi %mul3A_43, %add3A_384 : i32
      %get3A_386 = arith.index_cast %add3A_385 : i32 to index
      %get3A_387 = tpu.vector_load %arg7[%get3A_386] {strides = array<i32>} : memref<8192xf32, #tpu.memory_space<vmem>>, vector<16xf32>,
      %add3A_388 = arith.constant 240 : i32
      %add3A_389 = arith.addi %mul3A_45, %add3A_388 : i32
      %get3A_390 = arith.index_cast %add3A_389 : i32 to index
      %get3A_391 = tpu.vector_load %arg8[%get3A_390] {strides = array<i32>} : memref<8192xf32, #tpu.memory_space<vmem>>, vector<16xf32>,
      %mul3A_392 = arith.mulf %get3A_387, %get3A_391 : vector<16xf32>
      %gt3A_393 = arith.constant 0.000000e+00 : f32
      %gt3A_394 = vector.broadcast %gt3A_393 : f32 to vector<16xf32>
      %gt3A_395 = arith.cmpf ogt, %mul3A_392, %gt3A_394 : vector<16xf32>
      %add3A_396 = arith.constant 240 : i32
      %add3A_397 = vector.broadcast %add3A_396 : i32 to vector<16xi32>
      %add3A_398 = arith.addi %add3A_397, %iota3A : vector<16xi32>
      %swap3A_399 = arith.index_cast %add3A_383 : i32 to index
      %swap3A_400 = tpu.vector_load %arg18[%swap3A_399] masked %gt3A_395 {strides = array<i32>} : memref<272xi32, #tpu.memory_space<vmem>>, vector<16xi32>, vector<16xi1>
      tpu.vector_store %arg18[%swap3A_399], %add3A_398 masked %gt3A_395 {strides = array<i32>} : memref<272xi32, #tpu.memory_space<vmem>>, vector<16xi32>, vector<16xi1>
      %all_reduce_population_count3A_401 = tpu.all_reduce %gt3A_395 {dim = 0 : i64, kind = #tpu.reduction_kind<sum>} : vector<16xi1> -> vector<16xi32>
      %slice3A_402 = vector.extract_strided_slice %all_reduce_population_count3A_401 {offsets = [0], sizes = [1], strides = [1]} : vector<16xi32> to vector<1xi32>
      %squeeze3A_403 = vector.extract %slice3A_402[0] : i32 from vector<1xi32>
      %add3A_404 = arith.addi %add3A_383, %squeeze3A_403 : i32
      %add3A_405 = arith.constant 15 : i32
      %add3A_406 = arith.addi %add3A_404, %add3A_405 : i32
      %jit3A = arith.constant 16 : i32
      %div3A = arith.divsi %add3A_406, %jit3A : i32
      %sign3A = arith.constant 0 : i32
      %sign3A_407 = arith.cmpi sgt, %add3A_406, %sign3A : i32
      %sign3A_408 = arith.extui %sign3A_407 : i1 to i32
      %sign3A_409 = arith.constant 0 : i32
      %sign3A_410 = arith.cmpi slt, %add3A_406, %sign3A_409 : i32
      %sign3A_411 = arith.extui %sign3A_410 : i1 to i32
      %sign3A_412 = arith.subi %sign3A_408, %sign3A_411 : i32
      %sign3A_413 = arith.constant 0 : i32
      %sign3A_414 = arith.cmpi sgt, %jit3A, %sign3A_413 : i32
      %sign3A_415 = arith.extui %sign3A_414 : i1 to i32
      %sign3A_416 = arith.constant 0 : i32
      %sign3A_417 = arith.cmpi slt, %jit3A, %sign3A_416 : i32
      %sign3A_418 = arith.extui %sign3A_417 : i1 to i32
      %sign3A_419 = arith.subi %sign3A_415, %sign3A_418 : i32
      %ne3A = arith.cmpi ne, %sign3A_412, %sign3A_419 : i32
      %rem3A = arith.remsi %add3A_406, %jit3A : i32
      %ne3A_420 = arith.constant 0 : i32
      %ne3A_421 = arith.cmpi ne, %rem3A, %ne3A_420 : i32
      %and3A = arith.andi %ne3A, %ne3A_421 : i1
      %sub3A_422 = arith.constant 1 : i32
      %sub3A_423 = arith.subi %div3A, %sub3A_422 : i32
      %select_n3A = arith.select %and3A, %sub3A_423, %div3A : i32
      %while3A = arith.constant 0 : i32
      %while3A_424 = arith.constant 0 : i32
      %while3A_425 = arith.subi %convert_element_type3A_13, %while3A_424 : i32
      %while3A_426 = arith.addi %while3A_424, %while3A_425 : i32
      %while3A_427 = arith.constant 1 : i32
      %while3A_428 = arith.divsi %while3A_425, %while3A_427 : i32
      %while3A_429 = arith.muli %while3A_428, %while3A_427 : i32
      %while3A_430 = arith.addi %while3A_424, %while3A_429 : i32
      %while3A_431 = arith.constant 1 : i32
      scf.for %while3A_445 = %while3A_424 to %while3A_430 step %while3A_431  : i32 {
        %mul3A_446 = arith.constant 16 : i32
        %mul3A_447 = arith.muli %while3A_445, %mul3A_446 : i32
        %add3A_448 = arith.addi %convert_element_type3A, %mul3A_447 : i32
        %add3A_449 = vector.broadcast %add3A_448 : i32 to vector<16xi32>
        %add3A_450 = arith.addi %add3A_449, %iota3A : vector<16xi32>
        %lt3A = arith.constant 32 : i32
        %lt3A_451 = vector.broadcast %lt3A : i32 to vector<16xi32>
        %lt3A_452 = arith.cmpi slt, %add3A_450, %lt3A_451 : vector<16xi32>
        %gather3A_453 = tpu.vector_load_idx %arg15[%add3A_450] : memref<48xf32, #tpu.memory_space<vmem>>[vector<16xi32>], vector<16xf32>,
        %gather3A_454 = tpu.vector_load_idx %arg16[%add3A_450] : memref<48xf32, #tpu.memory_space<vmem>>[vector<16xi32>], vector<16xf32>,
        %mul3A_455 = arith.mulf %mul3A_41, %gather3A_453 : vector<16xf32>
        %broadcast_in_dim3A_456 = arith.constant -1.000000e+00 : f32
        %broadcast_in_dim3A_457 = vector.broadcast %broadcast_in_dim3A_456 : f32 to vector<16xf32>
        %broadcast_in_dim3A_458 = arith.constant 0 : i32
        %broadcast_in_dim3A_459 = vector.broadcast %broadcast_in_dim3A_458 : i32 to vector<16xi32>
        %while3A_460 = arith.constant 0 : i32
        %while3A_461 = arith.subi %select_n3A, %while3A_460 : i32
        %while3A_462 = arith.addi %while3A_460, %while3A_461 : i32
        %while3A_463 = arith.constant 1 : i32
        %while3A_464 = arith.divsi %while3A_461, %while3A_463 : i32
        %while3A_465 = arith.muli %while3A_464, %while3A_463 : i32
        %while3A_466 = arith.addi %while3A_460, %while3A_465 : i32
        %while3A_467 = arith.constant 1 : i32
        %while3A_468:2 = scf.for %while3A_506 = %while3A_460 to %while3A_466 step %while3A_467 iter_args(%while3A_507 = %broadcast_in_dim3A_457, %while3A_508 = %broadcast_in_dim3A_459) -> (vector<16xf32>, vector<16xi32>)  : i32 {
          %mul3A_509 = arith.constant 16 : i32
          %mul3A_510 = arith.muli %while3A_506, %mul3A_509 : i32
          %get3A_511 = arith.index_cast %mul3A_510 : i32 to index
          %get3A_512 = tpu.vector_load %arg18[%get3A_511] {strides = array<i32>} : memref<272xi32, #tpu.memory_space<vmem>>, vector<16xi32>,
          %mul3A_513 = arith.constant 16 : i32
          %mul3A_514 = arith.muli %while3A_506, %mul3A_513 : i32
          %add3A_515 = vector.broadcast %mul3A_514 : i32 to vector<16xi32>
          %add3A_516 = arith.addi %add3A_515, %iota3A : vector<16xi32>
          %lt3A_517 = vector.broadcast %add3A_404 : i32 to vector<16xi32>
          %lt3A_518 = arith.cmpi slt, %add3A_516, %lt3A_517 : vector<16xi32>
          %jit3A_519 = arith.constant 0 : i32
          %broadcast_in_dim3A_520 = vector.broadcast %jit3A_519 : i32 to vector<16xi32>
          %select_n3A_521 = arith.select %lt3A_518, %get3A_512, %broadcast_in_dim3A_520 : vector<16xi1>, vector<16xi32>
          %add3A_522 = vector.broadcast %mul3A_43 : i32 to vector<16xi32>
          %add3A_523 = arith.addi %add3A_522, %select_n3A_521 : vector<16xi32>
          %gather3A_524 = tpu.vector_load_idx %arg7[%add3A_523] : memref<8192xf32, #tpu.memory_space<vmem>>[vector<16xi32>], vector<16xf32>,
          %add3A_525 = vector.broadcast %mul3A_45 : i32 to vector<16xi32>
          %add3A_526 = arith.addi %add3A_525, %select_n3A_521 : vector<16xi32>
          %gather3A_527 = tpu.vector_load_idx %arg8[%add3A_526] : memref<8192xf32, #tpu.memory_space<vmem>>[vector<16xi32>], vector<16xf32>,
          %mul3A_528 = arith.mulf %gather3A_524, %gather3A_527 : vector<16xf32>
          %jit3A_529 = arith.constant 0.000000e+00 : f32
          %broadcast_in_dim3A_530 = vector.broadcast %jit3A_529 : f32 to vector<16xf32>
          %select_n3A_531 = arith.select %lt3A_518, %mul3A_528, %broadcast_in_dim3A_530 : vector<16xi1>, vector<16xf32>
          %gather3A_532 = tpu.vector_load_idx %arg10[%select_n3A_521] : memref<256xf32, #tpu.memory_space<vmem>>[vector<16xi32>], vector<16xf32>,
          %mul3A_533 = arith.constant 48 : i32
          %mul3A_534 = vector.broadcast %mul3A_533 : i32 to vector<16xi32>
          %mul3A_535 = arith.muli %select_n3A_521, %mul3A_534 : vector<16xi32>
          %add3A_536 = vector.broadcast %add3A_448 : i32 to vector<16xi32>
          %add3A_537 = arith.addi %mul3A_535, %add3A_536 : vector<16xi32>
          %broadcast_in_dim3A_538 = arith.constant 0 : i32
          %broadcast_in_dim3A_539 = vector.broadcast %broadcast_in_dim3A_538 : i32 to vector<16xi32>
          %slice3A_540 = vector.extract_strided_slice %add3A_537 {offsets = [0], sizes = [1], strides = [1]} : vector<16xi32> to vector<1xi32>
          %squeeze3A_541 = vector.extract %slice3A_540[0] : i32 from vector<1xi32>
          %add3A_542 = vector.broadcast %squeeze3A_541 : i32 to vector<16xi32>
          %add3A_543 = arith.addi %broadcast_in_dim3A_539, %add3A_542 : vector<16xi32>
          %add3A_544 = arith.addi %add3A_543, %iota3A : vector<16xi32>
          %gather3A_545 = tpu.vector_load_idx %arg9[%add3A_544] : memref<12288xf32, #tpu.memory_space<vmem>>[vector<16xi32>], vector<16xf32>,
          %slice3A_546 = vector.extract_strided_slice %select_n3A_531 {offsets = [0], sizes = [1], strides = [1]} : vector<16xf32> to vector<1xf32>
          %squeeze3A_547 = vector.extract %slice3A_546[0] : f32 from vector<1xf32>
          %mul3A_548 = vector.broadcast %squeeze3A_547 : f32 to vector<16xf32>
          %mul3A_549 = arith.mulf %mul3A_548, %gather3A_545 : vector<16xf32>
          %slice3A_550 = vector.extract_strided_slice %gather3A_532 {offsets = [0], sizes = [1], strides = [1]} : vector<16xf32> to vector<1xf32>
          %squeeze3A_551 = vector.extract %slice3A_550[0] : f32 from vector<1xf32>
          %add3A_552 = vector.broadcast %squeeze3A_551 : f32 to vector<16xf32>
          %add3A_553 = arith.addf %mul3A_455, %add3A_552 : vector<16xf32>
          %sub3A_554 = arith.subf %add3A_553, %mul3A_549 : vector<16xf32>
          %max3A = arith.constant 1.000000e-01 : f32
          %max3A_555 = vector.broadcast %max3A : f32 to vector<16xf32>
          %max3A_556 = arith.maximumf %sub3A_554, %max3A_555 : vector<16xf32>
          %div3A_557 = arith.divf %mul3A_549, %max3A_556 : vector<16xf32>
          %gt3A_558 = arith.cmpf ogt, %div3A_557, %while3A_507 : vector<16xf32>
          %select_n3A_559 = arith.select %gt3A_558, %div3A_557, %while3A_507 : vector<16xi1>, vector<16xf32>
          %slice3A_560 = vector.extract_strided_slice %select_n3A_521 {offsets = [0], sizes = [1], strides = [1]} : vector<16xi32> to vector<1xi32>
          %squeeze3A_561 = vector.extract %slice3A_560[0] : i32 from vector<1xi32>
          %broadcast_in_dim3A_562 = vector.broadcast %squeeze3A_561 : i32 to vector<16xi32>
          %select_n3A_563 = arith.select %gt3A_558, %broadcast_in_dim3A_562, %while3A_508 : vector<16xi1>, vector<16xi32>
          %broadcast_in_dim3A_564 = arith.constant 0 : i32
          %broadcast_in_dim3A_565 = vector.broadcast %broadcast_in_dim3A_564 : i32 to vector<16xi32>
          %slice3A_566 = vector.extract_strided_slice %add3A_537 {offsets = [1], sizes = [1], strides = [1]} : vector<16xi32> to vector<1xi32>
          %squeeze3A_567 = vector.extract %slice3A_566[0] : i32 from vector<1xi32>
          %add3A_568 = vector.broadcast %squeeze3A_567 : i32 to vector<16xi32>
          %add3A_569 = arith.addi %broadcast_in_dim3A_565, %add3A_568 : vector<16xi32>
          %add3A_570 = arith.addi %add3A_569, %iota3A : vector<16xi32>
          %gather3A_571 = tpu.vector_load_idx %arg9[%add3A_570] : memref<12288xf32, #tpu.memory_space<vmem>>[vector<16xi32>], vector<16xf32>,
          %slice3A_572 = vector.extract_strided_slice %select_n3A_531 {offsets = [1], sizes = [1], strides = [1]} : vector<16xf32> to vector<1xf32>
          %squeeze3A_573 = vector.extract %slice3A_572[0] : f32 from vector<1xf32>
          %mul3A_574 = vector.broadcast %squeeze3A_573 : f32 to vector<16xf32>
          %mul3A_575 = arith.mulf %mul3A_574, %gather3A_571 : vector<16xf32>
          %slice3A_576 = vector.extract_strided_slice %gather3A_532 {offsets = [1], sizes = [1], strides = [1]} : vector<16xf32> to vector<1xf32>
          %squeeze3A_577 = vector.extract %slice3A_576[0] : f32 from vector<1xf32>
          %add3A_578 = vector.broadcast %squeeze3A_577 : f32 to vector<16xf32>
          %add3A_579 = arith.addf %mul3A_455, %add3A_578 : vector<16xf32>
          %sub3A_580 = arith.subf %add3A_579, %mul3A_575 : vector<16xf32>
          %max3A_581 = arith.constant 1.000000e-01 : f32
          %max3A_582 = vector.broadcast %max3A_581 : f32 to vector<16xf32>
          %max3A_583 = arith.maximumf %sub3A_580, %max3A_582 : vector<16xf32>
          %div3A_584 = arith.divf %mul3A_575, %max3A_583 : vector<16xf32>
          %gt3A_585 = arith.cmpf ogt, %div3A_584, %select_n3A_559 : vector<16xf32>
          %select_n3A_586 = arith.select %gt3A_585, %div3A_584, %select_n3A_559 : vector<16xi1>, vector<16xf32>
          %slice3A_587 = vector.extract_strided_slice %select_n3A_521 {offsets = [1], sizes = [1], strides = [1]} : vector<16xi32> to vector<1xi32>
          %squeeze3A_588 = vector.extract %slice3A_587[0] : i32 from vector<1xi32>
          %broadcast_in_dim3A_589 = vector.broadcast %squeeze3A_588 : i32 to vector<16xi32>
          %select_n3A_590 = arith.select %gt3A_585, %broadcast_in_dim3A_589, %select_n3A_563 : vector<16xi1>, vector<16xi32>
          %broadcast_in_dim3A_591 = arith.constant 0 : i32
          %broadcast_in_dim3A_592 = vector.broadcast %broadcast_in_dim3A_591 : i32 to vector<16xi32>
          %slice3A_593 = vector.extract_strided_slice %add3A_537 {offsets = [2], sizes = [1], strides = [1]} : vector<16xi32> to vector<1xi32>
          %squeeze3A_594 = vector.extract %slice3A_593[0] : i32 from vector<1xi32>
          %add3A_595 = vector.broadcast %squeeze3A_594 : i32 to vector<16xi32>
          %add3A_596 = arith.addi %broadcast_in_dim3A_592, %add3A_595 : vector<16xi32>
          %add3A_597 = arith.addi %add3A_596, %iota3A : vector<16xi32>
          %gather3A_598 = tpu.vector_load_idx %arg9[%add3A_597] : memref<12288xf32, #tpu.memory_space<vmem>>[vector<16xi32>], vector<16xf32>,
          %slice3A_599 = vector.extract_strided_slice %select_n3A_531 {offsets = [2], sizes = [1], strides = [1]} : vector<16xf32> to vector<1xf32>
          %squeeze3A_600 = vector.extract %slice3A_599[0] : f32 from vector<1xf32>
          %mul3A_601 = vector.broadcast %squeeze3A_600 : f32 to vector<16xf32>
          %mul3A_602 = arith.mulf %mul3A_601, %gather3A_598 : vector<16xf32>
          %slice3A_603 = vector.extract_strided_slice %gather3A_532 {offsets = [2], sizes = [1], strides = [1]} : vector<16xf32> to vector<1xf32>
          %squeeze3A_604 = vector.extract %slice3A_603[0] : f32 from vector<1xf32>
          %add3A_605 = vector.broadcast %squeeze3A_604 : f32 to vector<16xf32>
          %add3A_606 = arith.addf %mul3A_455, %add3A_605 : vector<16xf32>
          %sub3A_607 = arith.subf %add3A_606, %mul3A_602 : vector<16xf32>
          %max3A_608 = arith.constant 1.000000e-01 : f32
          %max3A_609 = vector.broadcast %max3A_608 : f32 to vector<16xf32>
          %max3A_610 = arith.maximumf %sub3A_607, %max3A_609 : vector<16xf32>
          %div3A_611 = arith.divf %mul3A_602, %max3A_610 : vector<16xf32>
          %gt3A_612 = arith.cmpf ogt, %div3A_611, %select_n3A_586 : vector<16xf32>
          %select_n3A_613 = arith.select %gt3A_612, %div3A_611, %select_n3A_586 : vector<16xi1>, vector<16xf32>
          %slice3A_614 = vector.extract_strided_slice %select_n3A_521 {offsets = [2], sizes = [1], strides = [1]} : vector<16xi32> to vector<1xi32>
          %squeeze3A_615 = vector.extract %slice3A_614[0] : i32 from vector<1xi32>
          %broadcast_in_dim3A_616 = vector.broadcast %squeeze3A_615 : i32 to vector<16xi32>
          %select_n3A_617 = arith.select %gt3A_612, %broadcast_in_dim3A_616, %select_n3A_590 : vector<16xi1>, vector<16xi32>
          %broadcast_in_dim3A_618 = arith.constant 0 : i32
          %broadcast_in_dim3A_619 = vector.broadcast %broadcast_in_dim3A_618 : i32 to vector<16xi32>
          %slice3A_620 = vector.extract_strided_slice %add3A_537 {offsets = [3], sizes = [1], strides = [1]} : vector<16xi32> to vector<1xi32>
          %squeeze3A_621 = vector.extract %slice3A_620[0] : i32 from vector<1xi32>
          %add3A_622 = vector.broadcast %squeeze3A_621 : i32 to vector<16xi32>
          %add3A_623 = arith.addi %broadcast_in_dim3A_619, %add3A_622 : vector<16xi32>
          %add3A_624 = arith.addi %add3A_623, %iota3A : vector<16xi32>
          %gather3A_625 = tpu.vector_load_idx %arg9[%add3A_624] : memref<12288xf32, #tpu.memory_space<vmem>>[vector<16xi32>], vector<16xf32>,
          %slice3A_626 = vector.extract_strided_slice %select_n3A_531 {offsets = [3], sizes = [1], strides = [1]} : vector<16xf32> to vector<1xf32>
          %squeeze3A_627 = vector.extract %slice3A_626[0] : f32 from vector<1xf32>
          %mul3A_628 = vector.broadcast %squeeze3A_627 : f32 to vector<16xf32>
          %mul3A_629 = arith.mulf %mul3A_628, %gather3A_625 : vector<16xf32>
          %slice3A_630 = vector.extract_strided_slice %gather3A_532 {offsets = [3], sizes = [1], strides = [1]} : vector<16xf32> to vector<1xf32>
          %squeeze3A_631 = vector.extract %slice3A_630[0] : f32 from vector<1xf32>
          %add3A_632 = vector.broadcast %squeeze3A_631 : f32 to vector<16xf32>
          %add3A_633 = arith.addf %mul3A_455, %add3A_632 : vector<16xf32>
          %sub3A_634 = arith.subf %add3A_633, %mul3A_629 : vector<16xf32>
          %max3A_635 = arith.constant 1.000000e-01 : f32
          %max3A_636 = vector.broadcast %max3A_635 : f32 to vector<16xf32>
          %max3A_637 = arith.maximumf %sub3A_634, %max3A_636 : vector<16xf32>
          %div3A_638 = arith.divf %mul3A_629, %max3A_637 : vector<16xf32>
          %gt3A_639 = arith.cmpf ogt, %div3A_638, %select_n3A_613 : vector<16xf32>
          %select_n3A_640 = arith.select %gt3A_639, %div3A_638, %select_n3A_613 : vector<16xi1>, vector<16xf32>
          %slice3A_641 = vector.extract_strided_slice %select_n3A_521 {offsets = [3], sizes = [1], strides = [1]} : vector<16xi32> to vector<1xi32>
          %squeeze3A_642 = vector.extract %slice3A_641[0] : i32 from vector<1xi32>
          %broadcast_in_dim3A_643 = vector.broadcast %squeeze3A_642 : i32 to vector<16xi32>
          %select_n3A_644 = arith.select %gt3A_639, %broadcast_in_dim3A_643, %select_n3A_617 : vector<16xi1>, vector<16xi32>
          %broadcast_in_dim3A_645 = arith.constant 0 : i32
          %broadcast_in_dim3A_646 = vector.broadcast %broadcast_in_dim3A_645 : i32 to vector<16xi32>
          %slice3A_647 = vector.extract_strided_slice %add3A_537 {offsets = [4], sizes = [1], strides = [1]} : vector<16xi32> to vector<1xi32>
          %squeeze3A_648 = vector.extract %slice3A_647[0] : i32 from vector<1xi32>
          %add3A_649 = vector.broadcast %squeeze3A_648 : i32 to vector<16xi32>
          %add3A_650 = arith.addi %broadcast_in_dim3A_646, %add3A_649 : vector<16xi32>
          %add3A_651 = arith.addi %add3A_650, %iota3A : vector<16xi32>
          %gather3A_652 = tpu.vector_load_idx %arg9[%add3A_651] : memref<12288xf32, #tpu.memory_space<vmem>>[vector<16xi32>], vector<16xf32>,
          %slice3A_653 = vector.extract_strided_slice %select_n3A_531 {offsets = [4], sizes = [1], strides = [1]} : vector<16xf32> to vector<1xf32>
          %squeeze3A_654 = vector.extract %slice3A_653[0] : f32 from vector<1xf32>
          %mul3A_655 = vector.broadcast %squeeze3A_654 : f32 to vector<16xf32>
          %mul3A_656 = arith.mulf %mul3A_655, %gather3A_652 : vector<16xf32>
          %slice3A_657 = vector.extract_strided_slice %gather3A_532 {offsets = [4], sizes = [1], strides = [1]} : vector<16xf32> to vector<1xf32>
          %squeeze3A_658 = vector.extract %slice3A_657[0] : f32 from vector<1xf32>
          %add3A_659 = vector.broadcast %squeeze3A_658 : f32 to vector<16xf32>
          %add3A_660 = arith.addf %mul3A_455, %add3A_659 : vector<16xf32>
          %sub3A_661 = arith.subf %add3A_660, %mul3A_656 : vector<16xf32>
          %max3A_662 = arith.constant 1.000000e-01 : f32
          %max3A_663 = vector.broadcast %max3A_662 : f32 to vector<16xf32>
          %max3A_664 = arith.maximumf %sub3A_661, %max3A_663 : vector<16xf32>
          %div3A_665 = arith.divf %mul3A_656, %max3A_664 : vector<16xf32>
          %gt3A_666 = arith.cmpf ogt, %div3A_665, %select_n3A_640 : vector<16xf32>
          %select_n3A_667 = arith.select %gt3A_666, %div3A_665, %select_n3A_640 : vector<16xi1>, vector<16xf32>
          %slice3A_668 = vector.extract_strided_slice %select_n3A_521 {offsets = [4], sizes = [1], strides = [1]} : vector<16xi32> to vector<1xi32>
          %squeeze3A_669 = vector.extract %slice3A_668[0] : i32 from vector<1xi32>
          %broadcast_in_dim3A_670 = vector.broadcast %squeeze3A_669 : i32 to vector<16xi32>
          %select_n3A_671 = arith.select %gt3A_666, %broadcast_in_dim3A_670, %select_n3A_644 : vector<16xi1>, vector<16xi32>
          %broadcast_in_dim3A_672 = arith.constant 0 : i32
          %broadcast_in_dim3A_673 = vector.broadcast %broadcast_in_dim3A_672 : i32 to vector<16xi32>
          %slice3A_674 = vector.extract_strided_slice %add3A_537 {offsets = [5], sizes = [1], strides = [1]} : vector<16xi32> to vector<1xi32>
          %squeeze3A_675 = vector.extract %slice3A_674[0] : i32 from vector<1xi32>
          %add3A_676 = vector.broadcast %squeeze3A_675 : i32 to vector<16xi32>
          %add3A_677 = arith.addi %broadcast_in_dim3A_673, %add3A_676 : vector<16xi32>
          %add3A_678 = arith.addi %add3A_677, %iota3A : vector<16xi32>
          %gather3A_679 = tpu.vector_load_idx %arg9[%add3A_678] : memref<12288xf32, #tpu.memory_space<vmem>>[vector<16xi32>], vector<16xf32>,
          %slice3A_680 = vector.extract_strided_slice %select_n3A_531 {offsets = [5], sizes = [1], strides = [1]} : vector<16xf32> to vector<1xf32>
          %squeeze3A_681 = vector.extract %slice3A_680[0] : f32 from vector<1xf32>
          %mul3A_682 = vector.broadcast %squeeze3A_681 : f32 to vector<16xf32>
          %mul3A_683 = arith.mulf %mul3A_682, %gather3A_679 : vector<16xf32>
          %slice3A_684 = vector.extract_strided_slice %gather3A_532 {offsets = [5], sizes = [1], strides = [1]} : vector<16xf32> to vector<1xf32>
          %squeeze3A_685 = vector.extract %slice3A_684[0] : f32 from vector<1xf32>
          %add3A_686 = vector.broadcast %squeeze3A_685 : f32 to vector<16xf32>
          %add3A_687 = arith.addf %mul3A_455, %add3A_686 : vector<16xf32>
          %sub3A_688 = arith.subf %add3A_687, %mul3A_683 : vector<16xf32>
          %max3A_689 = arith.constant 1.000000e-01 : f32
          %max3A_690 = vector.broadcast %max3A_689 : f32 to vector<16xf32>
          %max3A_691 = arith.maximumf %sub3A_688, %max3A_690 : vector<16xf32>
          %div3A_692 = arith.divf %mul3A_683, %max3A_691 : vector<16xf32>
          %gt3A_693 = arith.cmpf ogt, %div3A_692, %select_n3A_667 : vector<16xf32>
          %select_n3A_694 = arith.select %gt3A_693, %div3A_692, %select_n3A_667 : vector<16xi1>, vector<16xf32>
          %slice3A_695 = vector.extract_strided_slice %select_n3A_521 {offsets = [5], sizes = [1], strides = [1]} : vector<16xi32> to vector<1xi32>
          %squeeze3A_696 = vector.extract %slice3A_695[0] : i32 from vector<1xi32>
          %broadcast_in_dim3A_697 = vector.broadcast %squeeze3A_696 : i32 to vector<16xi32>
          %select_n3A_698 = arith.select %gt3A_693, %broadcast_in_dim3A_697, %select_n3A_671 : vector<16xi1>, vector<16xi32>
          %broadcast_in_dim3A_699 = arith.constant 0 : i32
          %broadcast_in_dim3A_700 = vector.broadcast %broadcast_in_dim3A_699 : i32 to vector<16xi32>
          %slice3A_701 = vector.extract_strided_slice %add3A_537 {offsets = [6], sizes = [1], strides = [1]} : vector<16xi32> to vector<1xi32>
          %squeeze3A_702 = vector.extract %slice3A_701[0] : i32 from vector<1xi32>
          %add3A_703 = vector.broadcast %squeeze3A_702 : i32 to vector<16xi32>
          %add3A_704 = arith.addi %broadcast_in_dim3A_700, %add3A_703 : vector<16xi32>
          %add3A_705 = arith.addi %add3A_704, %iota3A : vector<16xi32>
          %gather3A_706 = tpu.vector_load_idx %arg9[%add3A_705] : memref<12288xf32, #tpu.memory_space<vmem>>[vector<16xi32>], vector<16xf32>,
          %slice3A_707 = vector.extract_strided_slice %select_n3A_531 {offsets = [6], sizes = [1], strides = [1]} : vector<16xf32> to vector<1xf32>
          %squeeze3A_708 = vector.extract %slice3A_707[0] : f32 from vector<1xf32>
          %mul3A_709 = vector.broadcast %squeeze3A_708 : f32 to vector<16xf32>
          %mul3A_710 = arith.mulf %mul3A_709, %gather3A_706 : vector<16xf32>
          %slice3A_711 = vector.extract_strided_slice %gather3A_532 {offsets = [6], sizes = [1], strides = [1]} : vector<16xf32> to vector<1xf32>
          %squeeze3A_712 = vector.extract %slice3A_711[0] : f32 from vector<1xf32>
          %add3A_713 = vector.broadcast %squeeze3A_712 : f32 to vector<16xf32>
          %add3A_714 = arith.addf %mul3A_455, %add3A_713 : vector<16xf32>
          %sub3A_715 = arith.subf %add3A_714, %mul3A_710 : vector<16xf32>
          %max3A_716 = arith.constant 1.000000e-01 : f32
          %max3A_717 = vector.broadcast %max3A_716 : f32 to vector<16xf32>
          %max3A_718 = arith.maximumf %sub3A_715, %max3A_717 : vector<16xf32>
          %div3A_719 = arith.divf %mul3A_710, %max3A_718 : vector<16xf32>
          %gt3A_720 = arith.cmpf ogt, %div3A_719, %select_n3A_694 : vector<16xf32>
          %select_n3A_721 = arith.select %gt3A_720, %div3A_719, %select_n3A_694 : vector<16xi1>, vector<16xf32>
          %slice3A_722 = vector.extract_strided_slice %select_n3A_521 {offsets = [6], sizes = [1], strides = [1]} : vector<16xi32> to vector<1xi32>
          %squeeze3A_723 = vector.extract %slice3A_722[0] : i32 from vector<1xi32>
          %broadcast_in_dim3A_724 = vector.broadcast %squeeze3A_723 : i32 to vector<16xi32>
          %select_n3A_725 = arith.select %gt3A_720, %broadcast_in_dim3A_724, %select_n3A_698 : vector<16xi1>, vector<16xi32>
          %broadcast_in_dim3A_726 = arith.constant 0 : i32
          %broadcast_in_dim3A_727 = vector.broadcast %broadcast_in_dim3A_726 : i32 to vector<16xi32>
          %slice3A_728 = vector.extract_strided_slice %add3A_537 {offsets = [7], sizes = [1], strides = [1]} : vector<16xi32> to vector<1xi32>
          %squeeze3A_729 = vector.extract %slice3A_728[0] : i32 from vector<1xi32>
          %add3A_730 = vector.broadcast %squeeze3A_729 : i32 to vector<16xi32>
          %add3A_731 = arith.addi %broadcast_in_dim3A_727, %add3A_730 : vector<16xi32>
          %add3A_732 = arith.addi %add3A_731, %iota3A : vector<16xi32>
          %gather3A_733 = tpu.vector_load_idx %arg9[%add3A_732] : memref<12288xf32, #tpu.memory_space<vmem>>[vector<16xi32>], vector<16xf32>,
          %slice3A_734 = vector.extract_strided_slice %select_n3A_531 {offsets = [7], sizes = [1], strides = [1]} : vector<16xf32> to vector<1xf32>
          %squeeze3A_735 = vector.extract %slice3A_734[0] : f32 from vector<1xf32>
          %mul3A_736 = vector.broadcast %squeeze3A_735 : f32 to vector<16xf32>
          %mul3A_737 = arith.mulf %mul3A_736, %gather3A_733 : vector<16xf32>
          %slice3A_738 = vector.extract_strided_slice %gather3A_532 {offsets = [7], sizes = [1], strides = [1]} : vector<16xf32> to vector<1xf32>
          %squeeze3A_739 = vector.extract %slice3A_738[0] : f32 from vector<1xf32>
          %add3A_740 = vector.broadcast %squeeze3A_739 : f32 to vector<16xf32>
          %add3A_741 = arith.addf %mul3A_455, %add3A_740 : vector<16xf32>
          %sub3A_742 = arith.subf %add3A_741, %mul3A_737 : vector<16xf32>
          %max3A_743 = arith.constant 1.000000e-01 : f32
          %max3A_744 = vector.broadcast %max3A_743 : f32 to vector<16xf32>
          %max3A_745 = arith.maximumf %sub3A_742, %max3A_744 : vector<16xf32>
          %div3A_746 = arith.divf %mul3A_737, %max3A_745 : vector<16xf32>
          %gt3A_747 = arith.cmpf ogt, %div3A_746, %select_n3A_721 : vector<16xf32>
          %select_n3A_748 = arith.select %gt3A_747, %div3A_746, %select_n3A_721 : vector<16xi1>, vector<16xf32>
          %slice3A_749 = vector.extract_strided_slice %select_n3A_521 {offsets = [7], sizes = [1], strides = [1]} : vector<16xi32> to vector<1xi32>
          %squeeze3A_750 = vector.extract %slice3A_749[0] : i32 from vector<1xi32>
          %broadcast_in_dim3A_751 = vector.broadcast %squeeze3A_750 : i32 to vector<16xi32>
          %select_n3A_752 = arith.select %gt3A_747, %broadcast_in_dim3A_751, %select_n3A_725 : vector<16xi1>, vector<16xi32>
          %broadcast_in_dim3A_753 = arith.constant 0 : i32
          %broadcast_in_dim3A_754 = vector.broadcast %broadcast_in_dim3A_753 : i32 to vector<16xi32>
          %slice3A_755 = vector.extract_strided_slice %add3A_537 {offsets = [8], sizes = [1], strides = [1]} : vector<16xi32> to vector<1xi32>
          %squeeze3A_756 = vector.extract %slice3A_755[0] : i32 from vector<1xi32>
          %add3A_757 = vector.broadcast %squeeze3A_756 : i32 to vector<16xi32>
          %add3A_758 = arith.addi %broadcast_in_dim3A_754, %add3A_757 : vector<16xi32>
          %add3A_759 = arith.addi %add3A_758, %iota3A : vector<16xi32>
          %gather3A_760 = tpu.vector_load_idx %arg9[%add3A_759] : memref<12288xf32, #tpu.memory_space<vmem>>[vector<16xi32>], vector<16xf32>,
          %slice3A_761 = vector.extract_strided_slice %select_n3A_531 {offsets = [8], sizes = [1], strides = [1]} : vector<16xf32> to vector<1xf32>
          %squeeze3A_762 = vector.extract %slice3A_761[0] : f32 from vector<1xf32>
          %mul3A_763 = vector.broadcast %squeeze3A_762 : f32 to vector<16xf32>
          %mul3A_764 = arith.mulf %mul3A_763, %gather3A_760 : vector<16xf32>
          %slice3A_765 = vector.extract_strided_slice %gather3A_532 {offsets = [8], sizes = [1], strides = [1]} : vector<16xf32> to vector<1xf32>
          %squeeze3A_766 = vector.extract %slice3A_765[0] : f32 from vector<1xf32>
          %add3A_767 = vector.broadcast %squeeze3A_766 : f32 to vector<16xf32>
          %add3A_768 = arith.addf %mul3A_455, %add3A_767 : vector<16xf32>
          %sub3A_769 = arith.subf %add3A_768, %mul3A_764 : vector<16xf32>
          %max3A_770 = arith.constant 1.000000e-01 : f32
          %max3A_771 = vector.broadcast %max3A_770 : f32 to vector<16xf32>
          %max3A_772 = arith.maximumf %sub3A_769, %max3A_771 : vector<16xf32>
          %div3A_773 = arith.divf %mul3A_764, %max3A_772 : vector<16xf32>
          %gt3A_774 = arith.cmpf ogt, %div3A_773, %select_n3A_748 : vector<16xf32>
          %select_n3A_775 = arith.select %gt3A_774, %div3A_773, %select_n3A_748 : vector<16xi1>, vector<16xf32>
          %slice3A_776 = vector.extract_strided_slice %select_n3A_521 {offsets = [8], sizes = [1], strides = [1]} : vector<16xi32> to vector<1xi32>
          %squeeze3A_777 = vector.extract %slice3A_776[0] : i32 from vector<1xi32>
          %broadcast_in_dim3A_778 = vector.broadcast %squeeze3A_777 : i32 to vector<16xi32>
          %select_n3A_779 = arith.select %gt3A_774, %broadcast_in_dim3A_778, %select_n3A_752 : vector<16xi1>, vector<16xi32>
          %broadcast_in_dim3A_780 = arith.constant 0 : i32
          %broadcast_in_dim3A_781 = vector.broadcast %broadcast_in_dim3A_780 : i32 to vector<16xi32>
          %slice3A_782 = vector.extract_strided_slice %add3A_537 {offsets = [9], sizes = [1], strides = [1]} : vector<16xi32> to vector<1xi32>
          %squeeze3A_783 = vector.extract %slice3A_782[0] : i32 from vector<1xi32>
          %add3A_784 = vector.broadcast %squeeze3A_783 : i32 to vector<16xi32>
          %add3A_785 = arith.addi %broadcast_in_dim3A_781, %add3A_784 : vector<16xi32>
          %add3A_786 = arith.addi %add3A_785, %iota3A : vector<16xi32>
          %gather3A_787 = tpu.vector_load_idx %arg9[%add3A_786] : memref<12288xf32, #tpu.memory_space<vmem>>[vector<16xi32>], vector<16xf32>,
          %slice3A_788 = vector.extract_strided_slice %select_n3A_531 {offsets = [9], sizes = [1], strides = [1]} : vector<16xf32> to vector<1xf32>
          %squeeze3A_789 = vector.extract %slice3A_788[0] : f32 from vector<1xf32>
          %mul3A_790 = vector.broadcast %squeeze3A_789 : f32 to vector<16xf32>
          %mul3A_791 = arith.mulf %mul3A_790, %gather3A_787 : vector<16xf32>
          %slice3A_792 = vector.extract_strided_slice %gather3A_532 {offsets = [9], sizes = [1], strides = [1]} : vector<16xf32> to vector<1xf32>
          %squeeze3A_793 = vector.extract %slice3A_792[0] : f32 from vector<1xf32>
          %add3A_794 = vector.broadcast %squeeze3A_793 : f32 to vector<16xf32>
          %add3A_795 = arith.addf %mul3A_455, %add3A_794 : vector<16xf32>
          %sub3A_796 = arith.subf %add3A_795, %mul3A_791 : vector<16xf32>
          %max3A_797 = arith.constant 1.000000e-01 : f32
          %max3A_798 = vector.broadcast %max3A_797 : f32 to vector<16xf32>
          %max3A_799 = arith.maximumf %sub3A_796, %max3A_798 : vector<16xf32>
          %div3A_800 = arith.divf %mul3A_791, %max3A_799 : vector<16xf32>
          %gt3A_801 = arith.cmpf ogt, %div3A_800, %select_n3A_775 : vector<16xf32>
          %select_n3A_802 = arith.select %gt3A_801, %div3A_800, %select_n3A_775 : vector<16xi1>, vector<16xf32>
          %slice3A_803 = vector.extract_strided_slice %select_n3A_521 {offsets = [9], sizes = [1], strides = [1]} : vector<16xi32> to vector<1xi32>
          %squeeze3A_804 = vector.extract %slice3A_803[0] : i32 from vector<1xi32>
          %broadcast_in_dim3A_805 = vector.broadcast %squeeze3A_804 : i32 to vector<16xi32>
          %select_n3A_806 = arith.select %gt3A_801, %broadcast_in_dim3A_805, %select_n3A_779 : vector<16xi1>, vector<16xi32>
          %broadcast_in_dim3A_807 = arith.constant 0 : i32
          %broadcast_in_dim3A_808 = vector.broadcast %broadcast_in_dim3A_807 : i32 to vector<16xi32>
          %slice3A_809 = vector.extract_strided_slice %add3A_537 {offsets = [10], sizes = [1], strides = [1]} : vector<16xi32> to vector<1xi32>
          %squeeze3A_810 = vector.extract %slice3A_809[0] : i32 from vector<1xi32>
          %add3A_811 = vector.broadcast %squeeze3A_810 : i32 to vector<16xi32>
          %add3A_812 = arith.addi %broadcast_in_dim3A_808, %add3A_811 : vector<16xi32>
          %add3A_813 = arith.addi %add3A_812, %iota3A : vector<16xi32>
          %gather3A_814 = tpu.vector_load_idx %arg9[%add3A_813] : memref<12288xf32, #tpu.memory_space<vmem>>[vector<16xi32>], vector<16xf32>,
          %slice3A_815 = vector.extract_strided_slice %select_n3A_531 {offsets = [10], sizes = [1], strides = [1]} : vector<16xf32> to vector<1xf32>
          %squeeze3A_816 = vector.extract %slice3A_815[0] : f32 from vector<1xf32>
          %mul3A_817 = vector.broadcast %squeeze3A_816 : f32 to vector<16xf32>
          %mul3A_818 = arith.mulf %mul3A_817, %gather3A_814 : vector<16xf32>
          %slice3A_819 = vector.extract_strided_slice %gather3A_532 {offsets = [10], sizes = [1], strides = [1]} : vector<16xf32> to vector<1xf32>
          %squeeze3A_820 = vector.extract %slice3A_819[0] : f32 from vector<1xf32>
          %add3A_821 = vector.broadcast %squeeze3A_820 : f32 to vector<16xf32>
          %add3A_822 = arith.addf %mul3A_455, %add3A_821 : vector<16xf32>
          %sub3A_823 = arith.subf %add3A_822, %mul3A_818 : vector<16xf32>
          %max3A_824 = arith.constant 1.000000e-01 : f32
          %max3A_825 = vector.broadcast %max3A_824 : f32 to vector<16xf32>
          %max3A_826 = arith.maximumf %sub3A_823, %max3A_825 : vector<16xf32>
          %div3A_827 = arith.divf %mul3A_818, %max3A_826 : vector<16xf32>
          %gt3A_828 = arith.cmpf ogt, %div3A_827, %select_n3A_802 : vector<16xf32>
          %select_n3A_829 = arith.select %gt3A_828, %div3A_827, %select_n3A_802 : vector<16xi1>, vector<16xf32>
          %slice3A_830 = vector.extract_strided_slice %select_n3A_521 {offsets = [10], sizes = [1], strides = [1]} : vector<16xi32> to vector<1xi32>
          %squeeze3A_831 = vector.extract %slice3A_830[0] : i32 from vector<1xi32>
          %broadcast_in_dim3A_832 = vector.broadcast %squeeze3A_831 : i32 to vector<16xi32>
          %select_n3A_833 = arith.select %gt3A_828, %broadcast_in_dim3A_832, %select_n3A_806 : vector<16xi1>, vector<16xi32>
          %broadcast_in_dim3A_834 = arith.constant 0 : i32
          %broadcast_in_dim3A_835 = vector.broadcast %broadcast_in_dim3A_834 : i32 to vector<16xi32>
          %slice3A_836 = vector.extract_strided_slice %add3A_537 {offsets = [11], sizes = [1], strides = [1]} : vector<16xi32> to vector<1xi32>
          %squeeze3A_837 = vector.extract %slice3A_836[0] : i32 from vector<1xi32>
          %add3A_838 = vector.broadcast %squeeze3A_837 : i32 to vector<16xi32>
          %add3A_839 = arith.addi %broadcast_in_dim3A_835, %add3A_838 : vector<16xi32>
          %add3A_840 = arith.addi %add3A_839, %iota3A : vector<16xi32>
          %gather3A_841 = tpu.vector_load_idx %arg9[%add3A_840] : memref<12288xf32, #tpu.memory_space<vmem>>[vector<16xi32>], vector<16xf32>,
          %slice3A_842 = vector.extract_strided_slice %select_n3A_531 {offsets = [11], sizes = [1], strides = [1]} : vector<16xf32> to vector<1xf32>
          %squeeze3A_843 = vector.extract %slice3A_842[0] : f32 from vector<1xf32>
          %mul3A_844 = vector.broadcast %squeeze3A_843 : f32 to vector<16xf32>
          %mul3A_845 = arith.mulf %mul3A_844, %gather3A_841 : vector<16xf32>
          %slice3A_846 = vector.extract_strided_slice %gather3A_532 {offsets = [11], sizes = [1], strides = [1]} : vector<16xf32> to vector<1xf32>
          %squeeze3A_847 = vector.extract %slice3A_846[0] : f32 from vector<1xf32>
          %add3A_848 = vector.broadcast %squeeze3A_847 : f32 to vector<16xf32>
          %add3A_849 = arith.addf %mul3A_455, %add3A_848 : vector<16xf32>
          %sub3A_850 = arith.subf %add3A_849, %mul3A_845 : vector<16xf32>
          %max3A_851 = arith.constant 1.000000e-01 : f32
          %max3A_852 = vector.broadcast %max3A_851 : f32 to vector<16xf32>
          %max3A_853 = arith.maximumf %sub3A_850, %max3A_852 : vector<16xf32>
          %div3A_854 = arith.divf %mul3A_845, %max3A_853 : vector<16xf32>
          %gt3A_855 = arith.cmpf ogt, %div3A_854, %select_n3A_829 : vector<16xf32>
          %select_n3A_856 = arith.select %gt3A_855, %div3A_854, %select_n3A_829 : vector<16xi1>, vector<16xf32>
          %slice3A_857 = vector.extract_strided_slice %select_n3A_521 {offsets = [11], sizes = [1], strides = [1]} : vector<16xi32> to vector<1xi32>
          %squeeze3A_858 = vector.extract %slice3A_857[0] : i32 from vector<1xi32>
          %broadcast_in_dim3A_859 = vector.broadcast %squeeze3A_858 : i32 to vector<16xi32>
          %select_n3A_860 = arith.select %gt3A_855, %broadcast_in_dim3A_859, %select_n3A_833 : vector<16xi1>, vector<16xi32>
          %broadcast_in_dim3A_861 = arith.constant 0 : i32
          %broadcast_in_dim3A_862 = vector.broadcast %broadcast_in_dim3A_861 : i32 to vector<16xi32>
          %slice3A_863 = vector.extract_strided_slice %add3A_537 {offsets = [12], sizes = [1], strides = [1]} : vector<16xi32> to vector<1xi32>
          %squeeze3A_864 = vector.extract %slice3A_863[0] : i32 from vector<1xi32>
          %add3A_865 = vector.broadcast %squeeze3A_864 : i32 to vector<16xi32>
          %add3A_866 = arith.addi %broadcast_in_dim3A_862, %add3A_865 : vector<16xi32>
          %add3A_867 = arith.addi %add3A_866, %iota3A : vector<16xi32>
          %gather3A_868 = tpu.vector_load_idx %arg9[%add3A_867] : memref<12288xf32, #tpu.memory_space<vmem>>[vector<16xi32>], vector<16xf32>,
          %slice3A_869 = vector.extract_strided_slice %select_n3A_531 {offsets = [12], sizes = [1], strides = [1]} : vector<16xf32> to vector<1xf32>
          %squeeze3A_870 = vector.extract %slice3A_869[0] : f32 from vector<1xf32>
          %mul3A_871 = vector.broadcast %squeeze3A_870 : f32 to vector<16xf32>
          %mul3A_872 = arith.mulf %mul3A_871, %gather3A_868 : vector<16xf32>
          %slice3A_873 = vector.extract_strided_slice %gather3A_532 {offsets = [12], sizes = [1], strides = [1]} : vector<16xf32> to vector<1xf32>
          %squeeze3A_874 = vector.extract %slice3A_873[0] : f32 from vector<1xf32>
          %add3A_875 = vector.broadcast %squeeze3A_874 : f32 to vector<16xf32>
          %add3A_876 = arith.addf %mul3A_455, %add3A_875 : vector<16xf32>
          %sub3A_877 = arith.subf %add3A_876, %mul3A_872 : vector<16xf32>
          %max3A_878 = arith.constant 1.000000e-01 : f32
          %max3A_879 = vector.broadcast %max3A_878 : f32 to vector<16xf32>
          %max3A_880 = arith.maximumf %sub3A_877, %max3A_879 : vector<16xf32>
          %div3A_881 = arith.divf %mul3A_872, %max3A_880 : vector<16xf32>
          %gt3A_882 = arith.cmpf ogt, %div3A_881, %select_n3A_856 : vector<16xf32>
          %select_n3A_883 = arith.select %gt3A_882, %div3A_881, %select_n3A_856 : vector<16xi1>, vector<16xf32>
          %slice3A_884 = vector.extract_strided_slice %select_n3A_521 {offsets = [12], sizes = [1], strides = [1]} : vector<16xi32> to vector<1xi32>
          %squeeze3A_885 = vector.extract %slice3A_884[0] : i32 from vector<1xi32>
          %broadcast_in_dim3A_886 = vector.broadcast %squeeze3A_885 : i32 to vector<16xi32>
          %select_n3A_887 = arith.select %gt3A_882, %broadcast_in_dim3A_886, %select_n3A_860 : vector<16xi1>, vector<16xi32>
          %broadcast_in_dim3A_888 = arith.constant 0 : i32
          %broadcast_in_dim3A_889 = vector.broadcast %broadcast_in_dim3A_888 : i32 to vector<16xi32>
          %slice3A_890 = vector.extract_strided_slice %add3A_537 {offsets = [13], sizes = [1], strides = [1]} : vector<16xi32> to vector<1xi32>
          %squeeze3A_891 = vector.extract %slice3A_890[0] : i32 from vector<1xi32>
          %add3A_892 = vector.broadcast %squeeze3A_891 : i32 to vector<16xi32>
          %add3A_893 = arith.addi %broadcast_in_dim3A_889, %add3A_892 : vector<16xi32>
          %add3A_894 = arith.addi %add3A_893, %iota3A : vector<16xi32>
          %gather3A_895 = tpu.vector_load_idx %arg9[%add3A_894] : memref<12288xf32, #tpu.memory_space<vmem>>[vector<16xi32>], vector<16xf32>,
          %slice3A_896 = vector.extract_strided_slice %select_n3A_531 {offsets = [13], sizes = [1], strides = [1]} : vector<16xf32> to vector<1xf32>
          %squeeze3A_897 = vector.extract %slice3A_896[0] : f32 from vector<1xf32>
          %mul3A_898 = vector.broadcast %squeeze3A_897 : f32 to vector<16xf32>
          %mul3A_899 = arith.mulf %mul3A_898, %gather3A_895 : vector<16xf32>
          %slice3A_900 = vector.extract_strided_slice %gather3A_532 {offsets = [13], sizes = [1], strides = [1]} : vector<16xf32> to vector<1xf32>
          %squeeze3A_901 = vector.extract %slice3A_900[0] : f32 from vector<1xf32>
          %add3A_902 = vector.broadcast %squeeze3A_901 : f32 to vector<16xf32>
          %add3A_903 = arith.addf %mul3A_455, %add3A_902 : vector<16xf32>
          %sub3A_904 = arith.subf %add3A_903, %mul3A_899 : vector<16xf32>
          %max3A_905 = arith.constant 1.000000e-01 : f32
          %max3A_906 = vector.broadcast %max3A_905 : f32 to vector<16xf32>
          %max3A_907 = arith.maximumf %sub3A_904, %max3A_906 : vector<16xf32>
          %div3A_908 = arith.divf %mul3A_899, %max3A_907 : vector<16xf32>
          %gt3A_909 = arith.cmpf ogt, %div3A_908, %select_n3A_883 : vector<16xf32>
          %select_n3A_910 = arith.select %gt3A_909, %div3A_908, %select_n3A_883 : vector<16xi1>, vector<16xf32>
          %slice3A_911 = vector.extract_strided_slice %select_n3A_521 {offsets = [13], sizes = [1], strides = [1]} : vector<16xi32> to vector<1xi32>
          %squeeze3A_912 = vector.extract %slice3A_911[0] : i32 from vector<1xi32>
          %broadcast_in_dim3A_913 = vector.broadcast %squeeze3A_912 : i32 to vector<16xi32>
          %select_n3A_914 = arith.select %gt3A_909, %broadcast_in_dim3A_913, %select_n3A_887 : vector<16xi1>, vector<16xi32>
          %broadcast_in_dim3A_915 = arith.constant 0 : i32
          %broadcast_in_dim3A_916 = vector.broadcast %broadcast_in_dim3A_915 : i32 to vector<16xi32>
          %slice3A_917 = vector.extract_strided_slice %add3A_537 {offsets = [14], sizes = [1], strides = [1]} : vector<16xi32> to vector<1xi32>
          %squeeze3A_918 = vector.extract %slice3A_917[0] : i32 from vector<1xi32>
          %add3A_919 = vector.broadcast %squeeze3A_918 : i32 to vector<16xi32>
          %add3A_920 = arith.addi %broadcast_in_dim3A_916, %add3A_919 : vector<16xi32>
          %add3A_921 = arith.addi %add3A_920, %iota3A : vector<16xi32>
          %gather3A_922 = tpu.vector_load_idx %arg9[%add3A_921] : memref<12288xf32, #tpu.memory_space<vmem>>[vector<16xi32>], vector<16xf32>,
          %slice3A_923 = vector.extract_strided_slice %select_n3A_531 {offsets = [14], sizes = [1], strides = [1]} : vector<16xf32> to vector<1xf32>
          %squeeze3A_924 = vector.extract %slice3A_923[0] : f32 from vector<1xf32>
          %mul3A_925 = vector.broadcast %squeeze3A_924 : f32 to vector<16xf32>
          %mul3A_926 = arith.mulf %mul3A_925, %gather3A_922 : vector<16xf32>
          %slice3A_927 = vector.extract_strided_slice %gather3A_532 {offsets = [14], sizes = [1], strides = [1]} : vector<16xf32> to vector<1xf32>
          %squeeze3A_928 = vector.extract %slice3A_927[0] : f32 from vector<1xf32>
          %add3A_929 = vector.broadcast %squeeze3A_928 : f32 to vector<16xf32>
          %add3A_930 = arith.addf %mul3A_455, %add3A_929 : vector<16xf32>
          %sub3A_931 = arith.subf %add3A_930, %mul3A_926 : vector<16xf32>
          %max3A_932 = arith.constant 1.000000e-01 : f32
          %max3A_933 = vector.broadcast %max3A_932 : f32 to vector<16xf32>
          %max3A_934 = arith.maximumf %sub3A_931, %max3A_933 : vector<16xf32>
          %div3A_935 = arith.divf %mul3A_926, %max3A_934 : vector<16xf32>
          %gt3A_936 = arith.cmpf ogt, %div3A_935, %select_n3A_910 : vector<16xf32>
          %select_n3A_937 = arith.select %gt3A_936, %div3A_935, %select_n3A_910 : vector<16xi1>, vector<16xf32>
          %slice3A_938 = vector.extract_strided_slice %select_n3A_521 {offsets = [14], sizes = [1], strides = [1]} : vector<16xi32> to vector<1xi32>
          %squeeze3A_939 = vector.extract %slice3A_938[0] : i32 from vector<1xi32>
          %broadcast_in_dim3A_940 = vector.broadcast %squeeze3A_939 : i32 to vector<16xi32>
          %select_n3A_941 = arith.select %gt3A_936, %broadcast_in_dim3A_940, %select_n3A_914 : vector<16xi1>, vector<16xi32>
          %broadcast_in_dim3A_942 = arith.constant 0 : i32
          %broadcast_in_dim3A_943 = vector.broadcast %broadcast_in_dim3A_942 : i32 to vector<16xi32>
          %slice3A_944 = vector.extract_strided_slice %add3A_537 {offsets = [15], sizes = [1], strides = [1]} : vector<16xi32> to vector<1xi32>
          %squeeze3A_945 = vector.extract %slice3A_944[0] : i32 from vector<1xi32>
          %add3A_946 = vector.broadcast %squeeze3A_945 : i32 to vector<16xi32>
          %add3A_947 = arith.addi %broadcast_in_dim3A_943, %add3A_946 : vector<16xi32>
          %add3A_948 = arith.addi %add3A_947, %iota3A : vector<16xi32>
          %gather3A_949 = tpu.vector_load_idx %arg9[%add3A_948] : memref<12288xf32, #tpu.memory_space<vmem>>[vector<16xi32>], vector<16xf32>,
          %slice3A_950 = vector.extract_strided_slice %select_n3A_531 {offsets = [15], sizes = [1], strides = [1]} : vector<16xf32> to vector<1xf32>
          %squeeze3A_951 = vector.extract %slice3A_950[0] : f32 from vector<1xf32>
          %mul3A_952 = vector.broadcast %squeeze3A_951 : f32 to vector<16xf32>
          %mul3A_953 = arith.mulf %mul3A_952, %gather3A_949 : vector<16xf32>
          %slice3A_954 = vector.extract_strided_slice %gather3A_532 {offsets = [15], sizes = [1], strides = [1]} : vector<16xf32> to vector<1xf32>
          %squeeze3A_955 = vector.extract %slice3A_954[0] : f32 from vector<1xf32>
          %add3A_956 = vector.broadcast %squeeze3A_955 : f32 to vector<16xf32>
          %add3A_957 = arith.addf %mul3A_455, %add3A_956 : vector<16xf32>
          %sub3A_958 = arith.subf %add3A_957, %mul3A_953 : vector<16xf32>
          %max3A_959 = arith.constant 1.000000e-01 : f32
          %max3A_960 = vector.broadcast %max3A_959 : f32 to vector<16xf32>
          %max3A_961 = arith.maximumf %sub3A_958, %max3A_960 : vector<16xf32>
          %div3A_962 = arith.divf %mul3A_953, %max3A_961 : vector<16xf32>
          %gt3A_963 = arith.cmpf ogt, %div3A_962, %select_n3A_937 : vector<16xf32>
          %select_n3A_964 = arith.select %gt3A_963, %div3A_962, %select_n3A_937 : vector<16xi1>, vector<16xf32>
          %slice3A_965 = vector.extract_strided_slice %select_n3A_521 {offsets = [15], sizes = [1], strides = [1]} : vector<16xi32> to vector<1xi32>
          %squeeze3A_966 = vector.extract %slice3A_965[0] : i32 from vector<1xi32>
          %broadcast_in_dim3A_967 = vector.broadcast %squeeze3A_966 : i32 to vector<16xi32>
          %select_n3A_968 = arith.select %gt3A_963, %broadcast_in_dim3A_967, %select_n3A_941 : vector<16xi1>, vector<16xi32>
          scf.yield %select_n3A_964, %select_n3A_968 : vector<16xf32>, vector<16xi32>
        }
        %while3A_469 = arith.constant 1 : i32
        %while3A_470:2 = scf.for %while3A_506 = %while3A_466 to %while3A_462 step %while3A_469 iter_args(%while3A_507 = %while3A_468#0, %while3A_508 = %while3A_468#1) -> (vector<16xf32>, vector<16xi32>)  : i32 {
          %mul3A_509 = arith.constant 16 : i32
          %mul3A_510 = arith.muli %while3A_506, %mul3A_509 : i32
          %get3A_511 = arith.index_cast %mul3A_510 : i32 to index
          %get3A_512 = tpu.vector_load %arg18[%get3A_511] {strides = array<i32>} : memref<272xi32, #tpu.memory_space<vmem>>, vector<16xi32>,
          %mul3A_513 = arith.constant 16 : i32
          %mul3A_514 = arith.muli %while3A_506, %mul3A_513 : i32
          %add3A_515 = vector.broadcast %mul3A_514 : i32 to vector<16xi32>
          %add3A_516 = arith.addi %add3A_515, %iota3A : vector<16xi32>
          %lt3A_517 = vector.broadcast %add3A_404 : i32 to vector<16xi32>
          %lt3A_518 = arith.cmpi slt, %add3A_516, %lt3A_517 : vector<16xi32>
          %jit3A_519 = arith.constant 0 : i32
          %broadcast_in_dim3A_520 = vector.broadcast %jit3A_519 : i32 to vector<16xi32>
          %select_n3A_521 = arith.select %lt3A_518, %get3A_512, %broadcast_in_dim3A_520 : vector<16xi1>, vector<16xi32>
          %add3A_522 = vector.broadcast %mul3A_43 : i32 to vector<16xi32>
          %add3A_523 = arith.addi %add3A_522, %select_n3A_521 : vector<16xi32>
          %gather3A_524 = tpu.vector_load_idx %arg7[%add3A_523] : memref<8192xf32, #tpu.memory_space<vmem>>[vector<16xi32>], vector<16xf32>,
          %add3A_525 = vector.broadcast %mul3A_45 : i32 to vector<16xi32>
          %add3A_526 = arith.addi %add3A_525, %select_n3A_521 : vector<16xi32>
          %gather3A_527 = tpu.vector_load_idx %arg8[%add3A_526] : memref<8192xf32, #tpu.memory_space<vmem>>[vector<16xi32>], vector<16xf32>,
          %mul3A_528 = arith.mulf %gather3A_524, %gather3A_527 : vector<16xf32>
          %jit3A_529 = arith.constant 0.000000e+00 : f32
          %broadcast_in_dim3A_530 = vector.broadcast %jit3A_529 : f32 to vector<16xf32>
          %select_n3A_531 = arith.select %lt3A_518, %mul3A_528, %broadcast_in_dim3A_530 : vector<16xi1>, vector<16xf32>
          %gather3A_532 = tpu.vector_load_idx %arg10[%select_n3A_521] : memref<256xf32, #tpu.memory_space<vmem>>[vector<16xi32>], vector<16xf32>,
          %mul3A_533 = arith.constant 48 : i32
          %mul3A_534 = vector.broadcast %mul3A_533 : i32 to vector<16xi32>
          %mul3A_535 = arith.muli %select_n3A_521, %mul3A_534 : vector<16xi32>
          %add3A_536 = vector.broadcast %add3A_448 : i32 to vector<16xi32>
          %add3A_537 = arith.addi %mul3A_535, %add3A_536 : vector<16xi32>
          %broadcast_in_dim3A_538 = arith.constant 0 : i32
          %broadcast_in_dim3A_539 = vector.broadcast %broadcast_in_dim3A_538 : i32 to vector<16xi32>
          %slice3A_540 = vector.extract_strided_slice %add3A_537 {offsets = [0], sizes = [1], strides = [1]} : vector<16xi32> to vector<1xi32>
          %squeeze3A_541 = vector.extract %slice3A_540[0] : i32 from vector<1xi32>
          %add3A_542 = vector.broadcast %squeeze3A_541 : i32 to vector<16xi32>
          %add3A_543 = arith.addi %broadcast_in_dim3A_539, %add3A_542 : vector<16xi32>
          %add3A_544 = arith.addi %add3A_543, %iota3A : vector<16xi32>
          %gather3A_545 = tpu.vector_load_idx %arg9[%add3A_544] : memref<12288xf32, #tpu.memory_space<vmem>>[vector<16xi32>], vector<16xf32>,
          %slice3A_546 = vector.extract_strided_slice %select_n3A_531 {offsets = [0], sizes = [1], strides = [1]} : vector<16xf32> to vector<1xf32>
          %squeeze3A_547 = vector.extract %slice3A_546[0] : f32 from vector<1xf32>
          %mul3A_548 = vector.broadcast %squeeze3A_547 : f32 to vector<16xf32>
          %mul3A_549 = arith.mulf %mul3A_548, %gather3A_545 : vector<16xf32>
          %slice3A_550 = vector.extract_strided_slice %gather3A_532 {offsets = [0], sizes = [1], strides = [1]} : vector<16xf32> to vector<1xf32>
          %squeeze3A_551 = vector.extract %slice3A_550[0] : f32 from vector<1xf32>
          %add3A_552 = vector.broadcast %squeeze3A_551 : f32 to vector<16xf32>
          %add3A_553 = arith.addf %mul3A_455, %add3A_552 : vector<16xf32>
          %sub3A_554 = arith.subf %add3A_553, %mul3A_549 : vector<16xf32>
          %max3A = arith.constant 1.000000e-01 : f32
          %max3A_555 = vector.broadcast %max3A : f32 to vector<16xf32>
          %max3A_556 = arith.maximumf %sub3A_554, %max3A_555 : vector<16xf32>
          %div3A_557 = arith.divf %mul3A_549, %max3A_556 : vector<16xf32>
          %gt3A_558 = arith.cmpf ogt, %div3A_557, %while3A_507 : vector<16xf32>
          %select_n3A_559 = arith.select %gt3A_558, %div3A_557, %while3A_507 : vector<16xi1>, vector<16xf32>
          %slice3A_560 = vector.extract_strided_slice %select_n3A_521 {offsets = [0], sizes = [1], strides = [1]} : vector<16xi32> to vector<1xi32>
          %squeeze3A_561 = vector.extract %slice3A_560[0] : i32 from vector<1xi32>
          %broadcast_in_dim3A_562 = vector.broadcast %squeeze3A_561 : i32 to vector<16xi32>
          %select_n3A_563 = arith.select %gt3A_558, %broadcast_in_dim3A_562, %while3A_508 : vector<16xi1>, vector<16xi32>
          %broadcast_in_dim3A_564 = arith.constant 0 : i32
          %broadcast_in_dim3A_565 = vector.broadcast %broadcast_in_dim3A_564 : i32 to vector<16xi32>
          %slice3A_566 = vector.extract_strided_slice %add3A_537 {offsets = [1], sizes = [1], strides = [1]} : vector<16xi32> to vector<1xi32>
          %squeeze3A_567 = vector.extract %slice3A_566[0] : i32 from vector<1xi32>
          %add3A_568 = vector.broadcast %squeeze3A_567 : i32 to vector<16xi32>
          %add3A_569 = arith.addi %broadcast_in_dim3A_565, %add3A_568 : vector<16xi32>
          %add3A_570 = arith.addi %add3A_569, %iota3A : vector<16xi32>
          %gather3A_571 = tpu.vector_load_idx %arg9[%add3A_570] : memref<12288xf32, #tpu.memory_space<vmem>>[vector<16xi32>], vector<16xf32>,
          %slice3A_572 = vector.extract_strided_slice %select_n3A_531 {offsets = [1], sizes = [1], strides = [1]} : vector<16xf32> to vector<1xf32>
          %squeeze3A_573 = vector.extract %slice3A_572[0] : f32 from vector<1xf32>
          %mul3A_574 = vector.broadcast %squeeze3A_573 : f32 to vector<16xf32>
          %mul3A_575 = arith.mulf %mul3A_574, %gather3A_571 : vector<16xf32>
          %slice3A_576 = vector.extract_strided_slice %gather3A_532 {offsets = [1], sizes = [1], strides = [1]} : vector<16xf32> to vector<1xf32>
          %squeeze3A_577 = vector.extract %slice3A_576[0] : f32 from vector<1xf32>
          %add3A_578 = vector.broadcast %squeeze3A_577 : f32 to vector<16xf32>
          %add3A_579 = arith.addf %mul3A_455, %add3A_578 : vector<16xf32>
          %sub3A_580 = arith.subf %add3A_579, %mul3A_575 : vector<16xf32>
          %max3A_581 = arith.constant 1.000000e-01 : f32
          %max3A_582 = vector.broadcast %max3A_581 : f32 to vector<16xf32>
          %max3A_583 = arith.maximumf %sub3A_580, %max3A_582 : vector<16xf32>
          %div3A_584 = arith.divf %mul3A_575, %max3A_583 : vector<16xf32>
          %gt3A_585 = arith.cmpf ogt, %div3A_584, %select_n3A_559 : vector<16xf32>
          %select_n3A_586 = arith.select %gt3A_585, %div3A_584, %select_n3A_559 : vector<16xi1>, vector<16xf32>
          %slice3A_587 = vector.extract_strided_slice %select_n3A_521 {offsets = [1], sizes = [1], strides = [1]} : vector<16xi32> to vector<1xi32>
          %squeeze3A_588 = vector.extract %slice3A_587[0] : i32 from vector<1xi32>
          %broadcast_in_dim3A_589 = vector.broadcast %squeeze3A_588 : i32 to vector<16xi32>
          %select_n3A_590 = arith.select %gt3A_585, %broadcast_in_dim3A_589, %select_n3A_563 : vector<16xi1>, vector<16xi32>
          %broadcast_in_dim3A_591 = arith.constant 0 : i32
          %broadcast_in_dim3A_592 = vector.broadcast %broadcast_in_dim3A_591 : i32 to vector<16xi32>
          %slice3A_593 = vector.extract_strided_slice %add3A_537 {offsets = [2], sizes = [1], strides = [1]} : vector<16xi32> to vector<1xi32>
          %squeeze3A_594 = vector.extract %slice3A_593[0] : i32 from vector<1xi32>
          %add3A_595 = vector.broadcast %squeeze3A_594 : i32 to vector<16xi32>
          %add3A_596 = arith.addi %broadcast_in_dim3A_592, %add3A_595 : vector<16xi32>
          %add3A_597 = arith.addi %add3A_596, %iota3A : vector<16xi32>
          %gather3A_598 = tpu.vector_load_idx %arg9[%add3A_597] : memref<12288xf32, #tpu.memory_space<vmem>>[vector<16xi32>], vector<16xf32>,
          %slice3A_599 = vector.extract_strided_slice %select_n3A_531 {offsets = [2], sizes = [1], strides = [1]} : vector<16xf32> to vector<1xf32>
          %squeeze3A_600 = vector.extract %slice3A_599[0] : f32 from vector<1xf32>
          %mul3A_601 = vector.broadcast %squeeze3A_600 : f32 to vector<16xf32>
          %mul3A_602 = arith.mulf %mul3A_601, %gather3A_598 : vector<16xf32>
          %slice3A_603 = vector.extract_strided_slice %gather3A_532 {offsets = [2], sizes = [1], strides = [1]} : vector<16xf32> to vector<1xf32>
          %squeeze3A_604 = vector.extract %slice3A_603[0] : f32 from vector<1xf32>
          %add3A_605 = vector.broadcast %squeeze3A_604 : f32 to vector<16xf32>
          %add3A_606 = arith.addf %mul3A_455, %add3A_605 : vector<16xf32>
          %sub3A_607 = arith.subf %add3A_606, %mul3A_602 : vector<16xf32>
          %max3A_608 = arith.constant 1.000000e-01 : f32
          %max3A_609 = vector.broadcast %max3A_608 : f32 to vector<16xf32>
          %max3A_610 = arith.maximumf %sub3A_607, %max3A_609 : vector<16xf32>
          %div3A_611 = arith.divf %mul3A_602, %max3A_610 : vector<16xf32>
          %gt3A_612 = arith.cmpf ogt, %div3A_611, %select_n3A_586 : vector<16xf32>
          %select_n3A_613 = arith.select %gt3A_612, %div3A_611, %select_n3A_586 : vector<16xi1>, vector<16xf32>
          %slice3A_614 = vector.extract_strided_slice %select_n3A_521 {offsets = [2], sizes = [1], strides = [1]} : vector<16xi32> to vector<1xi32>
          %squeeze3A_615 = vector.extract %slice3A_614[0] : i32 from vector<1xi32>
          %broadcast_in_dim3A_616 = vector.broadcast %squeeze3A_615 : i32 to vector<16xi32>
          %select_n3A_617 = arith.select %gt3A_612, %broadcast_in_dim3A_616, %select_n3A_590 : vector<16xi1>, vector<16xi32>
          %broadcast_in_dim3A_618 = arith.constant 0 : i32
          %broadcast_in_dim3A_619 = vector.broadcast %broadcast_in_dim3A_618 : i32 to vector<16xi32>
          %slice3A_620 = vector.extract_strided_slice %add3A_537 {offsets = [3], sizes = [1], strides = [1]} : vector<16xi32> to vector<1xi32>
          %squeeze3A_621 = vector.extract %slice3A_620[0] : i32 from vector<1xi32>
          %add3A_622 = vector.broadcast %squeeze3A_621 : i32 to vector<16xi32>
          %add3A_623 = arith.addi %broadcast_in_dim3A_619, %add3A_622 : vector<16xi32>
          %add3A_624 = arith.addi %add3A_623, %iota3A : vector<16xi32>
          %gather3A_625 = tpu.vector_load_idx %arg9[%add3A_624] : memref<12288xf32, #tpu.memory_space<vmem>>[vector<16xi32>], vector<16xf32>,
          %slice3A_626 = vector.extract_strided_slice %select_n3A_531 {offsets = [3], sizes = [1], strides = [1]} : vector<16xf32> to vector<1xf32>
          %squeeze3A_627 = vector.extract %slice3A_626[0] : f32 from vector<1xf32>
          %mul3A_628 = vector.broadcast %squeeze3A_627 : f32 to vector<16xf32>
          %mul3A_629 = arith.mulf %mul3A_628, %gather3A_625 : vector<16xf32>
          %slice3A_630 = vector.extract_strided_slice %gather3A_532 {offsets = [3], sizes = [1], strides = [1]} : vector<16xf32> to vector<1xf32>
          %squeeze3A_631 = vector.extract %slice3A_630[0] : f32 from vector<1xf32>
          %add3A_632 = vector.broadcast %squeeze3A_631 : f32 to vector<16xf32>
          %add3A_633 = arith.addf %mul3A_455, %add3A_632 : vector<16xf32>
          %sub3A_634 = arith.subf %add3A_633, %mul3A_629 : vector<16xf32>
          %max3A_635 = arith.constant 1.000000e-01 : f32
          %max3A_636 = vector.broadcast %max3A_635 : f32 to vector<16xf32>
          %max3A_637 = arith.maximumf %sub3A_634, %max3A_636 : vector<16xf32>
          %div3A_638 = arith.divf %mul3A_629, %max3A_637 : vector<16xf32>
          %gt3A_639 = arith.cmpf ogt, %div3A_638, %select_n3A_613 : vector<16xf32>
          %select_n3A_640 = arith.select %gt3A_639, %div3A_638, %select_n3A_613 : vector<16xi1>, vector<16xf32>
          %slice3A_641 = vector.extract_strided_slice %select_n3A_521 {offsets = [3], sizes = [1], strides = [1]} : vector<16xi32> to vector<1xi32>
          %squeeze3A_642 = vector.extract %slice3A_641[0] : i32 from vector<1xi32>
          %broadcast_in_dim3A_643 = vector.broadcast %squeeze3A_642 : i32 to vector<16xi32>
          %select_n3A_644 = arith.select %gt3A_639, %broadcast_in_dim3A_643, %select_n3A_617 : vector<16xi1>, vector<16xi32>
          %broadcast_in_dim3A_645 = arith.constant 0 : i32
          %broadcast_in_dim3A_646 = vector.broadcast %broadcast_in_dim3A_645 : i32 to vector<16xi32>
          %slice3A_647 = vector.extract_strided_slice %add3A_537 {offsets = [4], sizes = [1], strides = [1]} : vector<16xi32> to vector<1xi32>
          %squeeze3A_648 = vector.extract %slice3A_647[0] : i32 from vector<1xi32>
          %add3A_649 = vector.broadcast %squeeze3A_648 : i32 to vector<16xi32>
          %add3A_650 = arith.addi %broadcast_in_dim3A_646, %add3A_649 : vector<16xi32>
          %add3A_651 = arith.addi %add3A_650, %iota3A : vector<16xi32>
          %gather3A_652 = tpu.vector_load_idx %arg9[%add3A_651] : memref<12288xf32, #tpu.memory_space<vmem>>[vector<16xi32>], vector<16xf32>,
          %slice3A_653 = vector.extract_strided_slice %select_n3A_531 {offsets = [4], sizes = [1], strides = [1]} : vector<16xf32> to vector<1xf32>
          %squeeze3A_654 = vector.extract %slice3A_653[0] : f32 from vector<1xf32>
          %mul3A_655 = vector.broadcast %squeeze3A_654 : f32 to vector<16xf32>
          %mul3A_656 = arith.mulf %mul3A_655, %gather3A_652 : vector<16xf32>
          %slice3A_657 = vector.extract_strided_slice %gather3A_532 {offsets = [4], sizes = [1], strides = [1]} : vector<16xf32> to vector<1xf32>
          %squeeze3A_658 = vector.extract %slice3A_657[0] : f32 from vector<1xf32>
          %add3A_659 = vector.broadcast %squeeze3A_658 : f32 to vector<16xf32>
          %add3A_660 = arith.addf %mul3A_455, %add3A_659 : vector<16xf32>
          %sub3A_661 = arith.subf %add3A_660, %mul3A_656 : vector<16xf32>
          %max3A_662 = arith.constant 1.000000e-01 : f32
          %max3A_663 = vector.broadcast %max3A_662 : f32 to vector<16xf32>
          %max3A_664 = arith.maximumf %sub3A_661, %max3A_663 : vector<16xf32>
          %div3A_665 = arith.divf %mul3A_656, %max3A_664 : vector<16xf32>
          %gt3A_666 = arith.cmpf ogt, %div3A_665, %select_n3A_640 : vector<16xf32>
          %select_n3A_667 = arith.select %gt3A_666, %div3A_665, %select_n3A_640 : vector<16xi1>, vector<16xf32>
          %slice3A_668 = vector.extract_strided_slice %select_n3A_521 {offsets = [4], sizes = [1], strides = [1]} : vector<16xi32> to vector<1xi32>
          %squeeze3A_669 = vector.extract %slice3A_668[0] : i32 from vector<1xi32>
          %broadcast_in_dim3A_670 = vector.broadcast %squeeze3A_669 : i32 to vector<16xi32>
          %select_n3A_671 = arith.select %gt3A_666, %broadcast_in_dim3A_670, %select_n3A_644 : vector<16xi1>, vector<16xi32>
          %broadcast_in_dim3A_672 = arith.constant 0 : i32
          %broadcast_in_dim3A_673 = vector.broadcast %broadcast_in_dim3A_672 : i32 to vector<16xi32>
          %slice3A_674 = vector.extract_strided_slice %add3A_537 {offsets = [5], sizes = [1], strides = [1]} : vector<16xi32> to vector<1xi32>
          %squeeze3A_675 = vector.extract %slice3A_674[0] : i32 from vector<1xi32>
          %add3A_676 = vector.broadcast %squeeze3A_675 : i32 to vector<16xi32>
          %add3A_677 = arith.addi %broadcast_in_dim3A_673, %add3A_676 : vector<16xi32>
          %add3A_678 = arith.addi %add3A_677, %iota3A : vector<16xi32>
          %gather3A_679 = tpu.vector_load_idx %arg9[%add3A_678] : memref<12288xf32, #tpu.memory_space<vmem>>[vector<16xi32>], vector<16xf32>,
          %slice3A_680 = vector.extract_strided_slice %select_n3A_531 {offsets = [5], sizes = [1], strides = [1]} : vector<16xf32> to vector<1xf32>
          %squeeze3A_681 = vector.extract %slice3A_680[0] : f32 from vector<1xf32>
          %mul3A_682 = vector.broadcast %squeeze3A_681 : f32 to vector<16xf32>
          %mul3A_683 = arith.mulf %mul3A_682, %gather3A_679 : vector<16xf32>
          %slice3A_684 = vector.extract_strided_slice %gather3A_532 {offsets = [5], sizes = [1], strides = [1]} : vector<16xf32> to vector<1xf32>
          %squeeze3A_685 = vector.extract %slice3A_684[0] : f32 from vector<1xf32>
          %add3A_686 = vector.broadcast %squeeze3A_685 : f32 to vector<16xf32>
          %add3A_687 = arith.addf %mul3A_455, %add3A_686 : vector<16xf32>
          %sub3A_688 = arith.subf %add3A_687, %mul3A_683 : vector<16xf32>
          %max3A_689 = arith.constant 1.000000e-01 : f32
          %max3A_690 = vector.broadcast %max3A_689 : f32 to vector<16xf32>
          %max3A_691 = arith.maximumf %sub3A_688, %max3A_690 : vector<16xf32>
          %div3A_692 = arith.divf %mul3A_683, %max3A_691 : vector<16xf32>
          %gt3A_693 = arith.cmpf ogt, %div3A_692, %select_n3A_667 : vector<16xf32>
          %select_n3A_694 = arith.select %gt3A_693, %div3A_692, %select_n3A_667 : vector<16xi1>, vector<16xf32>
          %slice3A_695 = vector.extract_strided_slice %select_n3A_521 {offsets = [5], sizes = [1], strides = [1]} : vector<16xi32> to vector<1xi32>
          %squeeze3A_696 = vector.extract %slice3A_695[0] : i32 from vector<1xi32>
          %broadcast_in_dim3A_697 = vector.broadcast %squeeze3A_696 : i32 to vector<16xi32>
          %select_n3A_698 = arith.select %gt3A_693, %broadcast_in_dim3A_697, %select_n3A_671 : vector<16xi1>, vector<16xi32>
          %broadcast_in_dim3A_699 = arith.constant 0 : i32
          %broadcast_in_dim3A_700 = vector.broadcast %broadcast_in_dim3A_699 : i32 to vector<16xi32>
          %slice3A_701 = vector.extract_strided_slice %add3A_537 {offsets = [6], sizes = [1], strides = [1]} : vector<16xi32> to vector<1xi32>
          %squeeze3A_702 = vector.extract %slice3A_701[0] : i32 from vector<1xi32>
          %add3A_703 = vector.broadcast %squeeze3A_702 : i32 to vector<16xi32>
          %add3A_704 = arith.addi %broadcast_in_dim3A_700, %add3A_703 : vector<16xi32>
          %add3A_705 = arith.addi %add3A_704, %iota3A : vector<16xi32>
          %gather3A_706 = tpu.vector_load_idx %arg9[%add3A_705] : memref<12288xf32, #tpu.memory_space<vmem>>[vector<16xi32>], vector<16xf32>,
          %slice3A_707 = vector.extract_strided_slice %select_n3A_531 {offsets = [6], sizes = [1], strides = [1]} : vector<16xf32> to vector<1xf32>
          %squeeze3A_708 = vector.extract %slice3A_707[0] : f32 from vector<1xf32>
          %mul3A_709 = vector.broadcast %squeeze3A_708 : f32 to vector<16xf32>
          %mul3A_710 = arith.mulf %mul3A_709, %gather3A_706 : vector<16xf32>
          %slice3A_711 = vector.extract_strided_slice %gather3A_532 {offsets = [6], sizes = [1], strides = [1]} : vector<16xf32> to vector<1xf32>
          %squeeze3A_712 = vector.extract %slice3A_711[0] : f32 from vector<1xf32>
          %add3A_713 = vector.broadcast %squeeze3A_712 : f32 to vector<16xf32>
          %add3A_714 = arith.addf %mul3A_455, %add3A_713 : vector<16xf32>
          %sub3A_715 = arith.subf %add3A_714, %mul3A_710 : vector<16xf32>
          %max3A_716 = arith.constant 1.000000e-01 : f32
          %max3A_717 = vector.broadcast %max3A_716 : f32 to vector<16xf32>
          %max3A_718 = arith.maximumf %sub3A_715, %max3A_717 : vector<16xf32>
          %div3A_719 = arith.divf %mul3A_710, %max3A_718 : vector<16xf32>
          %gt3A_720 = arith.cmpf ogt, %div3A_719, %select_n3A_694 : vector<16xf32>
          %select_n3A_721 = arith.select %gt3A_720, %div3A_719, %select_n3A_694 : vector<16xi1>, vector<16xf32>
          %slice3A_722 = vector.extract_strided_slice %select_n3A_521 {offsets = [6], sizes = [1], strides = [1]} : vector<16xi32> to vector<1xi32>
          %squeeze3A_723 = vector.extract %slice3A_722[0] : i32 from vector<1xi32>
          %broadcast_in_dim3A_724 = vector.broadcast %squeeze3A_723 : i32 to vector<16xi32>
          %select_n3A_725 = arith.select %gt3A_720, %broadcast_in_dim3A_724, %select_n3A_698 : vector<16xi1>, vector<16xi32>
          %broadcast_in_dim3A_726 = arith.constant 0 : i32
          %broadcast_in_dim3A_727 = vector.broadcast %broadcast_in_dim3A_726 : i32 to vector<16xi32>
          %slice3A_728 = vector.extract_strided_slice %add3A_537 {offsets = [7], sizes = [1], strides = [1]} : vector<16xi32> to vector<1xi32>
          %squeeze3A_729 = vector.extract %slice3A_728[0] : i32 from vector<1xi32>
          %add3A_730 = vector.broadcast %squeeze3A_729 : i32 to vector<16xi32>
          %add3A_731 = arith.addi %broadcast_in_dim3A_727, %add3A_730 : vector<16xi32>
          %add3A_732 = arith.addi %add3A_731, %iota3A : vector<16xi32>
          %gather3A_733 = tpu.vector_load_idx %arg9[%add3A_732] : memref<12288xf32, #tpu.memory_space<vmem>>[vector<16xi32>], vector<16xf32>,
          %slice3A_734 = vector.extract_strided_slice %select_n3A_531 {offsets = [7], sizes = [1], strides = [1]} : vector<16xf32> to vector<1xf32>
          %squeeze3A_735 = vector.extract %slice3A_734[0] : f32 from vector<1xf32>
          %mul3A_736 = vector.broadcast %squeeze3A_735 : f32 to vector<16xf32>
          %mul3A_737 = arith.mulf %mul3A_736, %gather3A_733 : vector<16xf32>
          %slice3A_738 = vector.extract_strided_slice %gather3A_532 {offsets = [7], sizes = [1], strides = [1]} : vector<16xf32> to vector<1xf32>
          %squeeze3A_739 = vector.extract %slice3A_738[0] : f32 from vector<1xf32>
          %add3A_740 = vector.broadcast %squeeze3A_739 : f32 to vector<16xf32>
          %add3A_741 = arith.addf %mul3A_455, %add3A_740 : vector<16xf32>
          %sub3A_742 = arith.subf %add3A_741, %mul3A_737 : vector<16xf32>
          %max3A_743 = arith.constant 1.000000e-01 : f32
          %max3A_744 = vector.broadcast %max3A_743 : f32 to vector<16xf32>
          %max3A_745 = arith.maximumf %sub3A_742, %max3A_744 : vector<16xf32>
          %div3A_746 = arith.divf %mul3A_737, %max3A_745 : vector<16xf32>
          %gt3A_747 = arith.cmpf ogt, %div3A_746, %select_n3A_721 : vector<16xf32>
          %select_n3A_748 = arith.select %gt3A_747, %div3A_746, %select_n3A_721 : vector<16xi1>, vector<16xf32>
          %slice3A_749 = vector.extract_strided_slice %select_n3A_521 {offsets = [7], sizes = [1], strides = [1]} : vector<16xi32> to vector<1xi32>
          %squeeze3A_750 = vector.extract %slice3A_749[0] : i32 from vector<1xi32>
          %broadcast_in_dim3A_751 = vector.broadcast %squeeze3A_750 : i32 to vector<16xi32>
          %select_n3A_752 = arith.select %gt3A_747, %broadcast_in_dim3A_751, %select_n3A_725 : vector<16xi1>, vector<16xi32>
          %broadcast_in_dim3A_753 = arith.constant 0 : i32
          %broadcast_in_dim3A_754 = vector.broadcast %broadcast_in_dim3A_753 : i32 to vector<16xi32>
          %slice3A_755 = vector.extract_strided_slice %add3A_537 {offsets = [8], sizes = [1], strides = [1]} : vector<16xi32> to vector<1xi32>
          %squeeze3A_756 = vector.extract %slice3A_755[0] : i32 from vector<1xi32>
          %add3A_757 = vector.broadcast %squeeze3A_756 : i32 to vector<16xi32>
          %add3A_758 = arith.addi %broadcast_in_dim3A_754, %add3A_757 : vector<16xi32>
          %add3A_759 = arith.addi %add3A_758, %iota3A : vector<16xi32>
          %gather3A_760 = tpu.vector_load_idx %arg9[%add3A_759] : memref<12288xf32, #tpu.memory_space<vmem>>[vector<16xi32>], vector<16xf32>,
          %slice3A_761 = vector.extract_strided_slice %select_n3A_531 {offsets = [8], sizes = [1], strides = [1]} : vector<16xf32> to vector<1xf32>
          %squeeze3A_762 = vector.extract %slice3A_761[0] : f32 from vector<1xf32>
          %mul3A_763 = vector.broadcast %squeeze3A_762 : f32 to vector<16xf32>
          %mul3A_764 = arith.mulf %mul3A_763, %gather3A_760 : vector<16xf32>
          %slice3A_765 = vector.extract_strided_slice %gather3A_532 {offsets = [8], sizes = [1], strides = [1]} : vector<16xf32> to vector<1xf32>
          %squeeze3A_766 = vector.extract %slice3A_765[0] : f32 from vector<1xf32>
          %add3A_767 = vector.broadcast %squeeze3A_766 : f32 to vector<16xf32>
          %add3A_768 = arith.addf %mul3A_455, %add3A_767 : vector<16xf32>
          %sub3A_769 = arith.subf %add3A_768, %mul3A_764 : vector<16xf32>
          %max3A_770 = arith.constant 1.000000e-01 : f32
          %max3A_771 = vector.broadcast %max3A_770 : f32 to vector<16xf32>
          %max3A_772 = arith.maximumf %sub3A_769, %max3A_771 : vector<16xf32>
          %div3A_773 = arith.divf %mul3A_764, %max3A_772 : vector<16xf32>
          %gt3A_774 = arith.cmpf ogt, %div3A_773, %select_n3A_748 : vector<16xf32>
          %select_n3A_775 = arith.select %gt3A_774, %div3A_773, %select_n3A_748 : vector<16xi1>, vector<16xf32>
          %slice3A_776 = vector.extract_strided_slice %select_n3A_521 {offsets = [8], sizes = [1], strides = [1]} : vector<16xi32> to vector<1xi32>
          %squeeze3A_777 = vector.extract %slice3A_776[0] : i32 from vector<1xi32>
          %broadcast_in_dim3A_778 = vector.broadcast %squeeze3A_777 : i32 to vector<16xi32>
          %select_n3A_779 = arith.select %gt3A_774, %broadcast_in_dim3A_778, %select_n3A_752 : vector<16xi1>, vector<16xi32>
          %broadcast_in_dim3A_780 = arith.constant 0 : i32
          %broadcast_in_dim3A_781 = vector.broadcast %broadcast_in_dim3A_780 : i32 to vector<16xi32>
          %slice3A_782 = vector.extract_strided_slice %add3A_537 {offsets = [9], sizes = [1], strides = [1]} : vector<16xi32> to vector<1xi32>
          %squeeze3A_783 = vector.extract %slice3A_782[0] : i32 from vector<1xi32>
          %add3A_784 = vector.broadcast %squeeze3A_783 : i32 to vector<16xi32>
          %add3A_785 = arith.addi %broadcast_in_dim3A_781, %add3A_784 : vector<16xi32>
          %add3A_786 = arith.addi %add3A_785, %iota3A : vector<16xi32>
          %gather3A_787 = tpu.vector_load_idx %arg9[%add3A_786] : memref<12288xf32, #tpu.memory_space<vmem>>[vector<16xi32>], vector<16xf32>,
          %slice3A_788 = vector.extract_strided_slice %select_n3A_531 {offsets = [9], sizes = [1], strides = [1]} : vector<16xf32> to vector<1xf32>
          %squeeze3A_789 = vector.extract %slice3A_788[0] : f32 from vector<1xf32>
          %mul3A_790 = vector.broadcast %squeeze3A_789 : f32 to vector<16xf32>
          %mul3A_791 = arith.mulf %mul3A_790, %gather3A_787 : vector<16xf32>
          %slice3A_792 = vector.extract_strided_slice %gather3A_532 {offsets = [9], sizes = [1], strides = [1]} : vector<16xf32> to vector<1xf32>
          %squeeze3A_793 = vector.extract %slice3A_792[0] : f32 from vector<1xf32>
          %add3A_794 = vector.broadcast %squeeze3A_793 : f32 to vector<16xf32>
          %add3A_795 = arith.addf %mul3A_455, %add3A_794 : vector<16xf32>
          %sub3A_796 = arith.subf %add3A_795, %mul3A_791 : vector<16xf32>
          %max3A_797 = arith.constant 1.000000e-01 : f32
          %max3A_798 = vector.broadcast %max3A_797 : f32 to vector<16xf32>
          %max3A_799 = arith.maximumf %sub3A_796, %max3A_798 : vector<16xf32>
          %div3A_800 = arith.divf %mul3A_791, %max3A_799 : vector<16xf32>
          %gt3A_801 = arith.cmpf ogt, %div3A_800, %select_n3A_775 : vector<16xf32>
          %select_n3A_802 = arith.select %gt3A_801, %div3A_800, %select_n3A_775 : vector<16xi1>, vector<16xf32>
          %slice3A_803 = vector.extract_strided_slice %select_n3A_521 {offsets = [9], sizes = [1], strides = [1]} : vector<16xi32> to vector<1xi32>
          %squeeze3A_804 = vector.extract %slice3A_803[0] : i32 from vector<1xi32>
          %broadcast_in_dim3A_805 = vector.broadcast %squeeze3A_804 : i32 to vector<16xi32>
          %select_n3A_806 = arith.select %gt3A_801, %broadcast_in_dim3A_805, %select_n3A_779 : vector<16xi1>, vector<16xi32>
          %broadcast_in_dim3A_807 = arith.constant 0 : i32
          %broadcast_in_dim3A_808 = vector.broadcast %broadcast_in_dim3A_807 : i32 to vector<16xi32>
          %slice3A_809 = vector.extract_strided_slice %add3A_537 {offsets = [10], sizes = [1], strides = [1]} : vector<16xi32> to vector<1xi32>
          %squeeze3A_810 = vector.extract %slice3A_809[0] : i32 from vector<1xi32>
          %add3A_811 = vector.broadcast %squeeze3A_810 : i32 to vector<16xi32>
          %add3A_812 = arith.addi %broadcast_in_dim3A_808, %add3A_811 : vector<16xi32>
          %add3A_813 = arith.addi %add3A_812, %iota3A : vector<16xi32>
          %gather3A_814 = tpu.vector_load_idx %arg9[%add3A_813] : memref<12288xf32, #tpu.memory_space<vmem>>[vector<16xi32>], vector<16xf32>,
          %slice3A_815 = vector.extract_strided_slice %select_n3A_531 {offsets = [10], sizes = [1], strides = [1]} : vector<16xf32> to vector<1xf32>
          %squeeze3A_816 = vector.extract %slice3A_815[0] : f32 from vector<1xf32>
          %mul3A_817 = vector.broadcast %squeeze3A_816 : f32 to vector<16xf32>
          %mul3A_818 = arith.mulf %mul3A_817, %gather3A_814 : vector<16xf32>
          %slice3A_819 = vector.extract_strided_slice %gather3A_532 {offsets = [10], sizes = [1], strides = [1]} : vector<16xf32> to vector<1xf32>
          %squeeze3A_820 = vector.extract %slice3A_819[0] : f32 from vector<1xf32>
          %add3A_821 = vector.broadcast %squeeze3A_820 : f32 to vector<16xf32>
          %add3A_822 = arith.addf %mul3A_455, %add3A_821 : vector<16xf32>
          %sub3A_823 = arith.subf %add3A_822, %mul3A_818 : vector<16xf32>
          %max3A_824 = arith.constant 1.000000e-01 : f32
          %max3A_825 = vector.broadcast %max3A_824 : f32 to vector<16xf32>
          %max3A_826 = arith.maximumf %sub3A_823, %max3A_825 : vector<16xf32>
          %div3A_827 = arith.divf %mul3A_818, %max3A_826 : vector<16xf32>
          %gt3A_828 = arith.cmpf ogt, %div3A_827, %select_n3A_802 : vector<16xf32>
          %select_n3A_829 = arith.select %gt3A_828, %div3A_827, %select_n3A_802 : vector<16xi1>, vector<16xf32>
          %slice3A_830 = vector.extract_strided_slice %select_n3A_521 {offsets = [10], sizes = [1], strides = [1]} : vector<16xi32> to vector<1xi32>
          %squeeze3A_831 = vector.extract %slice3A_830[0] : i32 from vector<1xi32>
          %broadcast_in_dim3A_832 = vector.broadcast %squeeze3A_831 : i32 to vector<16xi32>
          %select_n3A_833 = arith.select %gt3A_828, %broadcast_in_dim3A_832, %select_n3A_806 : vector<16xi1>, vector<16xi32>
          %broadcast_in_dim3A_834 = arith.constant 0 : i32
          %broadcast_in_dim3A_835 = vector.broadcast %broadcast_in_dim3A_834 : i32 to vector<16xi32>
          %slice3A_836 = vector.extract_strided_slice %add3A_537 {offsets = [11], sizes = [1], strides = [1]} : vector<16xi32> to vector<1xi32>
          %squeeze3A_837 = vector.extract %slice3A_836[0] : i32 from vector<1xi32>
          %add3A_838 = vector.broadcast %squeeze3A_837 : i32 to vector<16xi32>
          %add3A_839 = arith.addi %broadcast_in_dim3A_835, %add3A_838 : vector<16xi32>
          %add3A_840 = arith.addi %add3A_839, %iota3A : vector<16xi32>
          %gather3A_841 = tpu.vector_load_idx %arg9[%add3A_840] : memref<12288xf32, #tpu.memory_space<vmem>>[vector<16xi32>], vector<16xf32>,
          %slice3A_842 = vector.extract_strided_slice %select_n3A_531 {offsets = [11], sizes = [1], strides = [1]} : vector<16xf32> to vector<1xf32>
          %squeeze3A_843 = vector.extract %slice3A_842[0] : f32 from vector<1xf32>
          %mul3A_844 = vector.broadcast %squeeze3A_843 : f32 to vector<16xf32>
          %mul3A_845 = arith.mulf %mul3A_844, %gather3A_841 : vector<16xf32>
          %slice3A_846 = vector.extract_strided_slice %gather3A_532 {offsets = [11], sizes = [1], strides = [1]} : vector<16xf32> to vector<1xf32>
          %squeeze3A_847 = vector.extract %slice3A_846[0] : f32 from vector<1xf32>
          %add3A_848 = vector.broadcast %squeeze3A_847 : f32 to vector<16xf32>
          %add3A_849 = arith.addf %mul3A_455, %add3A_848 : vector<16xf32>
          %sub3A_850 = arith.subf %add3A_849, %mul3A_845 : vector<16xf32>
          %max3A_851 = arith.constant 1.000000e-01 : f32
          %max3A_852 = vector.broadcast %max3A_851 : f32 to vector<16xf32>
          %max3A_853 = arith.maximumf %sub3A_850, %max3A_852 : vector<16xf32>
          %div3A_854 = arith.divf %mul3A_845, %max3A_853 : vector<16xf32>
          %gt3A_855 = arith.cmpf ogt, %div3A_854, %select_n3A_829 : vector<16xf32>
          %select_n3A_856 = arith.select %gt3A_855, %div3A_854, %select_n3A_829 : vector<16xi1>, vector<16xf32>
          %slice3A_857 = vector.extract_strided_slice %select_n3A_521 {offsets = [11], sizes = [1], strides = [1]} : vector<16xi32> to vector<1xi32>
          %squeeze3A_858 = vector.extract %slice3A_857[0] : i32 from vector<1xi32>
          %broadcast_in_dim3A_859 = vector.broadcast %squeeze3A_858 : i32 to vector<16xi32>
          %select_n3A_860 = arith.select %gt3A_855, %broadcast_in_dim3A_859, %select_n3A_833 : vector<16xi1>, vector<16xi32>
          %broadcast_in_dim3A_861 = arith.constant 0 : i32
          %broadcast_in_dim3A_862 = vector.broadcast %broadcast_in_dim3A_861 : i32 to vector<16xi32>
          %slice3A_863 = vector.extract_strided_slice %add3A_537 {offsets = [12], sizes = [1], strides = [1]} : vector<16xi32> to vector<1xi32>
          %squeeze3A_864 = vector.extract %slice3A_863[0] : i32 from vector<1xi32>
          %add3A_865 = vector.broadcast %squeeze3A_864 : i32 to vector<16xi32>
          %add3A_866 = arith.addi %broadcast_in_dim3A_862, %add3A_865 : vector<16xi32>
          %add3A_867 = arith.addi %add3A_866, %iota3A : vector<16xi32>
          %gather3A_868 = tpu.vector_load_idx %arg9[%add3A_867] : memref<12288xf32, #tpu.memory_space<vmem>>[vector<16xi32>], vector<16xf32>,
          %slice3A_869 = vector.extract_strided_slice %select_n3A_531 {offsets = [12], sizes = [1], strides = [1]} : vector<16xf32> to vector<1xf32>
          %squeeze3A_870 = vector.extract %slice3A_869[0] : f32 from vector<1xf32>
          %mul3A_871 = vector.broadcast %squeeze3A_870 : f32 to vector<16xf32>
          %mul3A_872 = arith.mulf %mul3A_871, %gather3A_868 : vector<16xf32>
          %slice3A_873 = vector.extract_strided_slice %gather3A_532 {offsets = [12], sizes = [1], strides = [1]} : vector<16xf32> to vector<1xf32>
          %squeeze3A_874 = vector.extract %slice3A_873[0] : f32 from vector<1xf32>
          %add3A_875 = vector.broadcast %squeeze3A_874 : f32 to vector<16xf32>
          %add3A_876 = arith.addf %mul3A_455, %add3A_875 : vector<16xf32>
          %sub3A_877 = arith.subf %add3A_876, %mul3A_872 : vector<16xf32>
          %max3A_878 = arith.constant 1.000000e-01 : f32
          %max3A_879 = vector.broadcast %max3A_878 : f32 to vector<16xf32>
          %max3A_880 = arith.maximumf %sub3A_877, %max3A_879 : vector<16xf32>
          %div3A_881 = arith.divf %mul3A_872, %max3A_880 : vector<16xf32>
          %gt3A_882 = arith.cmpf ogt, %div3A_881, %select_n3A_856 : vector<16xf32>
          %select_n3A_883 = arith.select %gt3A_882, %div3A_881, %select_n3A_856 : vector<16xi1>, vector<16xf32>
          %slice3A_884 = vector.extract_strided_slice %select_n3A_521 {offsets = [12], sizes = [1], strides = [1]} : vector<16xi32> to vector<1xi32>
          %squeeze3A_885 = vector.extract %slice3A_884[0] : i32 from vector<1xi32>
          %broadcast_in_dim3A_886 = vector.broadcast %squeeze3A_885 : i32 to vector<16xi32>
          %select_n3A_887 = arith.select %gt3A_882, %broadcast_in_dim3A_886, %select_n3A_860 : vector<16xi1>, vector<16xi32>
          %broadcast_in_dim3A_888 = arith.constant 0 : i32
          %broadcast_in_dim3A_889 = vector.broadcast %broadcast_in_dim3A_888 : i32 to vector<16xi32>
          %slice3A_890 = vector.extract_strided_slice %add3A_537 {offsets = [13], sizes = [1], strides = [1]} : vector<16xi32> to vector<1xi32>
          %squeeze3A_891 = vector.extract %slice3A_890[0] : i32 from vector<1xi32>
          %add3A_892 = vector.broadcast %squeeze3A_891 : i32 to vector<16xi32>
          %add3A_893 = arith.addi %broadcast_in_dim3A_889, %add3A_892 : vector<16xi32>
          %add3A_894 = arith.addi %add3A_893, %iota3A : vector<16xi32>
          %gather3A_895 = tpu.vector_load_idx %arg9[%add3A_894] : memref<12288xf32, #tpu.memory_space<vmem>>[vector<16xi32>], vector<16xf32>,
          %slice3A_896 = vector.extract_strided_slice %select_n3A_531 {offsets = [13], sizes = [1], strides = [1]} : vector<16xf32> to vector<1xf32>
          %squeeze3A_897 = vector.extract %slice3A_896[0] : f32 from vector<1xf32>
          %mul3A_898 = vector.broadcast %squeeze3A_897 : f32 to vector<16xf32>
          %mul3A_899 = arith.mulf %mul3A_898, %gather3A_895 : vector<16xf32>
          %slice3A_900 = vector.extract_strided_slice %gather3A_532 {offsets = [13], sizes = [1], strides = [1]} : vector<16xf32> to vector<1xf32>
          %squeeze3A_901 = vector.extract %slice3A_900[0] : f32 from vector<1xf32>
          %add3A_902 = vector.broadcast %squeeze3A_901 : f32 to vector<16xf32>
          %add3A_903 = arith.addf %mul3A_455, %add3A_902 : vector<16xf32>
          %sub3A_904 = arith.subf %add3A_903, %mul3A_899 : vector<16xf32>
          %max3A_905 = arith.constant 1.000000e-01 : f32
          %max3A_906 = vector.broadcast %max3A_905 : f32 to vector<16xf32>
          %max3A_907 = arith.maximumf %sub3A_904, %max3A_906 : vector<16xf32>
          %div3A_908 = arith.divf %mul3A_899, %max3A_907 : vector<16xf32>
          %gt3A_909 = arith.cmpf ogt, %div3A_908, %select_n3A_883 : vector<16xf32>
          %select_n3A_910 = arith.select %gt3A_909, %div3A_908, %select_n3A_883 : vector<16xi1>, vector<16xf32>
          %slice3A_911 = vector.extract_strided_slice %select_n3A_521 {offsets = [13], sizes = [1], strides = [1]} : vector<16xi32> to vector<1xi32>
          %squeeze3A_912 = vector.extract %slice3A_911[0] : i32 from vector<1xi32>
          %broadcast_in_dim3A_913 = vector.broadcast %squeeze3A_912 : i32 to vector<16xi32>
          %select_n3A_914 = arith.select %gt3A_909, %broadcast_in_dim3A_913, %select_n3A_887 : vector<16xi1>, vector<16xi32>
          %broadcast_in_dim3A_915 = arith.constant 0 : i32
          %broadcast_in_dim3A_916 = vector.broadcast %broadcast_in_dim3A_915 : i32 to vector<16xi32>
          %slice3A_917 = vector.extract_strided_slice %add3A_537 {offsets = [14], sizes = [1], strides = [1]} : vector<16xi32> to vector<1xi32>
          %squeeze3A_918 = vector.extract %slice3A_917[0] : i32 from vector<1xi32>
          %add3A_919 = vector.broadcast %squeeze3A_918 : i32 to vector<16xi32>
          %add3A_920 = arith.addi %broadcast_in_dim3A_916, %add3A_919 : vector<16xi32>
          %add3A_921 = arith.addi %add3A_920, %iota3A : vector<16xi32>
          %gather3A_922 = tpu.vector_load_idx %arg9[%add3A_921] : memref<12288xf32, #tpu.memory_space<vmem>>[vector<16xi32>], vector<16xf32>,
          %slice3A_923 = vector.extract_strided_slice %select_n3A_531 {offsets = [14], sizes = [1], strides = [1]} : vector<16xf32> to vector<1xf32>
          %squeeze3A_924 = vector.extract %slice3A_923[0] : f32 from vector<1xf32>
          %mul3A_925 = vector.broadcast %squeeze3A_924 : f32 to vector<16xf32>
          %mul3A_926 = arith.mulf %mul3A_925, %gather3A_922 : vector<16xf32>
          %slice3A_927 = vector.extract_strided_slice %gather3A_532 {offsets = [14], sizes = [1], strides = [1]} : vector<16xf32> to vector<1xf32>
          %squeeze3A_928 = vector.extract %slice3A_927[0] : f32 from vector<1xf32>
          %add3A_929 = vector.broadcast %squeeze3A_928 : f32 to vector<16xf32>
          %add3A_930 = arith.addf %mul3A_455, %add3A_929 : vector<16xf32>
          %sub3A_931 = arith.subf %add3A_930, %mul3A_926 : vector<16xf32>
          %max3A_932 = arith.constant 1.000000e-01 : f32
          %max3A_933 = vector.broadcast %max3A_932 : f32 to vector<16xf32>
          %max3A_934 = arith.maximumf %sub3A_931, %max3A_933 : vector<16xf32>
          %div3A_935 = arith.divf %mul3A_926, %max3A_934 : vector<16xf32>
          %gt3A_936 = arith.cmpf ogt, %div3A_935, %select_n3A_910 : vector<16xf32>
          %select_n3A_937 = arith.select %gt3A_936, %div3A_935, %select_n3A_910 : vector<16xi1>, vector<16xf32>
          %slice3A_938 = vector.extract_strided_slice %select_n3A_521 {offsets = [14], sizes = [1], strides = [1]} : vector<16xi32> to vector<1xi32>
          %squeeze3A_939 = vector.extract %slice3A_938[0] : i32 from vector<1xi32>
          %broadcast_in_dim3A_940 = vector.broadcast %squeeze3A_939 : i32 to vector<16xi32>
          %select_n3A_941 = arith.select %gt3A_936, %broadcast_in_dim3A_940, %select_n3A_914 : vector<16xi1>, vector<16xi32>
          %broadcast_in_dim3A_942 = arith.constant 0 : i32
          %broadcast_in_dim3A_943 = vector.broadcast %broadcast_in_dim3A_942 : i32 to vector<16xi32>
          %slice3A_944 = vector.extract_strided_slice %add3A_537 {offsets = [15], sizes = [1], strides = [1]} : vector<16xi32> to vector<1xi32>
          %squeeze3A_945 = vector.extract %slice3A_944[0] : i32 from vector<1xi32>
          %add3A_946 = vector.broadcast %squeeze3A_945 : i32 to vector<16xi32>
          %add3A_947 = arith.addi %broadcast_in_dim3A_943, %add3A_946 : vector<16xi32>
          %add3A_948 = arith.addi %add3A_947, %iota3A : vector<16xi32>
          %gather3A_949 = tpu.vector_load_idx %arg9[%add3A_948] : memref<12288xf32, #tpu.memory_space<vmem>>[vector<16xi32>], vector<16xf32>,
          %slice3A_950 = vector.extract_strided_slice %select_n3A_531 {offsets = [15], sizes = [1], strides = [1]} : vector<16xf32> to vector<1xf32>
          %squeeze3A_951 = vector.extract %slice3A_950[0] : f32 from vector<1xf32>
          %mul3A_952 = vector.broadcast %squeeze3A_951 : f32 to vector<16xf32>
          %mul3A_953 = arith.mulf %mul3A_952, %gather3A_949 : vector<16xf32>
          %slice3A_954 = vector.extract_strided_slice %gather3A_532 {offsets = [15], sizes = [1], strides = [1]} : vector<16xf32> to vector<1xf32>
          %squeeze3A_955 = vector.extract %slice3A_954[0] : f32 from vector<1xf32>
          %add3A_956 = vector.broadcast %squeeze3A_955 : f32 to vector<16xf32>
          %add3A_957 = arith.addf %mul3A_455, %add3A_956 : vector<16xf32>
          %sub3A_958 = arith.subf %add3A_957, %mul3A_953 : vector<16xf32>
          %max3A_959 = arith.constant 1.000000e-01 : f32
          %max3A_960 = vector.broadcast %max3A_959 : f32 to vector<16xf32>
          %max3A_961 = arith.maximumf %sub3A_958, %max3A_960 : vector<16xf32>
          %div3A_962 = arith.divf %mul3A_953, %max3A_961 : vector<16xf32>
          %gt3A_963 = arith.cmpf ogt, %div3A_962, %select_n3A_937 : vector<16xf32>
          %select_n3A_964 = arith.select %gt3A_963, %div3A_962, %select_n3A_937 : vector<16xi1>, vector<16xf32>
          %slice3A_965 = vector.extract_strided_slice %select_n3A_521 {offsets = [15], sizes = [1], strides = [1]} : vector<16xi32> to vector<1xi32>
          %squeeze3A_966 = vector.extract %slice3A_965[0] : i32 from vector<1xi32>
          %broadcast_in_dim3A_967 = vector.broadcast %squeeze3A_966 : i32 to vector<16xi32>
          %select_n3A_968 = arith.select %gt3A_963, %broadcast_in_dim3A_967, %select_n3A_941 : vector<16xi1>, vector<16xi32>
          scf.yield %select_n3A_964, %select_n3A_968 : vector<16xf32>, vector<16xi32>
        }
        %add3A_471 = vector.broadcast %mul3A_43 : i32 to vector<16xi32>
        %add3A_472 = arith.addi %add3A_471, %while3A_470#1 : vector<16xi32>
        %gather3A_473 = tpu.vector_load_idx %arg7[%add3A_472] : memref<8192xf32, #tpu.memory_space<vmem>>[vector<16xi32>], vector<16xf32>,
        %add3A_474 = vector.broadcast %mul3A_45 : i32 to vector<16xi32>
        %add3A_475 = arith.addi %add3A_474, %while3A_470#1 : vector<16xi32>
        %gather3A_476 = tpu.vector_load_idx %arg8[%add3A_475] : memref<8192xf32, #tpu.memory_space<vmem>>[vector<16xi32>], vector<16xf32>,
        %mul3A_477 = arith.constant 48 : i32
        %mul3A_478 = vector.broadcast %mul3A_477 : i32 to vector<16xi32>
        %mul3A_479 = arith.muli %while3A_470#1, %mul3A_478 : vector<16xi32>
        %add3A_480 = vector.broadcast %add3A_448 : i32 to vector<16xi32>
        %add3A_481 = arith.addi %mul3A_479, %add3A_480 : vector<16xi32>
        %add3A_482 = arith.addi %add3A_481, %iota3A : vector<16xi32>
        %gather3A_483 = tpu.vector_load_idx %arg9[%add3A_482] : memref<12288xf32, #tpu.memory_space<vmem>>[vector<16xi32>], vector<16xf32>,
        %mul3A_484 = arith.mulf %gather3A_473, %gather3A_476 : vector<16xf32>
        %mul3A_485 = arith.mulf %mul3A_484, %gather3A_483 : vector<16xf32>
        %gt3A_486 = vector.broadcast %squeeze3A : f32 to vector<16xf32>
        %gt3A_487 = arith.cmpf ogt, %mul3A_485, %gt3A_486 : vector<16xf32>
        %gt3A_488 = arith.constant 5.000000e-01 : f32
        %gt3A_489 = vector.broadcast %gt3A_488 : f32 to vector<16xf32>
        %gt3A_490 = arith.cmpf ogt, %gather3A_454, %gt3A_489 : vector<16xf32>
        %and3A_491 = arith.andi %gt3A_487, %gt3A_490 : vector<16xi1>
        %gather3A_492 = tpu.vector_load_idx %arg11[%while3A_470#1] : memref<256xf32, #tpu.memory_space<vmem>>[vector<16xi32>], vector<16xf32>,
        %gather3A_493 = tpu.vector_load_idx %arg12[%while3A_470#1] : memref<256xf32, #tpu.memory_space<vmem>>[vector<16xi32>], vector<16xf32>,
        %select_n3A_494 = arith.select %and3A_491, %gather3A_492, %broadcast_in_dim3A_14 : vector<16xi1>, vector<16xf32>
        %select_n3A_495 = arith.select %and3A_491, %gather3A_493, %broadcast_in_dim3A_14 : vector<16xi1>, vector<16xf32>
        %mul3A_496 = arith.constant 64 : i32
        %mul3A_497 = arith.muli %scan3A_26, %mul3A_496 : i32
        %mul3A_498 = arith.constant 2 : i32
        %mul3A_499 = vector.broadcast %mul3A_498 : i32 to vector<16xi32>
        %mul3A_500 = arith.muli %add3A_450, %mul3A_499 : vector<16xi32>
        %add3A_501 = vector.broadcast %mul3A_497 : i32 to vector<16xi32>
        %add3A_502 = arith.addi %add3A_501, %mul3A_500 : vector<16xi32>
        tpu.vector_store_idx %arg19[%add3A_502], %select_n3A_494 masked %lt3A_452 : memref<2048xf32, #tpu.memory_space<vmem>>[vector<16xi32>], vector<16xf32>, vector<16xi1>
        %add3A_503 = arith.constant 1 : i32
        %add3A_504 = vector.broadcast %add3A_503 : i32 to vector<16xi32>
        %add3A_505 = arith.addi %add3A_502, %add3A_504 : vector<16xi32>
        tpu.vector_store_idx %arg19[%add3A_505], %select_n3A_495 masked %lt3A_452 : memref<2048xf32, #tpu.memory_space<vmem>>[vector<16xi32>], vector<16xf32>, vector<16xi1>
      }
      %while3A_432 = arith.constant 1 : i32
      scf.for %while3A_445 = %while3A_430 to %while3A_426 step %while3A_432  : i32 {
        %mul3A_446 = arith.constant 16 : i32
        %mul3A_447 = arith.muli %while3A_445, %mul3A_446 : i32
        %add3A_448 = arith.addi %convert_element_type3A, %mul3A_447 : i32
        %add3A_449 = vector.broadcast %add3A_448 : i32 to vector<16xi32>
        %add3A_450 = arith.addi %add3A_449, %iota3A : vector<16xi32>
        %lt3A = arith.constant 32 : i32
        %lt3A_451 = vector.broadcast %lt3A : i32 to vector<16xi32>
        %lt3A_452 = arith.cmpi slt, %add3A_450, %lt3A_451 : vector<16xi32>
        %gather3A_453 = tpu.vector_load_idx %arg15[%add3A_450] : memref<48xf32, #tpu.memory_space<vmem>>[vector<16xi32>], vector<16xf32>,
        %gather3A_454 = tpu.vector_load_idx %arg16[%add3A_450] : memref<48xf32, #tpu.memory_space<vmem>>[vector<16xi32>], vector<16xf32>,
        %mul3A_455 = arith.mulf %mul3A_41, %gather3A_453 : vector<16xf32>
        %broadcast_in_dim3A_456 = arith.constant -1.000000e+00 : f32
        %broadcast_in_dim3A_457 = vector.broadcast %broadcast_in_dim3A_456 : f32 to vector<16xf32>
        %broadcast_in_dim3A_458 = arith.constant 0 : i32
        %broadcast_in_dim3A_459 = vector.broadcast %broadcast_in_dim3A_458 : i32 to vector<16xi32>
        %while3A_460 = arith.constant 0 : i32
        %while3A_461 = arith.subi %select_n3A, %while3A_460 : i32
        %while3A_462 = arith.addi %while3A_460, %while3A_461 : i32
        %while3A_463 = arith.constant 1 : i32
        %while3A_464 = arith.divsi %while3A_461, %while3A_463 : i32
        %while3A_465 = arith.muli %while3A_464, %while3A_463 : i32
        %while3A_466 = arith.addi %while3A_460, %while3A_465 : i32
        %while3A_467 = arith.constant 1 : i32
        %while3A_468:2 = scf.for %while3A_506 = %while3A_460 to %while3A_466 step %while3A_467 iter_args(%while3A_507 = %broadcast_in_dim3A_457, %while3A_508 = %broadcast_in_dim3A_459) -> (vector<16xf32>, vector<16xi32>)  : i32 {
          %mul3A_509 = arith.constant 16 : i32
          %mul3A_510 = arith.muli %while3A_506, %mul3A_509 : i32
          %get3A_511 = arith.index_cast %mul3A_510 : i32 to index
          %get3A_512 = tpu.vector_load %arg18[%get3A_511] {strides = array<i32>} : memref<272xi32, #tpu.memory_space<vmem>>, vector<16xi32>,
          %mul3A_513 = arith.constant 16 : i32
          %mul3A_514 = arith.muli %while3A_506, %mul3A_513 : i32
          %add3A_515 = vector.broadcast %mul3A_514 : i32 to vector<16xi32>
          %add3A_516 = arith.addi %add3A_515, %iota3A : vector<16xi32>
          %lt3A_517 = vector.broadcast %add3A_404 : i32 to vector<16xi32>
          %lt3A_518 = arith.cmpi slt, %add3A_516, %lt3A_517 : vector<16xi32>
          %jit3A_519 = arith.constant 0 : i32
          %broadcast_in_dim3A_520 = vector.broadcast %jit3A_519 : i32 to vector<16xi32>
          %select_n3A_521 = arith.select %lt3A_518, %get3A_512, %broadcast_in_dim3A_520 : vector<16xi1>, vector<16xi32>
          %add3A_522 = vector.broadcast %mul3A_43 : i32 to vector<16xi32>
          %add3A_523 = arith.addi %add3A_522, %select_n3A_521 : vector<16xi32>
          %gather3A_524 = tpu.vector_load_idx %arg7[%add3A_523] : memref<8192xf32, #tpu.memory_space<vmem>>[vector<16xi32>], vector<16xf32>,
          %add3A_525 = vector.broadcast %mul3A_45 : i32 to vector<16xi32>
          %add3A_526 = arith.addi %add3A_525, %select_n3A_521 : vector<16xi32>
          %gather3A_527 = tpu.vector_load_idx %arg8[%add3A_526] : memref<8192xf32, #tpu.memory_space<vmem>>[vector<16xi32>], vector<16xf32>,
          %mul3A_528 = arith.mulf %gather3A_524, %gather3A_527 : vector<16xf32>
          %jit3A_529 = arith.constant 0.000000e+00 : f32
          %broadcast_in_dim3A_530 = vector.broadcast %jit3A_529 : f32 to vector<16xf32>
          %select_n3A_531 = arith.select %lt3A_518, %mul3A_528, %broadcast_in_dim3A_530 : vector<16xi1>, vector<16xf32>
          %gather3A_532 = tpu.vector_load_idx %arg10[%select_n3A_521] : memref<256xf32, #tpu.memory_space<vmem>>[vector<16xi32>], vector<16xf32>,
          %mul3A_533 = arith.constant 48 : i32
          %mul3A_534 = vector.broadcast %mul3A_533 : i32 to vector<16xi32>
          %mul3A_535 = arith.muli %select_n3A_521, %mul3A_534 : vector<16xi32>
          %add3A_536 = vector.broadcast %add3A_448 : i32 to vector<16xi32>
          %add3A_537 = arith.addi %mul3A_535, %add3A_536 : vector<16xi32>
          %broadcast_in_dim3A_538 = arith.constant 0 : i32
          %broadcast_in_dim3A_539 = vector.broadcast %broadcast_in_dim3A_538 : i32 to vector<16xi32>
          %slice3A_540 = vector.extract_strided_slice %add3A_537 {offsets = [0], sizes = [1], strides = [1]} : vector<16xi32> to vector<1xi32>
          %squeeze3A_541 = vector.extract %slice3A_540[0] : i32 from vector<1xi32>
          %add3A_542 = vector.broadcast %squeeze3A_541 : i32 to vector<16xi32>
          %add3A_543 = arith.addi %broadcast_in_dim3A_539, %add3A_542 : vector<16xi32>
          %add3A_544 = arith.addi %add3A_543, %iota3A : vector<16xi32>
          %gather3A_545 = tpu.vector_load_idx %arg9[%add3A_544] : memref<12288xf32, #tpu.memory_space<vmem>>[vector<16xi32>], vector<16xf32>,
          %slice3A_546 = vector.extract_strided_slice %select_n3A_531 {offsets = [0], sizes = [1], strides = [1]} : vector<16xf32> to vector<1xf32>
          %squeeze3A_547 = vector.extract %slice3A_546[0] : f32 from vector<1xf32>
          %mul3A_548 = vector.broadcast %squeeze3A_547 : f32 to vector<16xf32>
          %mul3A_549 = arith.mulf %mul3A_548, %gather3A_545 : vector<16xf32>
          %slice3A_550 = vector.extract_strided_slice %gather3A_532 {offsets = [0], sizes = [1], strides = [1]} : vector<16xf32> to vector<1xf32>
          %squeeze3A_551 = vector.extract %slice3A_550[0] : f32 from vector<1xf32>
          %add3A_552 = vector.broadcast %squeeze3A_551 : f32 to vector<16xf32>
          %add3A_553 = arith.addf %mul3A_455, %add3A_552 : vector<16xf32>
          %sub3A_554 = arith.subf %add3A_553, %mul3A_549 : vector<16xf32>
          %max3A = arith.constant 1.000000e-01 : f32
          %max3A_555 = vector.broadcast %max3A : f32 to vector<16xf32>
          %max3A_556 = arith.maximumf %sub3A_554, %max3A_555 : vector<16xf32>
          %div3A_557 = arith.divf %mul3A_549, %max3A_556 : vector<16xf32>
          %gt3A_558 = arith.cmpf ogt, %div3A_557, %while3A_507 : vector<16xf32>
          %select_n3A_559 = arith.select %gt3A_558, %div3A_557, %while3A_507 : vector<16xi1>, vector<16xf32>
          %slice3A_560 = vector.extract_strided_slice %select_n3A_521 {offsets = [0], sizes = [1], strides = [1]} : vector<16xi32> to vector<1xi32>
          %squeeze3A_561 = vector.extract %slice3A_560[0] : i32 from vector<1xi32>
          %broadcast_in_dim3A_562 = vector.broadcast %squeeze3A_561 : i32 to vector<16xi32>
          %select_n3A_563 = arith.select %gt3A_558, %broadcast_in_dim3A_562, %while3A_508 : vector<16xi1>, vector<16xi32>
          %broadcast_in_dim3A_564 = arith.constant 0 : i32
          %broadcast_in_dim3A_565 = vector.broadcast %broadcast_in_dim3A_564 : i32 to vector<16xi32>
          %slice3A_566 = vector.extract_strided_slice %add3A_537 {offsets = [1], sizes = [1], strides = [1]} : vector<16xi32> to vector<1xi32>
          %squeeze3A_567 = vector.extract %slice3A_566[0] : i32 from vector<1xi32>
          %add3A_568 = vector.broadcast %squeeze3A_567 : i32 to vector<16xi32>
          %add3A_569 = arith.addi %broadcast_in_dim3A_565, %add3A_568 : vector<16xi32>
          %add3A_570 = arith.addi %add3A_569, %iota3A : vector<16xi32>
          %gather3A_571 = tpu.vector_load_idx %arg9[%add3A_570] : memref<12288xf32, #tpu.memory_space<vmem>>[vector<16xi32>], vector<16xf32>,
          %slice3A_572 = vector.extract_strided_slice %select_n3A_531 {offsets = [1], sizes = [1], strides = [1]} : vector<16xf32> to vector<1xf32>
          %squeeze3A_573 = vector.extract %slice3A_572[0] : f32 from vector<1xf32>
          %mul3A_574 = vector.broadcast %squeeze3A_573 : f32 to vector<16xf32>
          %mul3A_575 = arith.mulf %mul3A_574, %gather3A_571 : vector<16xf32>
          %slice3A_576 = vector.extract_strided_slice %gather3A_532 {offsets = [1], sizes = [1], strides = [1]} : vector<16xf32> to vector<1xf32>
          %squeeze3A_577 = vector.extract %slice3A_576[0] : f32 from vector<1xf32>
          %add3A_578 = vector.broadcast %squeeze3A_577 : f32 to vector<16xf32>
          %add3A_579 = arith.addf %mul3A_455, %add3A_578 : vector<16xf32>
          %sub3A_580 = arith.subf %add3A_579, %mul3A_575 : vector<16xf32>
          %max3A_581 = arith.constant 1.000000e-01 : f32
          %max3A_582 = vector.broadcast %max3A_581 : f32 to vector<16xf32>
          %max3A_583 = arith.maximumf %sub3A_580, %max3A_582 : vector<16xf32>
          %div3A_584 = arith.divf %mul3A_575, %max3A_583 : vector<16xf32>
          %gt3A_585 = arith.cmpf ogt, %div3A_584, %select_n3A_559 : vector<16xf32>
          %select_n3A_586 = arith.select %gt3A_585, %div3A_584, %select_n3A_559 : vector<16xi1>, vector<16xf32>
          %slice3A_587 = vector.extract_strided_slice %select_n3A_521 {offsets = [1], sizes = [1], strides = [1]} : vector<16xi32> to vector<1xi32>
          %squeeze3A_588 = vector.extract %slice3A_587[0] : i32 from vector<1xi32>
          %broadcast_in_dim3A_589 = vector.broadcast %squeeze3A_588 : i32 to vector<16xi32>
          %select_n3A_590 = arith.select %gt3A_585, %broadcast_in_dim3A_589, %select_n3A_563 : vector<16xi1>, vector<16xi32>
          %broadcast_in_dim3A_591 = arith.constant 0 : i32
          %broadcast_in_dim3A_592 = vector.broadcast %broadcast_in_dim3A_591 : i32 to vector<16xi32>
          %slice3A_593 = vector.extract_strided_slice %add3A_537 {offsets = [2], sizes = [1], strides = [1]} : vector<16xi32> to vector<1xi32>
          %squeeze3A_594 = vector.extract %slice3A_593[0] : i32 from vector<1xi32>
          %add3A_595 = vector.broadcast %squeeze3A_594 : i32 to vector<16xi32>
          %add3A_596 = arith.addi %broadcast_in_dim3A_592, %add3A_595 : vector<16xi32>
          %add3A_597 = arith.addi %add3A_596, %iota3A : vector<16xi32>
          %gather3A_598 = tpu.vector_load_idx %arg9[%add3A_597] : memref<12288xf32, #tpu.memory_space<vmem>>[vector<16xi32>], vector<16xf32>,
          %slice3A_599 = vector.extract_strided_slice %select_n3A_531 {offsets = [2], sizes = [1], strides = [1]} : vector<16xf32> to vector<1xf32>
          %squeeze3A_600 = vector.extract %slice3A_599[0] : f32 from vector<1xf32>
          %mul3A_601 = vector.broadcast %squeeze3A_600 : f32 to vector<16xf32>
          %mul3A_602 = arith.mulf %mul3A_601, %gather3A_598 : vector<16xf32>
          %slice3A_603 = vector.extract_strided_slice %gather3A_532 {offsets = [2], sizes = [1], strides = [1]} : vector<16xf32> to vector<1xf32>
          %squeeze3A_604 = vector.extract %slice3A_603[0] : f32 from vector<1xf32>
          %add3A_605 = vector.broadcast %squeeze3A_604 : f32 to vector<16xf32>
          %add3A_606 = arith.addf %mul3A_455, %add3A_605 : vector<16xf32>
          %sub3A_607 = arith.subf %add3A_606, %mul3A_602 : vector<16xf32>
          %max3A_608 = arith.constant 1.000000e-01 : f32
          %max3A_609 = vector.broadcast %max3A_608 : f32 to vector<16xf32>
          %max3A_610 = arith.maximumf %sub3A_607, %max3A_609 : vector<16xf32>
          %div3A_611 = arith.divf %mul3A_602, %max3A_610 : vector<16xf32>
          %gt3A_612 = arith.cmpf ogt, %div3A_611, %select_n3A_586 : vector<16xf32>
          %select_n3A_613 = arith.select %gt3A_612, %div3A_611, %select_n3A_586 : vector<16xi1>, vector<16xf32>
          %slice3A_614 = vector.extract_strided_slice %select_n3A_521 {offsets = [2], sizes = [1], strides = [1]} : vector<16xi32> to vector<1xi32>
          %squeeze3A_615 = vector.extract %slice3A_614[0] : i32 from vector<1xi32>
          %broadcast_in_dim3A_616 = vector.broadcast %squeeze3A_615 : i32 to vector<16xi32>
          %select_n3A_617 = arith.select %gt3A_612, %broadcast_in_dim3A_616, %select_n3A_590 : vector<16xi1>, vector<16xi32>
          %broadcast_in_dim3A_618 = arith.constant 0 : i32
          %broadcast_in_dim3A_619 = vector.broadcast %broadcast_in_dim3A_618 : i32 to vector<16xi32>
          %slice3A_620 = vector.extract_strided_slice %add3A_537 {offsets = [3], sizes = [1], strides = [1]} : vector<16xi32> to vector<1xi32>
          %squeeze3A_621 = vector.extract %slice3A_620[0] : i32 from vector<1xi32>
          %add3A_622 = vector.broadcast %squeeze3A_621 : i32 to vector<16xi32>
          %add3A_623 = arith.addi %broadcast_in_dim3A_619, %add3A_622 : vector<16xi32>
          %add3A_624 = arith.addi %add3A_623, %iota3A : vector<16xi32>
          %gather3A_625 = tpu.vector_load_idx %arg9[%add3A_624] : memref<12288xf32, #tpu.memory_space<vmem>>[vector<16xi32>], vector<16xf32>,
          %slice3A_626 = vector.extract_strided_slice %select_n3A_531 {offsets = [3], sizes = [1], strides = [1]} : vector<16xf32> to vector<1xf32>
          %squeeze3A_627 = vector.extract %slice3A_626[0] : f32 from vector<1xf32>
          %mul3A_628 = vector.broadcast %squeeze3A_627 : f32 to vector<16xf32>
          %mul3A_629 = arith.mulf %mul3A_628, %gather3A_625 : vector<16xf32>
          %slice3A_630 = vector.extract_strided_slice %gather3A_532 {offsets = [3], sizes = [1], strides = [1]} : vector<16xf32> to vector<1xf32>
          %squeeze3A_631 = vector.extract %slice3A_630[0] : f32 from vector<1xf32>
          %add3A_632 = vector.broadcast %squeeze3A_631 : f32 to vector<16xf32>
          %add3A_633 = arith.addf %mul3A_455, %add3A_632 : vector<16xf32>
          %sub3A_634 = arith.subf %add3A_633, %mul3A_629 : vector<16xf32>
          %max3A_635 = arith.constant 1.000000e-01 : f32
          %max3A_636 = vector.broadcast %max3A_635 : f32 to vector<16xf32>
          %max3A_637 = arith.maximumf %sub3A_634, %max3A_636 : vector<16xf32>
          %div3A_638 = arith.divf %mul3A_629, %max3A_637 : vector<16xf32>
          %gt3A_639 = arith.cmpf ogt, %div3A_638, %select_n3A_613 : vector<16xf32>
          %select_n3A_640 = arith.select %gt3A_639, %div3A_638, %select_n3A_613 : vector<16xi1>, vector<16xf32>
          %slice3A_641 = vector.extract_strided_slice %select_n3A_521 {offsets = [3], sizes = [1], strides = [1]} : vector<16xi32> to vector<1xi32>
          %squeeze3A_642 = vector.extract %slice3A_641[0] : i32 from vector<1xi32>
          %broadcast_in_dim3A_643 = vector.broadcast %squeeze3A_642 : i32 to vector<16xi32>
          %select_n3A_644 = arith.select %gt3A_639, %broadcast_in_dim3A_643, %select_n3A_617 : vector<16xi1>, vector<16xi32>
          %broadcast_in_dim3A_645 = arith.constant 0 : i32
          %broadcast_in_dim3A_646 = vector.broadcast %broadcast_in_dim3A_645 : i32 to vector<16xi32>
          %slice3A_647 = vector.extract_strided_slice %add3A_537 {offsets = [4], sizes = [1], strides = [1]} : vector<16xi32> to vector<1xi32>
          %squeeze3A_648 = vector.extract %slice3A_647[0] : i32 from vector<1xi32>
          %add3A_649 = vector.broadcast %squeeze3A_648 : i32 to vector<16xi32>
          %add3A_650 = arith.addi %broadcast_in_dim3A_646, %add3A_649 : vector<16xi32>
          %add3A_651 = arith.addi %add3A_650, %iota3A : vector<16xi32>
          %gather3A_652 = tpu.vector_load_idx %arg9[%add3A_651] : memref<12288xf32, #tpu.memory_space<vmem>>[vector<16xi32>], vector<16xf32>,
          %slice3A_653 = vector.extract_strided_slice %select_n3A_531 {offsets = [4], sizes = [1], strides = [1]} : vector<16xf32> to vector<1xf32>
          %squeeze3A_654 = vector.extract %slice3A_653[0] : f32 from vector<1xf32>
          %mul3A_655 = vector.broadcast %squeeze3A_654 : f32 to vector<16xf32>
          %mul3A_656 = arith.mulf %mul3A_655, %gather3A_652 : vector<16xf32>
          %slice3A_657 = vector.extract_strided_slice %gather3A_532 {offsets = [4], sizes = [1], strides = [1]} : vector<16xf32> to vector<1xf32>
          %squeeze3A_658 = vector.extract %slice3A_657[0] : f32 from vector<1xf32>
          %add3A_659 = vector.broadcast %squeeze3A_658 : f32 to vector<16xf32>
          %add3A_660 = arith.addf %mul3A_455, %add3A_659 : vector<16xf32>
          %sub3A_661 = arith.subf %add3A_660, %mul3A_656 : vector<16xf32>
          %max3A_662 = arith.constant 1.000000e-01 : f32
          %max3A_663 = vector.broadcast %max3A_662 : f32 to vector<16xf32>
          %max3A_664 = arith.maximumf %sub3A_661, %max3A_663 : vector<16xf32>
          %div3A_665 = arith.divf %mul3A_656, %max3A_664 : vector<16xf32>
          %gt3A_666 = arith.cmpf ogt, %div3A_665, %select_n3A_640 : vector<16xf32>
          %select_n3A_667 = arith.select %gt3A_666, %div3A_665, %select_n3A_640 : vector<16xi1>, vector<16xf32>
          %slice3A_668 = vector.extract_strided_slice %select_n3A_521 {offsets = [4], sizes = [1], strides = [1]} : vector<16xi32> to vector<1xi32>
          %squeeze3A_669 = vector.extract %slice3A_668[0] : i32 from vector<1xi32>
          %broadcast_in_dim3A_670 = vector.broadcast %squeeze3A_669 : i32 to vector<16xi32>
          %select_n3A_671 = arith.select %gt3A_666, %broadcast_in_dim3A_670, %select_n3A_644 : vector<16xi1>, vector<16xi32>
          %broadcast_in_dim3A_672 = arith.constant 0 : i32
          %broadcast_in_dim3A_673 = vector.broadcast %broadcast_in_dim3A_672 : i32 to vector<16xi32>
          %slice3A_674 = vector.extract_strided_slice %add3A_537 {offsets = [5], sizes = [1], strides = [1]} : vector<16xi32> to vector<1xi32>
          %squeeze3A_675 = vector.extract %slice3A_674[0] : i32 from vector<1xi32>
          %add3A_676 = vector.broadcast %squeeze3A_675 : i32 to vector<16xi32>
          %add3A_677 = arith.addi %broadcast_in_dim3A_673, %add3A_676 : vector<16xi32>
          %add3A_678 = arith.addi %add3A_677, %iota3A : vector<16xi32>
          %gather3A_679 = tpu.vector_load_idx %arg9[%add3A_678] : memref<12288xf32, #tpu.memory_space<vmem>>[vector<16xi32>], vector<16xf32>,
          %slice3A_680 = vector.extract_strided_slice %select_n3A_531 {offsets = [5], sizes = [1], strides = [1]} : vector<16xf32> to vector<1xf32>
          %squeeze3A_681 = vector.extract %slice3A_680[0] : f32 from vector<1xf32>
          %mul3A_682 = vector.broadcast %squeeze3A_681 : f32 to vector<16xf32>
          %mul3A_683 = arith.mulf %mul3A_682, %gather3A_679 : vector<16xf32>
          %slice3A_684 = vector.extract_strided_slice %gather3A_532 {offsets = [5], sizes = [1], strides = [1]} : vector<16xf32> to vector<1xf32>
          %squeeze3A_685 = vector.extract %slice3A_684[0] : f32 from vector<1xf32>
          %add3A_686 = vector.broadcast %squeeze3A_685 : f32 to vector<16xf32>
          %add3A_687 = arith.addf %mul3A_455, %add3A_686 : vector<16xf32>
          %sub3A_688 = arith.subf %add3A_687, %mul3A_683 : vector<16xf32>
          %max3A_689 = arith.constant 1.000000e-01 : f32
          %max3A_690 = vector.broadcast %max3A_689 : f32 to vector<16xf32>
          %max3A_691 = arith.maximumf %sub3A_688, %max3A_690 : vector<16xf32>
          %div3A_692 = arith.divf %mul3A_683, %max3A_691 : vector<16xf32>
          %gt3A_693 = arith.cmpf ogt, %div3A_692, %select_n3A_667 : vector<16xf32>
          %select_n3A_694 = arith.select %gt3A_693, %div3A_692, %select_n3A_667 : vector<16xi1>, vector<16xf32>
          %slice3A_695 = vector.extract_strided_slice %select_n3A_521 {offsets = [5], sizes = [1], strides = [1]} : vector<16xi32> to vector<1xi32>
          %squeeze3A_696 = vector.extract %slice3A_695[0] : i32 from vector<1xi32>
          %broadcast_in_dim3A_697 = vector.broadcast %squeeze3A_696 : i32 to vector<16xi32>
          %select_n3A_698 = arith.select %gt3A_693, %broadcast_in_dim3A_697, %select_n3A_671 : vector<16xi1>, vector<16xi32>
          %broadcast_in_dim3A_699 = arith.constant 0 : i32
          %broadcast_in_dim3A_700 = vector.broadcast %broadcast_in_dim3A_699 : i32 to vector<16xi32>
          %slice3A_701 = vector.extract_strided_slice %add3A_537 {offsets = [6], sizes = [1], strides = [1]} : vector<16xi32> to vector<1xi32>
          %squeeze3A_702 = vector.extract %slice3A_701[0] : i32 from vector<1xi32>
          %add3A_703 = vector.broadcast %squeeze3A_702 : i32 to vector<16xi32>
          %add3A_704 = arith.addi %broadcast_in_dim3A_700, %add3A_703 : vector<16xi32>
          %add3A_705 = arith.addi %add3A_704, %iota3A : vector<16xi32>
          %gather3A_706 = tpu.vector_load_idx %arg9[%add3A_705] : memref<12288xf32, #tpu.memory_space<vmem>>[vector<16xi32>], vector<16xf32>,
          %slice3A_707 = vector.extract_strided_slice %select_n3A_531 {offsets = [6], sizes = [1], strides = [1]} : vector<16xf32> to vector<1xf32>
          %squeeze3A_708 = vector.extract %slice3A_707[0] : f32 from vector<1xf32>
          %mul3A_709 = vector.broadcast %squeeze3A_708 : f32 to vector<16xf32>
          %mul3A_710 = arith.mulf %mul3A_709, %gather3A_706 : vector<16xf32>
          %slice3A_711 = vector.extract_strided_slice %gather3A_532 {offsets = [6], sizes = [1], strides = [1]} : vector<16xf32> to vector<1xf32>
          %squeeze3A_712 = vector.extract %slice3A_711[0] : f32 from vector<1xf32>
          %add3A_713 = vector.broadcast %squeeze3A_712 : f32 to vector<16xf32>
          %add3A_714 = arith.addf %mul3A_455, %add3A_713 : vector<16xf32>
          %sub3A_715 = arith.subf %add3A_714, %mul3A_710 : vector<16xf32>
          %max3A_716 = arith.constant 1.000000e-01 : f32
          %max3A_717 = vector.broadcast %max3A_716 : f32 to vector<16xf32>
          %max3A_718 = arith.maximumf %sub3A_715, %max3A_717 : vector<16xf32>
          %div3A_719 = arith.divf %mul3A_710, %max3A_718 : vector<16xf32>
          %gt3A_720 = arith.cmpf ogt, %div3A_719, %select_n3A_694 : vector<16xf32>
          %select_n3A_721 = arith.select %gt3A_720, %div3A_719, %select_n3A_694 : vector<16xi1>, vector<16xf32>
          %slice3A_722 = vector.extract_strided_slice %select_n3A_521 {offsets = [6], sizes = [1], strides = [1]} : vector<16xi32> to vector<1xi32>
          %squeeze3A_723 = vector.extract %slice3A_722[0] : i32 from vector<1xi32>
          %broadcast_in_dim3A_724 = vector.broadcast %squeeze3A_723 : i32 to vector<16xi32>
          %select_n3A_725 = arith.select %gt3A_720, %broadcast_in_dim3A_724, %select_n3A_698 : vector<16xi1>, vector<16xi32>
          %broadcast_in_dim3A_726 = arith.constant 0 : i32
          %broadcast_in_dim3A_727 = vector.broadcast %broadcast_in_dim3A_726 : i32 to vector<16xi32>
          %slice3A_728 = vector.extract_strided_slice %add3A_537 {offsets = [7], sizes = [1], strides = [1]} : vector<16xi32> to vector<1xi32>
          %squeeze3A_729 = vector.extract %slice3A_728[0] : i32 from vector<1xi32>
          %add3A_730 = vector.broadcast %squeeze3A_729 : i32 to vector<16xi32>
          %add3A_731 = arith.addi %broadcast_in_dim3A_727, %add3A_730 : vector<16xi32>
          %add3A_732 = arith.addi %add3A_731, %iota3A : vector<16xi32>
          %gather3A_733 = tpu.vector_load_idx %arg9[%add3A_732] : memref<12288xf32, #tpu.memory_space<vmem>>[vector<16xi32>], vector<16xf32>,
          %slice3A_734 = vector.extract_strided_slice %select_n3A_531 {offsets = [7], sizes = [1], strides = [1]} : vector<16xf32> to vector<1xf32>
          %squeeze3A_735 = vector.extract %slice3A_734[0] : f32 from vector<1xf32>
          %mul3A_736 = vector.broadcast %squeeze3A_735 : f32 to vector<16xf32>
          %mul3A_737 = arith.mulf %mul3A_736, %gather3A_733 : vector<16xf32>
          %slice3A_738 = vector.extract_strided_slice %gather3A_532 {offsets = [7], sizes = [1], strides = [1]} : vector<16xf32> to vector<1xf32>
          %squeeze3A_739 = vector.extract %slice3A_738[0] : f32 from vector<1xf32>
          %add3A_740 = vector.broadcast %squeeze3A_739 : f32 to vector<16xf32>
          %add3A_741 = arith.addf %mul3A_455, %add3A_740 : vector<16xf32>
          %sub3A_742 = arith.subf %add3A_741, %mul3A_737 : vector<16xf32>
          %max3A_743 = arith.constant 1.000000e-01 : f32
          %max3A_744 = vector.broadcast %max3A_743 : f32 to vector<16xf32>
          %max3A_745 = arith.maximumf %sub3A_742, %max3A_744 : vector<16xf32>
          %div3A_746 = arith.divf %mul3A_737, %max3A_745 : vector<16xf32>
          %gt3A_747 = arith.cmpf ogt, %div3A_746, %select_n3A_721 : vector<16xf32>
          %select_n3A_748 = arith.select %gt3A_747, %div3A_746, %select_n3A_721 : vector<16xi1>, vector<16xf32>
          %slice3A_749 = vector.extract_strided_slice %select_n3A_521 {offsets = [7], sizes = [1], strides = [1]} : vector<16xi32> to vector<1xi32>
          %squeeze3A_750 = vector.extract %slice3A_749[0] : i32 from vector<1xi32>
          %broadcast_in_dim3A_751 = vector.broadcast %squeeze3A_750 : i32 to vector<16xi32>
          %select_n3A_752 = arith.select %gt3A_747, %broadcast_in_dim3A_751, %select_n3A_725 : vector<16xi1>, vector<16xi32>
          %broadcast_in_dim3A_753 = arith.constant 0 : i32
          %broadcast_in_dim3A_754 = vector.broadcast %broadcast_in_dim3A_753 : i32 to vector<16xi32>
          %slice3A_755 = vector.extract_strided_slice %add3A_537 {offsets = [8], sizes = [1], strides = [1]} : vector<16xi32> to vector<1xi32>
          %squeeze3A_756 = vector.extract %slice3A_755[0] : i32 from vector<1xi32>
          %add3A_757 = vector.broadcast %squeeze3A_756 : i32 to vector<16xi32>
          %add3A_758 = arith.addi %broadcast_in_dim3A_754, %add3A_757 : vector<16xi32>
          %add3A_759 = arith.addi %add3A_758, %iota3A : vector<16xi32>
          %gather3A_760 = tpu.vector_load_idx %arg9[%add3A_759] : memref<12288xf32, #tpu.memory_space<vmem>>[vector<16xi32>], vector<16xf32>,
          %slice3A_761 = vector.extract_strided_slice %select_n3A_531 {offsets = [8], sizes = [1], strides = [1]} : vector<16xf32> to vector<1xf32>
          %squeeze3A_762 = vector.extract %slice3A_761[0] : f32 from vector<1xf32>
          %mul3A_763 = vector.broadcast %squeeze3A_762 : f32 to vector<16xf32>
          %mul3A_764 = arith.mulf %mul3A_763, %gather3A_760 : vector<16xf32>
          %slice3A_765 = vector.extract_strided_slice %gather3A_532 {offsets = [8], sizes = [1], strides = [1]} : vector<16xf32> to vector<1xf32>
          %squeeze3A_766 = vector.extract %slice3A_765[0] : f32 from vector<1xf32>
          %add3A_767 = vector.broadcast %squeeze3A_766 : f32 to vector<16xf32>
          %add3A_768 = arith.addf %mul3A_455, %add3A_767 : vector<16xf32>
          %sub3A_769 = arith.subf %add3A_768, %mul3A_764 : vector<16xf32>
          %max3A_770 = arith.constant 1.000000e-01 : f32
          %max3A_771 = vector.broadcast %max3A_770 : f32 to vector<16xf32>
          %max3A_772 = arith.maximumf %sub3A_769, %max3A_771 : vector<16xf32>
          %div3A_773 = arith.divf %mul3A_764, %max3A_772 : vector<16xf32>
          %gt3A_774 = arith.cmpf ogt, %div3A_773, %select_n3A_748 : vector<16xf32>
          %select_n3A_775 = arith.select %gt3A_774, %div3A_773, %select_n3A_748 : vector<16xi1>, vector<16xf32>
          %slice3A_776 = vector.extract_strided_slice %select_n3A_521 {offsets = [8], sizes = [1], strides = [1]} : vector<16xi32> to vector<1xi32>
          %squeeze3A_777 = vector.extract %slice3A_776[0] : i32 from vector<1xi32>
          %broadcast_in_dim3A_778 = vector.broadcast %squeeze3A_777 : i32 to vector<16xi32>
          %select_n3A_779 = arith.select %gt3A_774, %broadcast_in_dim3A_778, %select_n3A_752 : vector<16xi1>, vector<16xi32>
          %broadcast_in_dim3A_780 = arith.constant 0 : i32
          %broadcast_in_dim3A_781 = vector.broadcast %broadcast_in_dim3A_780 : i32 to vector<16xi32>
          %slice3A_782 = vector.extract_strided_slice %add3A_537 {offsets = [9], sizes = [1], strides = [1]} : vector<16xi32> to vector<1xi32>
          %squeeze3A_783 = vector.extract %slice3A_782[0] : i32 from vector<1xi32>
          %add3A_784 = vector.broadcast %squeeze3A_783 : i32 to vector<16xi32>
          %add3A_785 = arith.addi %broadcast_in_dim3A_781, %add3A_784 : vector<16xi32>
          %add3A_786 = arith.addi %add3A_785, %iota3A : vector<16xi32>
          %gather3A_787 = tpu.vector_load_idx %arg9[%add3A_786] : memref<12288xf32, #tpu.memory_space<vmem>>[vector<16xi32>], vector<16xf32>,
          %slice3A_788 = vector.extract_strided_slice %select_n3A_531 {offsets = [9], sizes = [1], strides = [1]} : vector<16xf32> to vector<1xf32>
          %squeeze3A_789 = vector.extract %slice3A_788[0] : f32 from vector<1xf32>
          %mul3A_790 = vector.broadcast %squeeze3A_789 : f32 to vector<16xf32>
          %mul3A_791 = arith.mulf %mul3A_790, %gather3A_787 : vector<16xf32>
          %slice3A_792 = vector.extract_strided_slice %gather3A_532 {offsets = [9], sizes = [1], strides = [1]} : vector<16xf32> to vector<1xf32>
          %squeeze3A_793 = vector.extract %slice3A_792[0] : f32 from vector<1xf32>
          %add3A_794 = vector.broadcast %squeeze3A_793 : f32 to vector<16xf32>
          %add3A_795 = arith.addf %mul3A_455, %add3A_794 : vector<16xf32>
          %sub3A_796 = arith.subf %add3A_795, %mul3A_791 : vector<16xf32>
          %max3A_797 = arith.constant 1.000000e-01 : f32
          %max3A_798 = vector.broadcast %max3A_797 : f32 to vector<16xf32>
          %max3A_799 = arith.maximumf %sub3A_796, %max3A_798 : vector<16xf32>
          %div3A_800 = arith.divf %mul3A_791, %max3A_799 : vector<16xf32>
          %gt3A_801 = arith.cmpf ogt, %div3A_800, %select_n3A_775 : vector<16xf32>
          %select_n3A_802 = arith.select %gt3A_801, %div3A_800, %select_n3A_775 : vector<16xi1>, vector<16xf32>
          %slice3A_803 = vector.extract_strided_slice %select_n3A_521 {offsets = [9], sizes = [1], strides = [1]} : vector<16xi32> to vector<1xi32>
          %squeeze3A_804 = vector.extract %slice3A_803[0] : i32 from vector<1xi32>
          %broadcast_in_dim3A_805 = vector.broadcast %squeeze3A_804 : i32 to vector<16xi32>
          %select_n3A_806 = arith.select %gt3A_801, %broadcast_in_dim3A_805, %select_n3A_779 : vector<16xi1>, vector<16xi32>
          %broadcast_in_dim3A_807 = arith.constant 0 : i32
          %broadcast_in_dim3A_808 = vector.broadcast %broadcast_in_dim3A_807 : i32 to vector<16xi32>
          %slice3A_809 = vector.extract_strided_slice %add3A_537 {offsets = [10], sizes = [1], strides = [1]} : vector<16xi32> to vector<1xi32>
          %squeeze3A_810 = vector.extract %slice3A_809[0] : i32 from vector<1xi32>
          %add3A_811 = vector.broadcast %squeeze3A_810 : i32 to vector<16xi32>
          %add3A_812 = arith.addi %broadcast_in_dim3A_808, %add3A_811 : vector<16xi32>
          %add3A_813 = arith.addi %add3A_812, %iota3A : vector<16xi32>
          %gather3A_814 = tpu.vector_load_idx %arg9[%add3A_813] : memref<12288xf32, #tpu.memory_space<vmem>>[vector<16xi32>], vector<16xf32>,
          %slice3A_815 = vector.extract_strided_slice %select_n3A_531 {offsets = [10], sizes = [1], strides = [1]} : vector<16xf32> to vector<1xf32>
          %squeeze3A_816 = vector.extract %slice3A_815[0] : f32 from vector<1xf32>
          %mul3A_817 = vector.broadcast %squeeze3A_816 : f32 to vector<16xf32>
          %mul3A_818 = arith.mulf %mul3A_817, %gather3A_814 : vector<16xf32>
          %slice3A_819 = vector.extract_strided_slice %gather3A_532 {offsets = [10], sizes = [1], strides = [1]} : vector<16xf32> to vector<1xf32>
          %squeeze3A_820 = vector.extract %slice3A_819[0] : f32 from vector<1xf32>
          %add3A_821 = vector.broadcast %squeeze3A_820 : f32 to vector<16xf32>
          %add3A_822 = arith.addf %mul3A_455, %add3A_821 : vector<16xf32>
          %sub3A_823 = arith.subf %add3A_822, %mul3A_818 : vector<16xf32>
          %max3A_824 = arith.constant 1.000000e-01 : f32
          %max3A_825 = vector.broadcast %max3A_824 : f32 to vector<16xf32>
          %max3A_826 = arith.maximumf %sub3A_823, %max3A_825 : vector<16xf32>
          %div3A_827 = arith.divf %mul3A_818, %max3A_826 : vector<16xf32>
          %gt3A_828 = arith.cmpf ogt, %div3A_827, %select_n3A_802 : vector<16xf32>
          %select_n3A_829 = arith.select %gt3A_828, %div3A_827, %select_n3A_802 : vector<16xi1>, vector<16xf32>
          %slice3A_830 = vector.extract_strided_slice %select_n3A_521 {offsets = [10], sizes = [1], strides = [1]} : vector<16xi32> to vector<1xi32>
          %squeeze3A_831 = vector.extract %slice3A_830[0] : i32 from vector<1xi32>
          %broadcast_in_dim3A_832 = vector.broadcast %squeeze3A_831 : i32 to vector<16xi32>
          %select_n3A_833 = arith.select %gt3A_828, %broadcast_in_dim3A_832, %select_n3A_806 : vector<16xi1>, vector<16xi32>
          %broadcast_in_dim3A_834 = arith.constant 0 : i32
          %broadcast_in_dim3A_835 = vector.broadcast %broadcast_in_dim3A_834 : i32 to vector<16xi32>
          %slice3A_836 = vector.extract_strided_slice %add3A_537 {offsets = [11], sizes = [1], strides = [1]} : vector<16xi32> to vector<1xi32>
          %squeeze3A_837 = vector.extract %slice3A_836[0] : i32 from vector<1xi32>
          %add3A_838 = vector.broadcast %squeeze3A_837 : i32 to vector<16xi32>
          %add3A_839 = arith.addi %broadcast_in_dim3A_835, %add3A_838 : vector<16xi32>
          %add3A_840 = arith.addi %add3A_839, %iota3A : vector<16xi32>
          %gather3A_841 = tpu.vector_load_idx %arg9[%add3A_840] : memref<12288xf32, #tpu.memory_space<vmem>>[vector<16xi32>], vector<16xf32>,
          %slice3A_842 = vector.extract_strided_slice %select_n3A_531 {offsets = [11], sizes = [1], strides = [1]} : vector<16xf32> to vector<1xf32>
          %squeeze3A_843 = vector.extract %slice3A_842[0] : f32 from vector<1xf32>
          %mul3A_844 = vector.broadcast %squeeze3A_843 : f32 to vector<16xf32>
          %mul3A_845 = arith.mulf %mul3A_844, %gather3A_841 : vector<16xf32>
          %slice3A_846 = vector.extract_strided_slice %gather3A_532 {offsets = [11], sizes = [1], strides = [1]} : vector<16xf32> to vector<1xf32>
          %squeeze3A_847 = vector.extract %slice3A_846[0] : f32 from vector<1xf32>
          %add3A_848 = vector.broadcast %squeeze3A_847 : f32 to vector<16xf32>
          %add3A_849 = arith.addf %mul3A_455, %add3A_848 : vector<16xf32>
          %sub3A_850 = arith.subf %add3A_849, %mul3A_845 : vector<16xf32>
          %max3A_851 = arith.constant 1.000000e-01 : f32
          %max3A_852 = vector.broadcast %max3A_851 : f32 to vector<16xf32>
          %max3A_853 = arith.maximumf %sub3A_850, %max3A_852 : vector<16xf32>
          %div3A_854 = arith.divf %mul3A_845, %max3A_853 : vector<16xf32>
          %gt3A_855 = arith.cmpf ogt, %div3A_854, %select_n3A_829 : vector<16xf32>
          %select_n3A_856 = arith.select %gt3A_855, %div3A_854, %select_n3A_829 : vector<16xi1>, vector<16xf32>
          %slice3A_857 = vector.extract_strided_slice %select_n3A_521 {offsets = [11], sizes = [1], strides = [1]} : vector<16xi32> to vector<1xi32>
          %squeeze3A_858 = vector.extract %slice3A_857[0] : i32 from vector<1xi32>
          %broadcast_in_dim3A_859 = vector.broadcast %squeeze3A_858 : i32 to vector<16xi32>
          %select_n3A_860 = arith.select %gt3A_855, %broadcast_in_dim3A_859, %select_n3A_833 : vector<16xi1>, vector<16xi32>
          %broadcast_in_dim3A_861 = arith.constant 0 : i32
          %broadcast_in_dim3A_862 = vector.broadcast %broadcast_in_dim3A_861 : i32 to vector<16xi32>
          %slice3A_863 = vector.extract_strided_slice %add3A_537 {offsets = [12], sizes = [1], strides = [1]} : vector<16xi32> to vector<1xi32>
          %squeeze3A_864 = vector.extract %slice3A_863[0] : i32 from vector<1xi32>
          %add3A_865 = vector.broadcast %squeeze3A_864 : i32 to vector<16xi32>
          %add3A_866 = arith.addi %broadcast_in_dim3A_862, %add3A_865 : vector<16xi32>
          %add3A_867 = arith.addi %add3A_866, %iota3A : vector<16xi32>
          %gather3A_868 = tpu.vector_load_idx %arg9[%add3A_867] : memref<12288xf32, #tpu.memory_space<vmem>>[vector<16xi32>], vector<16xf32>,
          %slice3A_869 = vector.extract_strided_slice %select_n3A_531 {offsets = [12], sizes = [1], strides = [1]} : vector<16xf32> to vector<1xf32>
          %squeeze3A_870 = vector.extract %slice3A_869[0] : f32 from vector<1xf32>
          %mul3A_871 = vector.broadcast %squeeze3A_870 : f32 to vector<16xf32>
          %mul3A_872 = arith.mulf %mul3A_871, %gather3A_868 : vector<16xf32>
          %slice3A_873 = vector.extract_strided_slice %gather3A_532 {offsets = [12], sizes = [1], strides = [1]} : vector<16xf32> to vector<1xf32>
          %squeeze3A_874 = vector.extract %slice3A_873[0] : f32 from vector<1xf32>
          %add3A_875 = vector.broadcast %squeeze3A_874 : f32 to vector<16xf32>
          %add3A_876 = arith.addf %mul3A_455, %add3A_875 : vector<16xf32>
          %sub3A_877 = arith.subf %add3A_876, %mul3A_872 : vector<16xf32>
          %max3A_878 = arith.constant 1.000000e-01 : f32
          %max3A_879 = vector.broadcast %max3A_878 : f32 to vector<16xf32>
          %max3A_880 = arith.maximumf %sub3A_877, %max3A_879 : vector<16xf32>
          %div3A_881 = arith.divf %mul3A_872, %max3A_880 : vector<16xf32>
          %gt3A_882 = arith.cmpf ogt, %div3A_881, %select_n3A_856 : vector<16xf32>
          %select_n3A_883 = arith.select %gt3A_882, %div3A_881, %select_n3A_856 : vector<16xi1>, vector<16xf32>
          %slice3A_884 = vector.extract_strided_slice %select_n3A_521 {offsets = [12], sizes = [1], strides = [1]} : vector<16xi32> to vector<1xi32>
          %squeeze3A_885 = vector.extract %slice3A_884[0] : i32 from vector<1xi32>
          %broadcast_in_dim3A_886 = vector.broadcast %squeeze3A_885 : i32 to vector<16xi32>
          %select_n3A_887 = arith.select %gt3A_882, %broadcast_in_dim3A_886, %select_n3A_860 : vector<16xi1>, vector<16xi32>
          %broadcast_in_dim3A_888 = arith.constant 0 : i32
          %broadcast_in_dim3A_889 = vector.broadcast %broadcast_in_dim3A_888 : i32 to vector<16xi32>
          %slice3A_890 = vector.extract_strided_slice %add3A_537 {offsets = [13], sizes = [1], strides = [1]} : vector<16xi32> to vector<1xi32>
          %squeeze3A_891 = vector.extract %slice3A_890[0] : i32 from vector<1xi32>
          %add3A_892 = vector.broadcast %squeeze3A_891 : i32 to vector<16xi32>
          %add3A_893 = arith.addi %broadcast_in_dim3A_889, %add3A_892 : vector<16xi32>
          %add3A_894 = arith.addi %add3A_893, %iota3A : vector<16xi32>
          %gather3A_895 = tpu.vector_load_idx %arg9[%add3A_894] : memref<12288xf32, #tpu.memory_space<vmem>>[vector<16xi32>], vector<16xf32>,
          %slice3A_896 = vector.extract_strided_slice %select_n3A_531 {offsets = [13], sizes = [1], strides = [1]} : vector<16xf32> to vector<1xf32>
          %squeeze3A_897 = vector.extract %slice3A_896[0] : f32 from vector<1xf32>
          %mul3A_898 = vector.broadcast %squeeze3A_897 : f32 to vector<16xf32>
          %mul3A_899 = arith.mulf %mul3A_898, %gather3A_895 : vector<16xf32>
          %slice3A_900 = vector.extract_strided_slice %gather3A_532 {offsets = [13], sizes = [1], strides = [1]} : vector<16xf32> to vector<1xf32>
          %squeeze3A_901 = vector.extract %slice3A_900[0] : f32 from vector<1xf32>
          %add3A_902 = vector.broadcast %squeeze3A_901 : f32 to vector<16xf32>
          %add3A_903 = arith.addf %mul3A_455, %add3A_902 : vector<16xf32>
          %sub3A_904 = arith.subf %add3A_903, %mul3A_899 : vector<16xf32>
          %max3A_905 = arith.constant 1.000000e-01 : f32
          %max3A_906 = vector.broadcast %max3A_905 : f32 to vector<16xf32>
          %max3A_907 = arith.maximumf %sub3A_904, %max3A_906 : vector<16xf32>
          %div3A_908 = arith.divf %mul3A_899, %max3A_907 : vector<16xf32>
          %gt3A_909 = arith.cmpf ogt, %div3A_908, %select_n3A_883 : vector<16xf32>
          %select_n3A_910 = arith.select %gt3A_909, %div3A_908, %select_n3A_883 : vector<16xi1>, vector<16xf32>
          %slice3A_911 = vector.extract_strided_slice %select_n3A_521 {offsets = [13], sizes = [1], strides = [1]} : vector<16xi32> to vector<1xi32>
          %squeeze3A_912 = vector.extract %slice3A_911[0] : i32 from vector<1xi32>
          %broadcast_in_dim3A_913 = vector.broadcast %squeeze3A_912 : i32 to vector<16xi32>
          %select_n3A_914 = arith.select %gt3A_909, %broadcast_in_dim3A_913, %select_n3A_887 : vector<16xi1>, vector<16xi32>
          %broadcast_in_dim3A_915 = arith.constant 0 : i32
          %broadcast_in_dim3A_916 = vector.broadcast %broadcast_in_dim3A_915 : i32 to vector<16xi32>
          %slice3A_917 = vector.extract_strided_slice %add3A_537 {offsets = [14], sizes = [1], strides = [1]} : vector<16xi32> to vector<1xi32>
          %squeeze3A_918 = vector.extract %slice3A_917[0] : i32 from vector<1xi32>
          %add3A_919 = vector.broadcast %squeeze3A_918 : i32 to vector<16xi32>
          %add3A_920 = arith.addi %broadcast_in_dim3A_916, %add3A_919 : vector<16xi32>
          %add3A_921 = arith.addi %add3A_920, %iota3A : vector<16xi32>
          %gather3A_922 = tpu.vector_load_idx %arg9[%add3A_921] : memref<12288xf32, #tpu.memory_space<vmem>>[vector<16xi32>], vector<16xf32>,
          %slice3A_923 = vector.extract_strided_slice %select_n3A_531 {offsets = [14], sizes = [1], strides = [1]} : vector<16xf32> to vector<1xf32>
          %squeeze3A_924 = vector.extract %slice3A_923[0] : f32 from vector<1xf32>
          %mul3A_925 = vector.broadcast %squeeze3A_924 : f32 to vector<16xf32>
          %mul3A_926 = arith.mulf %mul3A_925, %gather3A_922 : vector<16xf32>
          %slice3A_927 = vector.extract_strided_slice %gather3A_532 {offsets = [14], sizes = [1], strides = [1]} : vector<16xf32> to vector<1xf32>
          %squeeze3A_928 = vector.extract %slice3A_927[0] : f32 from vector<1xf32>
          %add3A_929 = vector.broadcast %squeeze3A_928 : f32 to vector<16xf32>
          %add3A_930 = arith.addf %mul3A_455, %add3A_929 : vector<16xf32>
          %sub3A_931 = arith.subf %add3A_930, %mul3A_926 : vector<16xf32>
          %max3A_932 = arith.constant 1.000000e-01 : f32
          %max3A_933 = vector.broadcast %max3A_932 : f32 to vector<16xf32>
          %max3A_934 = arith.maximumf %sub3A_931, %max3A_933 : vector<16xf32>
          %div3A_935 = arith.divf %mul3A_926, %max3A_934 : vector<16xf32>
          %gt3A_936 = arith.cmpf ogt, %div3A_935, %select_n3A_910 : vector<16xf32>
          %select_n3A_937 = arith.select %gt3A_936, %div3A_935, %select_n3A_910 : vector<16xi1>, vector<16xf32>
          %slice3A_938 = vector.extract_strided_slice %select_n3A_521 {offsets = [14], sizes = [1], strides = [1]} : vector<16xi32> to vector<1xi32>
          %squeeze3A_939 = vector.extract %slice3A_938[0] : i32 from vector<1xi32>
          %broadcast_in_dim3A_940 = vector.broadcast %squeeze3A_939 : i32 to vector<16xi32>
          %select_n3A_941 = arith.select %gt3A_936, %broadcast_in_dim3A_940, %select_n3A_914 : vector<16xi1>, vector<16xi32>
          %broadcast_in_dim3A_942 = arith.constant 0 : i32
          %broadcast_in_dim3A_943 = vector.broadcast %broadcast_in_dim3A_942 : i32 to vector<16xi32>
          %slice3A_944 = vector.extract_strided_slice %add3A_537 {offsets = [15], sizes = [1], strides = [1]} : vector<16xi32> to vector<1xi32>
          %squeeze3A_945 = vector.extract %slice3A_944[0] : i32 from vector<1xi32>
          %add3A_946 = vector.broadcast %squeeze3A_945 : i32 to vector<16xi32>
          %add3A_947 = arith.addi %broadcast_in_dim3A_943, %add3A_946 : vector<16xi32>
          %add3A_948 = arith.addi %add3A_947, %iota3A : vector<16xi32>
          %gather3A_949 = tpu.vector_load_idx %arg9[%add3A_948] : memref<12288xf32, #tpu.memory_space<vmem>>[vector<16xi32>], vector<16xf32>,
          %slice3A_950 = vector.extract_strided_slice %select_n3A_531 {offsets = [15], sizes = [1], strides = [1]} : vector<16xf32> to vector<1xf32>
          %squeeze3A_951 = vector.extract %slice3A_950[0] : f32 from vector<1xf32>
          %mul3A_952 = vector.broadcast %squeeze3A_951 : f32 to vector<16xf32>
          %mul3A_953 = arith.mulf %mul3A_952, %gather3A_949 : vector<16xf32>
          %slice3A_954 = vector.extract_strided_slice %gather3A_532 {offsets = [15], sizes = [1], strides = [1]} : vector<16xf32> to vector<1xf32>
          %squeeze3A_955 = vector.extract %slice3A_954[0] : f32 from vector<1xf32>
          %add3A_956 = vector.broadcast %squeeze3A_955 : f32 to vector<16xf32>
          %add3A_957 = arith.addf %mul3A_455, %add3A_956 : vector<16xf32>
          %sub3A_958 = arith.subf %add3A_957, %mul3A_953 : vector<16xf32>
          %max3A_959 = arith.constant 1.000000e-01 : f32
          %max3A_960 = vector.broadcast %max3A_959 : f32 to vector<16xf32>
          %max3A_961 = arith.maximumf %sub3A_958, %max3A_960 : vector<16xf32>
          %div3A_962 = arith.divf %mul3A_953, %max3A_961 : vector<16xf32>
          %gt3A_963 = arith.cmpf ogt, %div3A_962, %select_n3A_937 : vector<16xf32>
          %select_n3A_964 = arith.select %gt3A_963, %div3A_962, %select_n3A_937 : vector<16xi1>, vector<16xf32>
          %slice3A_965 = vector.extract_strided_slice %select_n3A_521 {offsets = [15], sizes = [1], strides = [1]} : vector<16xi32> to vector<1xi32>
          %squeeze3A_966 = vector.extract %slice3A_965[0] : i32 from vector<1xi32>
          %broadcast_in_dim3A_967 = vector.broadcast %squeeze3A_966 : i32 to vector<16xi32>
          %select_n3A_968 = arith.select %gt3A_963, %broadcast_in_dim3A_967, %select_n3A_941 : vector<16xi1>, vector<16xi32>
          scf.yield %select_n3A_964, %select_n3A_968 : vector<16xf32>, vector<16xi32>
        }
        %while3A_469 = arith.constant 1 : i32
        %while3A_470:2 = scf.for %while3A_506 = %while3A_466 to %while3A_462 step %while3A_469 iter_args(%while3A_507 = %while3A_468#0, %while3A_508 = %while3A_468#1) -> (vector<16xf32>, vector<16xi32>)  : i32 {
          %mul3A_509 = arith.constant 16 : i32
          %mul3A_510 = arith.muli %while3A_506, %mul3A_509 : i32
          %get3A_511 = arith.index_cast %mul3A_510 : i32 to index
          %get3A_512 = tpu.vector_load %arg18[%get3A_511] {strides = array<i32>} : memref<272xi32, #tpu.memory_space<vmem>>, vector<16xi32>,
          %mul3A_513 = arith.constant 16 : i32
          %mul3A_514 = arith.muli %while3A_506, %mul3A_513 : i32
          %add3A_515 = vector.broadcast %mul3A_514 : i32 to vector<16xi32>
          %add3A_516 = arith.addi %add3A_515, %iota3A : vector<16xi32>
          %lt3A_517 = vector.broadcast %add3A_404 : i32 to vector<16xi32>
          %lt3A_518 = arith.cmpi slt, %add3A_516, %lt3A_517 : vector<16xi32>
          %jit3A_519 = arith.constant 0 : i32
          %broadcast_in_dim3A_520 = vector.broadcast %jit3A_519 : i32 to vector<16xi32>
          %select_n3A_521 = arith.select %lt3A_518, %get3A_512, %broadcast_in_dim3A_520 : vector<16xi1>, vector<16xi32>
          %add3A_522 = vector.broadcast %mul3A_43 : i32 to vector<16xi32>
          %add3A_523 = arith.addi %add3A_522, %select_n3A_521 : vector<16xi32>
          %gather3A_524 = tpu.vector_load_idx %arg7[%add3A_523] : memref<8192xf32, #tpu.memory_space<vmem>>[vector<16xi32>], vector<16xf32>,
          %add3A_525 = vector.broadcast %mul3A_45 : i32 to vector<16xi32>
          %add3A_526 = arith.addi %add3A_525, %select_n3A_521 : vector<16xi32>
          %gather3A_527 = tpu.vector_load_idx %arg8[%add3A_526] : memref<8192xf32, #tpu.memory_space<vmem>>[vector<16xi32>], vector<16xf32>,
          %mul3A_528 = arith.mulf %gather3A_524, %gather3A_527 : vector<16xf32>
          %jit3A_529 = arith.constant 0.000000e+00 : f32
          %broadcast_in_dim3A_530 = vector.broadcast %jit3A_529 : f32 to vector<16xf32>
          %select_n3A_531 = arith.select %lt3A_518, %mul3A_528, %broadcast_in_dim3A_530 : vector<16xi1>, vector<16xf32>
          %gather3A_532 = tpu.vector_load_idx %arg10[%select_n3A_521] : memref<256xf32, #tpu.memory_space<vmem>>[vector<16xi32>], vector<16xf32>,
          %mul3A_533 = arith.constant 48 : i32
          %mul3A_534 = vector.broadcast %mul3A_533 : i32 to vector<16xi32>
          %mul3A_535 = arith.muli %select_n3A_521, %mul3A_534 : vector<16xi32>
          %add3A_536 = vector.broadcast %add3A_448 : i32 to vector<16xi32>
          %add3A_537 = arith.addi %mul3A_535, %add3A_536 : vector<16xi32>
          %broadcast_in_dim3A_538 = arith.constant 0 : i32
          %broadcast_in_dim3A_539 = vector.broadcast %broadcast_in_dim3A_538 : i32 to vector<16xi32>
          %slice3A_540 = vector.extract_strided_slice %add3A_537 {offsets = [0], sizes = [1], strides = [1]} : vector<16xi32> to vector<1xi32>
          %squeeze3A_541 = vector.extract %slice3A_540[0] : i32 from vector<1xi32>
          %add3A_542 = vector.broadcast %squeeze3A_541 : i32 to vector<16xi32>
          %add3A_543 = arith.addi %broadcast_in_dim3A_539, %add3A_542 : vector<16xi32>
          %add3A_544 = arith.addi %add3A_543, %iota3A : vector<16xi32>
          %gather3A_545 = tpu.vector_load_idx %arg9[%add3A_544] : memref<12288xf32, #tpu.memory_space<vmem>>[vector<16xi32>], vector<16xf32>,
          %slice3A_546 = vector.extract_strided_slice %select_n3A_531 {offsets = [0], sizes = [1], strides = [1]} : vector<16xf32> to vector<1xf32>
          %squeeze3A_547 = vector.extract %slice3A_546[0] : f32 from vector<1xf32>
          %mul3A_548 = vector.broadcast %squeeze3A_547 : f32 to vector<16xf32>
          %mul3A_549 = arith.mulf %mul3A_548, %gather3A_545 : vector<16xf32>
          %slice3A_550 = vector.extract_strided_slice %gather3A_532 {offsets = [0], sizes = [1], strides = [1]} : vector<16xf32> to vector<1xf32>
          %squeeze3A_551 = vector.extract %slice3A_550[0] : f32 from vector<1xf32>
          %add3A_552 = vector.broadcast %squeeze3A_551 : f32 to vector<16xf32>
          %add3A_553 = arith.addf %mul3A_455, %add3A_552 : vector<16xf32>
          %sub3A_554 = arith.subf %add3A_553, %mul3A_549 : vector<16xf32>
          %max3A = arith.constant 1.000000e-01 : f32
          %max3A_555 = vector.broadcast %max3A : f32 to vector<16xf32>
          %max3A_556 = arith.maximumf %sub3A_554, %max3A_555 : vector<16xf32>
          %div3A_557 = arith.divf %mul3A_549, %max3A_556 : vector<16xf32>
          %gt3A_558 = arith.cmpf ogt, %div3A_557, %while3A_507 : vector<16xf32>
          %select_n3A_559 = arith.select %gt3A_558, %div3A_557, %while3A_507 : vector<16xi1>, vector<16xf32>
          %slice3A_560 = vector.extract_strided_slice %select_n3A_521 {offsets = [0], sizes = [1], strides = [1]} : vector<16xi32> to vector<1xi32>
          %squeeze3A_561 = vector.extract %slice3A_560[0] : i32 from vector<1xi32>
          %broadcast_in_dim3A_562 = vector.broadcast %squeeze3A_561 : i32 to vector<16xi32>
          %select_n3A_563 = arith.select %gt3A_558, %broadcast_in_dim3A_562, %while3A_508 : vector<16xi1>, vector<16xi32>
          %broadcast_in_dim3A_564 = arith.constant 0 : i32
          %broadcast_in_dim3A_565 = vector.broadcast %broadcast_in_dim3A_564 : i32 to vector<16xi32>
          %slice3A_566 = vector.extract_strided_slice %add3A_537 {offsets = [1], sizes = [1], strides = [1]} : vector<16xi32> to vector<1xi32>
          %squeeze3A_567 = vector.extract %slice3A_566[0] : i32 from vector<1xi32>
          %add3A_568 = vector.broadcast %squeeze3A_567 : i32 to vector<16xi32>
          %add3A_569 = arith.addi %broadcast_in_dim3A_565, %add3A_568 : vector<16xi32>
          %add3A_570 = arith.addi %add3A_569, %iota3A : vector<16xi32>
          %gather3A_571 = tpu.vector_load_idx %arg9[%add3A_570] : memref<12288xf32, #tpu.memory_space<vmem>>[vector<16xi32>], vector<16xf32>,
          %slice3A_572 = vector.extract_strided_slice %select_n3A_531 {offsets = [1], sizes = [1], strides = [1]} : vector<16xf32> to vector<1xf32>
          %squeeze3A_573 = vector.extract %slice3A_572[0] : f32 from vector<1xf32>
          %mul3A_574 = vector.broadcast %squeeze3A_573 : f32 to vector<16xf32>
          %mul3A_575 = arith.mulf %mul3A_574, %gather3A_571 : vector<16xf32>
          %slice3A_576 = vector.extract_strided_slice %gather3A_532 {offsets = [1], sizes = [1], strides = [1]} : vector<16xf32> to vector<1xf32>
          %squeeze3A_577 = vector.extract %slice3A_576[0] : f32 from vector<1xf32>
          %add3A_578 = vector.broadcast %squeeze3A_577 : f32 to vector<16xf32>
          %add3A_579 = arith.addf %mul3A_455, %add3A_578 : vector<16xf32>
          %sub3A_580 = arith.subf %add3A_579, %mul3A_575 : vector<16xf32>
          %max3A_581 = arith.constant 1.000000e-01 : f32
          %max3A_582 = vector.broadcast %max3A_581 : f32 to vector<16xf32>
          %max3A_583 = arith.maximumf %sub3A_580, %max3A_582 : vector<16xf32>
          %div3A_584 = arith.divf %mul3A_575, %max3A_583 : vector<16xf32>
          %gt3A_585 = arith.cmpf ogt, %div3A_584, %select_n3A_559 : vector<16xf32>
          %select_n3A_586 = arith.select %gt3A_585, %div3A_584, %select_n3A_559 : vector<16xi1>, vector<16xf32>
          %slice3A_587 = vector.extract_strided_slice %select_n3A_521 {offsets = [1], sizes = [1], strides = [1]} : vector<16xi32> to vector<1xi32>
          %squeeze3A_588 = vector.extract %slice3A_587[0] : i32 from vector<1xi32>
          %broadcast_in_dim3A_589 = vector.broadcast %squeeze3A_588 : i32 to vector<16xi32>
          %select_n3A_590 = arith.select %gt3A_585, %broadcast_in_dim3A_589, %select_n3A_563 : vector<16xi1>, vector<16xi32>
          %broadcast_in_dim3A_591 = arith.constant 0 : i32
          %broadcast_in_dim3A_592 = vector.broadcast %broadcast_in_dim3A_591 : i32 to vector<16xi32>
          %slice3A_593 = vector.extract_strided_slice %add3A_537 {offsets = [2], sizes = [1], strides = [1]} : vector<16xi32> to vector<1xi32>
          %squeeze3A_594 = vector.extract %slice3A_593[0] : i32 from vector<1xi32>
          %add3A_595 = vector.broadcast %squeeze3A_594 : i32 to vector<16xi32>
          %add3A_596 = arith.addi %broadcast_in_dim3A_592, %add3A_595 : vector<16xi32>
          %add3A_597 = arith.addi %add3A_596, %iota3A : vector<16xi32>
          %gather3A_598 = tpu.vector_load_idx %arg9[%add3A_597] : memref<12288xf32, #tpu.memory_space<vmem>>[vector<16xi32>], vector<16xf32>,
          %slice3A_599 = vector.extract_strided_slice %select_n3A_531 {offsets = [2], sizes = [1], strides = [1]} : vector<16xf32> to vector<1xf32>
          %squeeze3A_600 = vector.extract %slice3A_599[0] : f32 from vector<1xf32>
          %mul3A_601 = vector.broadcast %squeeze3A_600 : f32 to vector<16xf32>
          %mul3A_602 = arith.mulf %mul3A_601, %gather3A_598 : vector<16xf32>
          %slice3A_603 = vector.extract_strided_slice %gather3A_532 {offsets = [2], sizes = [1], strides = [1]} : vector<16xf32> to vector<1xf32>
          %squeeze3A_604 = vector.extract %slice3A_603[0] : f32 from vector<1xf32>
          %add3A_605 = vector.broadcast %squeeze3A_604 : f32 to vector<16xf32>
          %add3A_606 = arith.addf %mul3A_455, %add3A_605 : vector<16xf32>
          %sub3A_607 = arith.subf %add3A_606, %mul3A_602 : vector<16xf32>
          %max3A_608 = arith.constant 1.000000e-01 : f32
          %max3A_609 = vector.broadcast %max3A_608 : f32 to vector<16xf32>
          %max3A_610 = arith.maximumf %sub3A_607, %max3A_609 : vector<16xf32>
          %div3A_611 = arith.divf %mul3A_602, %max3A_610 : vector<16xf32>
          %gt3A_612 = arith.cmpf ogt, %div3A_611, %select_n3A_586 : vector<16xf32>
          %select_n3A_613 = arith.select %gt3A_612, %div3A_611, %select_n3A_586 : vector<16xi1>, vector<16xf32>
          %slice3A_614 = vector.extract_strided_slice %select_n3A_521 {offsets = [2], sizes = [1], strides = [1]} : vector<16xi32> to vector<1xi32>
          %squeeze3A_615 = vector.extract %slice3A_614[0] : i32 from vector<1xi32>
          %broadcast_in_dim3A_616 = vector.broadcast %squeeze3A_615 : i32 to vector<16xi32>
          %select_n3A_617 = arith.select %gt3A_612, %broadcast_in_dim3A_616, %select_n3A_590 : vector<16xi1>, vector<16xi32>
          %broadcast_in_dim3A_618 = arith.constant 0 : i32
          %broadcast_in_dim3A_619 = vector.broadcast %broadcast_in_dim3A_618 : i32 to vector<16xi32>
          %slice3A_620 = vector.extract_strided_slice %add3A_537 {offsets = [3], sizes = [1], strides = [1]} : vector<16xi32> to vector<1xi32>
          %squeeze3A_621 = vector.extract %slice3A_620[0] : i32 from vector<1xi32>
          %add3A_622 = vector.broadcast %squeeze3A_621 : i32 to vector<16xi32>
          %add3A_623 = arith.addi %broadcast_in_dim3A_619, %add3A_622 : vector<16xi32>
          %add3A_624 = arith.addi %add3A_623, %iota3A : vector<16xi32>
          %gather3A_625 = tpu.vector_load_idx %arg9[%add3A_624] : memref<12288xf32, #tpu.memory_space<vmem>>[vector<16xi32>], vector<16xf32>,
          %slice3A_626 = vector.extract_strided_slice %select_n3A_531 {offsets = [3], sizes = [1], strides = [1]} : vector<16xf32> to vector<1xf32>
          %squeeze3A_627 = vector.extract %slice3A_626[0] : f32 from vector<1xf32>
          %mul3A_628 = vector.broadcast %squeeze3A_627 : f32 to vector<16xf32>
          %mul3A_629 = arith.mulf %mul3A_628, %gather3A_625 : vector<16xf32>
          %slice3A_630 = vector.extract_strided_slice %gather3A_532 {offsets = [3], sizes = [1], strides = [1]} : vector<16xf32> to vector<1xf32>
          %squeeze3A_631 = vector.extract %slice3A_630[0] : f32 from vector<1xf32>
          %add3A_632 = vector.broadcast %squeeze3A_631 : f32 to vector<16xf32>
          %add3A_633 = arith.addf %mul3A_455, %add3A_632 : vector<16xf32>
          %sub3A_634 = arith.subf %add3A_633, %mul3A_629 : vector<16xf32>
          %max3A_635 = arith.constant 1.000000e-01 : f32
          %max3A_636 = vector.broadcast %max3A_635 : f32 to vector<16xf32>
          %max3A_637 = arith.maximumf %sub3A_634, %max3A_636 : vector<16xf32>
          %div3A_638 = arith.divf %mul3A_629, %max3A_637 : vector<16xf32>
          %gt3A_639 = arith.cmpf ogt, %div3A_638, %select_n3A_613 : vector<16xf32>
          %select_n3A_640 = arith.select %gt3A_639, %div3A_638, %select_n3A_613 : vector<16xi1>, vector<16xf32>
          %slice3A_641 = vector.extract_strided_slice %select_n3A_521 {offsets = [3], sizes = [1], strides = [1]} : vector<16xi32> to vector<1xi32>
          %squeeze3A_642 = vector.extract %slice3A_641[0] : i32 from vector<1xi32>
          %broadcast_in_dim3A_643 = vector.broadcast %squeeze3A_642 : i32 to vector<16xi32>
          %select_n3A_644 = arith.select %gt3A_639, %broadcast_in_dim3A_643, %select_n3A_617 : vector<16xi1>, vector<16xi32>
          %broadcast_in_dim3A_645 = arith.constant 0 : i32
          %broadcast_in_dim3A_646 = vector.broadcast %broadcast_in_dim3A_645 : i32 to vector<16xi32>
          %slice3A_647 = vector.extract_strided_slice %add3A_537 {offsets = [4], sizes = [1], strides = [1]} : vector<16xi32> to vector<1xi32>
          %squeeze3A_648 = vector.extract %slice3A_647[0] : i32 from vector<1xi32>
          %add3A_649 = vector.broadcast %squeeze3A_648 : i32 to vector<16xi32>
          %add3A_650 = arith.addi %broadcast_in_dim3A_646, %add3A_649 : vector<16xi32>
          %add3A_651 = arith.addi %add3A_650, %iota3A : vector<16xi32>
          %gather3A_652 = tpu.vector_load_idx %arg9[%add3A_651] : memref<12288xf32, #tpu.memory_space<vmem>>[vector<16xi32>], vector<16xf32>,
          %slice3A_653 = vector.extract_strided_slice %select_n3A_531 {offsets = [4], sizes = [1], strides = [1]} : vector<16xf32> to vector<1xf32>
          %squeeze3A_654 = vector.extract %slice3A_653[0] : f32 from vector<1xf32>
          %mul3A_655 = vector.broadcast %squeeze3A_654 : f32 to vector<16xf32>
          %mul3A_656 = arith.mulf %mul3A_655, %gather3A_652 : vector<16xf32>
          %slice3A_657 = vector.extract_strided_slice %gather3A_532 {offsets = [4], sizes = [1], strides = [1]} : vector<16xf32> to vector<1xf32>
          %squeeze3A_658 = vector.extract %slice3A_657[0] : f32 from vector<1xf32>
          %add3A_659 = vector.broadcast %squeeze3A_658 : f32 to vector<16xf32>
          %add3A_660 = arith.addf %mul3A_455, %add3A_659 : vector<16xf32>
          %sub3A_661 = arith.subf %add3A_660, %mul3A_656 : vector<16xf32>
          %max3A_662 = arith.constant 1.000000e-01 : f32
          %max3A_663 = vector.broadcast %max3A_662 : f32 to vector<16xf32>
          %max3A_664 = arith.maximumf %sub3A_661, %max3A_663 : vector<16xf32>
          %div3A_665 = arith.divf %mul3A_656, %max3A_664 : vector<16xf32>
          %gt3A_666 = arith.cmpf ogt, %div3A_665, %select_n3A_640 : vector<16xf32>
          %select_n3A_667 = arith.select %gt3A_666, %div3A_665, %select_n3A_640 : vector<16xi1>, vector<16xf32>
          %slice3A_668 = vector.extract_strided_slice %select_n3A_521 {offsets = [4], sizes = [1], strides = [1]} : vector<16xi32> to vector<1xi32>
          %squeeze3A_669 = vector.extract %slice3A_668[0] : i32 from vector<1xi32>
          %broadcast_in_dim3A_670 = vector.broadcast %squeeze3A_669 : i32 to vector<16xi32>
          %select_n3A_671 = arith.select %gt3A_666, %broadcast_in_dim3A_670, %select_n3A_644 : vector<16xi1>, vector<16xi32>
          %broadcast_in_dim3A_672 = arith.constant 0 : i32
          %broadcast_in_dim3A_673 = vector.broadcast %broadcast_in_dim3A_672 : i32 to vector<16xi32>
          %slice3A_674 = vector.extract_strided_slice %add3A_537 {offsets = [5], sizes = [1], strides = [1]} : vector<16xi32> to vector<1xi32>
          %squeeze3A_675 = vector.extract %slice3A_674[0] : i32 from vector<1xi32>
          %add3A_676 = vector.broadcast %squeeze3A_675 : i32 to vector<16xi32>
          %add3A_677 = arith.addi %broadcast_in_dim3A_673, %add3A_676 : vector<16xi32>
          %add3A_678 = arith.addi %add3A_677, %iota3A : vector<16xi32>
          %gather3A_679 = tpu.vector_load_idx %arg9[%add3A_678] : memref<12288xf32, #tpu.memory_space<vmem>>[vector<16xi32>], vector<16xf32>,
          %slice3A_680 = vector.extract_strided_slice %select_n3A_531 {offsets = [5], sizes = [1], strides = [1]} : vector<16xf32> to vector<1xf32>
          %squeeze3A_681 = vector.extract %slice3A_680[0] : f32 from vector<1xf32>
          %mul3A_682 = vector.broadcast %squeeze3A_681 : f32 to vector<16xf32>
          %mul3A_683 = arith.mulf %mul3A_682, %gather3A_679 : vector<16xf32>
          %slice3A_684 = vector.extract_strided_slice %gather3A_532 {offsets = [5], sizes = [1], strides = [1]} : vector<16xf32> to vector<1xf32>
          %squeeze3A_685 = vector.extract %slice3A_684[0] : f32 from vector<1xf32>
          %add3A_686 = vector.broadcast %squeeze3A_685 : f32 to vector<16xf32>
          %add3A_687 = arith.addf %mul3A_455, %add3A_686 : vector<16xf32>
          %sub3A_688 = arith.subf %add3A_687, %mul3A_683 : vector<16xf32>
          %max3A_689 = arith.constant 1.000000e-01 : f32
          %max3A_690 = vector.broadcast %max3A_689 : f32 to vector<16xf32>
          %max3A_691 = arith.maximumf %sub3A_688, %max3A_690 : vector<16xf32>
          %div3A_692 = arith.divf %mul3A_683, %max3A_691 : vector<16xf32>
          %gt3A_693 = arith.cmpf ogt, %div3A_692, %select_n3A_667 : vector<16xf32>
          %select_n3A_694 = arith.select %gt3A_693, %div3A_692, %select_n3A_667 : vector<16xi1>, vector<16xf32>
          %slice3A_695 = vector.extract_strided_slice %select_n3A_521 {offsets = [5], sizes = [1], strides = [1]} : vector<16xi32> to vector<1xi32>
          %squeeze3A_696 = vector.extract %slice3A_695[0] : i32 from vector<1xi32>
          %broadcast_in_dim3A_697 = vector.broadcast %squeeze3A_696 : i32 to vector<16xi32>
          %select_n3A_698 = arith.select %gt3A_693, %broadcast_in_dim3A_697, %select_n3A_671 : vector<16xi1>, vector<16xi32>
          %broadcast_in_dim3A_699 = arith.constant 0 : i32
          %broadcast_in_dim3A_700 = vector.broadcast %broadcast_in_dim3A_699 : i32 to vector<16xi32>
          %slice3A_701 = vector.extract_strided_slice %add3A_537 {offsets = [6], sizes = [1], strides = [1]} : vector<16xi32> to vector<1xi32>
          %squeeze3A_702 = vector.extract %slice3A_701[0] : i32 from vector<1xi32>
          %add3A_703 = vector.broadcast %squeeze3A_702 : i32 to vector<16xi32>
          %add3A_704 = arith.addi %broadcast_in_dim3A_700, %add3A_703 : vector<16xi32>
          %add3A_705 = arith.addi %add3A_704, %iota3A : vector<16xi32>
          %gather3A_706 = tpu.vector_load_idx %arg9[%add3A_705] : memref<12288xf32, #tpu.memory_space<vmem>>[vector<16xi32>], vector<16xf32>,
          %slice3A_707 = vector.extract_strided_slice %select_n3A_531 {offsets = [6], sizes = [1], strides = [1]} : vector<16xf32> to vector<1xf32>
          %squeeze3A_708 = vector.extract %slice3A_707[0] : f32 from vector<1xf32>
          %mul3A_709 = vector.broadcast %squeeze3A_708 : f32 to vector<16xf32>
          %mul3A_710 = arith.mulf %mul3A_709, %gather3A_706 : vector<16xf32>
          %slice3A_711 = vector.extract_strided_slice %gather3A_532 {offsets = [6], sizes = [1], strides = [1]} : vector<16xf32> to vector<1xf32>
          %squeeze3A_712 = vector.extract %slice3A_711[0] : f32 from vector<1xf32>
          %add3A_713 = vector.broadcast %squeeze3A_712 : f32 to vector<16xf32>
          %add3A_714 = arith.addf %mul3A_455, %add3A_713 : vector<16xf32>
          %sub3A_715 = arith.subf %add3A_714, %mul3A_710 : vector<16xf32>
          %max3A_716 = arith.constant 1.000000e-01 : f32
          %max3A_717 = vector.broadcast %max3A_716 : f32 to vector<16xf32>
          %max3A_718 = arith.maximumf %sub3A_715, %max3A_717 : vector<16xf32>
          %div3A_719 = arith.divf %mul3A_710, %max3A_718 : vector<16xf32>
          %gt3A_720 = arith.cmpf ogt, %div3A_719, %select_n3A_694 : vector<16xf32>
          %select_n3A_721 = arith.select %gt3A_720, %div3A_719, %select_n3A_694 : vector<16xi1>, vector<16xf32>
          %slice3A_722 = vector.extract_strided_slice %select_n3A_521 {offsets = [6], sizes = [1], strides = [1]} : vector<16xi32> to vector<1xi32>
          %squeeze3A_723 = vector.extract %slice3A_722[0] : i32 from vector<1xi32>
          %broadcast_in_dim3A_724 = vector.broadcast %squeeze3A_723 : i32 to vector<16xi32>
          %select_n3A_725 = arith.select %gt3A_720, %broadcast_in_dim3A_724, %select_n3A_698 : vector<16xi1>, vector<16xi32>
          %broadcast_in_dim3A_726 = arith.constant 0 : i32
          %broadcast_in_dim3A_727 = vector.broadcast %broadcast_in_dim3A_726 : i32 to vector<16xi32>
          %slice3A_728 = vector.extract_strided_slice %add3A_537 {offsets = [7], sizes = [1], strides = [1]} : vector<16xi32> to vector<1xi32>
          %squeeze3A_729 = vector.extract %slice3A_728[0] : i32 from vector<1xi32>
          %add3A_730 = vector.broadcast %squeeze3A_729 : i32 to vector<16xi32>
          %add3A_731 = arith.addi %broadcast_in_dim3A_727, %add3A_730 : vector<16xi32>
          %add3A_732 = arith.addi %add3A_731, %iota3A : vector<16xi32>
          %gather3A_733 = tpu.vector_load_idx %arg9[%add3A_732] : memref<12288xf32, #tpu.memory_space<vmem>>[vector<16xi32>], vector<16xf32>,
          %slice3A_734 = vector.extract_strided_slice %select_n3A_531 {offsets = [7], sizes = [1], strides = [1]} : vector<16xf32> to vector<1xf32>
          %squeeze3A_735 = vector.extract %slice3A_734[0] : f32 from vector<1xf32>
          %mul3A_736 = vector.broadcast %squeeze3A_735 : f32 to vector<16xf32>
          %mul3A_737 = arith.mulf %mul3A_736, %gather3A_733 : vector<16xf32>
          %slice3A_738 = vector.extract_strided_slice %gather3A_532 {offsets = [7], sizes = [1], strides = [1]} : vector<16xf32> to vector<1xf32>
          %squeeze3A_739 = vector.extract %slice3A_738[0] : f32 from vector<1xf32>
          %add3A_740 = vector.broadcast %squeeze3A_739 : f32 to vector<16xf32>
          %add3A_741 = arith.addf %mul3A_455, %add3A_740 : vector<16xf32>
          %sub3A_742 = arith.subf %add3A_741, %mul3A_737 : vector<16xf32>
          %max3A_743 = arith.constant 1.000000e-01 : f32
          %max3A_744 = vector.broadcast %max3A_743 : f32 to vector<16xf32>
          %max3A_745 = arith.maximumf %sub3A_742, %max3A_744 : vector<16xf32>
          %div3A_746 = arith.divf %mul3A_737, %max3A_745 : vector<16xf32>
          %gt3A_747 = arith.cmpf ogt, %div3A_746, %select_n3A_721 : vector<16xf32>
          %select_n3A_748 = arith.select %gt3A_747, %div3A_746, %select_n3A_721 : vector<16xi1>, vector<16xf32>
          %slice3A_749 = vector.extract_strided_slice %select_n3A_521 {offsets = [7], sizes = [1], strides = [1]} : vector<16xi32> to vector<1xi32>
          %squeeze3A_750 = vector.extract %slice3A_749[0] : i32 from vector<1xi32>
          %broadcast_in_dim3A_751 = vector.broadcast %squeeze3A_750 : i32 to vector<16xi32>
          %select_n3A_752 = arith.select %gt3A_747, %broadcast_in_dim3A_751, %select_n3A_725 : vector<16xi1>, vector<16xi32>
          %broadcast_in_dim3A_753 = arith.constant 0 : i32
          %broadcast_in_dim3A_754 = vector.broadcast %broadcast_in_dim3A_753 : i32 to vector<16xi32>
          %slice3A_755 = vector.extract_strided_slice %add3A_537 {offsets = [8], sizes = [1], strides = [1]} : vector<16xi32> to vector<1xi32>
          %squeeze3A_756 = vector.extract %slice3A_755[0] : i32 from vector<1xi32>
          %add3A_757 = vector.broadcast %squeeze3A_756 : i32 to vector<16xi32>
          %add3A_758 = arith.addi %broadcast_in_dim3A_754, %add3A_757 : vector<16xi32>
          %add3A_759 = arith.addi %add3A_758, %iota3A : vector<16xi32>
          %gather3A_760 = tpu.vector_load_idx %arg9[%add3A_759] : memref<12288xf32, #tpu.memory_space<vmem>>[vector<16xi32>], vector<16xf32>,
          %slice3A_761 = vector.extract_strided_slice %select_n3A_531 {offsets = [8], sizes = [1], strides = [1]} : vector<16xf32> to vector<1xf32>
          %squeeze3A_762 = vector.extract %slice3A_761[0] : f32 from vector<1xf32>
          %mul3A_763 = vector.broadcast %squeeze3A_762 : f32 to vector<16xf32>
          %mul3A_764 = arith.mulf %mul3A_763, %gather3A_760 : vector<16xf32>
          %slice3A_765 = vector.extract_strided_slice %gather3A_532 {offsets = [8], sizes = [1], strides = [1]} : vector<16xf32> to vector<1xf32>
          %squeeze3A_766 = vector.extract %slice3A_765[0] : f32 from vector<1xf32>
          %add3A_767 = vector.broadcast %squeeze3A_766 : f32 to vector<16xf32>
          %add3A_768 = arith.addf %mul3A_455, %add3A_767 : vector<16xf32>
          %sub3A_769 = arith.subf %add3A_768, %mul3A_764 : vector<16xf32>
          %max3A_770 = arith.constant 1.000000e-01 : f32
          %max3A_771 = vector.broadcast %max3A_770 : f32 to vector<16xf32>
          %max3A_772 = arith.maximumf %sub3A_769, %max3A_771 : vector<16xf32>
          %div3A_773 = arith.divf %mul3A_764, %max3A_772 : vector<16xf32>
          %gt3A_774 = arith.cmpf ogt, %div3A_773, %select_n3A_748 : vector<16xf32>
          %select_n3A_775 = arith.select %gt3A_774, %div3A_773, %select_n3A_748 : vector<16xi1>, vector<16xf32>
          %slice3A_776 = vector.extract_strided_slice %select_n3A_521 {offsets = [8], sizes = [1], strides = [1]} : vector<16xi32> to vector<1xi32>
          %squeeze3A_777 = vector.extract %slice3A_776[0] : i32 from vector<1xi32>
          %broadcast_in_dim3A_778 = vector.broadcast %squeeze3A_777 : i32 to vector<16xi32>
          %select_n3A_779 = arith.select %gt3A_774, %broadcast_in_dim3A_778, %select_n3A_752 : vector<16xi1>, vector<16xi32>
          %broadcast_in_dim3A_780 = arith.constant 0 : i32
          %broadcast_in_dim3A_781 = vector.broadcast %broadcast_in_dim3A_780 : i32 to vector<16xi32>
          %slice3A_782 = vector.extract_strided_slice %add3A_537 {offsets = [9], sizes = [1], strides = [1]} : vector<16xi32> to vector<1xi32>
          %squeeze3A_783 = vector.extract %slice3A_782[0] : i32 from vector<1xi32>
          %add3A_784 = vector.broadcast %squeeze3A_783 : i32 to vector<16xi32>
          %add3A_785 = arith.addi %broadcast_in_dim3A_781, %add3A_784 : vector<16xi32>
          %add3A_786 = arith.addi %add3A_785, %iota3A : vector<16xi32>
          %gather3A_787 = tpu.vector_load_idx %arg9[%add3A_786] : memref<12288xf32, #tpu.memory_space<vmem>>[vector<16xi32>], vector<16xf32>,
          %slice3A_788 = vector.extract_strided_slice %select_n3A_531 {offsets = [9], sizes = [1], strides = [1]} : vector<16xf32> to vector<1xf32>
          %squeeze3A_789 = vector.extract %slice3A_788[0] : f32 from vector<1xf32>
          %mul3A_790 = vector.broadcast %squeeze3A_789 : f32 to vector<16xf32>
          %mul3A_791 = arith.mulf %mul3A_790, %gather3A_787 : vector<16xf32>
          %slice3A_792 = vector.extract_strided_slice %gather3A_532 {offsets = [9], sizes = [1], strides = [1]} : vector<16xf32> to vector<1xf32>
          %squeeze3A_793 = vector.extract %slice3A_792[0] : f32 from vector<1xf32>
          %add3A_794 = vector.broadcast %squeeze3A_793 : f32 to vector<16xf32>
          %add3A_795 = arith.addf %mul3A_455, %add3A_794 : vector<16xf32>
          %sub3A_796 = arith.subf %add3A_795, %mul3A_791 : vector<16xf32>
          %max3A_797 = arith.constant 1.000000e-01 : f32
          %max3A_798 = vector.broadcast %max3A_797 : f32 to vector<16xf32>
          %max3A_799 = arith.maximumf %sub3A_796, %max3A_798 : vector<16xf32>
          %div3A_800 = arith.divf %mul3A_791, %max3A_799 : vector<16xf32>
          %gt3A_801 = arith.cmpf ogt, %div3A_800, %select_n3A_775 : vector<16xf32>
          %select_n3A_802 = arith.select %gt3A_801, %div3A_800, %select_n3A_775 : vector<16xi1>, vector<16xf32>
          %slice3A_803 = vector.extract_strided_slice %select_n3A_521 {offsets = [9], sizes = [1], strides = [1]} : vector<16xi32> to vector<1xi32>
          %squeeze3A_804 = vector.extract %slice3A_803[0] : i32 from vector<1xi32>
          %broadcast_in_dim3A_805 = vector.broadcast %squeeze3A_804 : i32 to vector<16xi32>
          %select_n3A_806 = arith.select %gt3A_801, %broadcast_in_dim3A_805, %select_n3A_779 : vector<16xi1>, vector<16xi32>
          %broadcast_in_dim3A_807 = arith.constant 0 : i32
          %broadcast_in_dim3A_808 = vector.broadcast %broadcast_in_dim3A_807 : i32 to vector<16xi32>
          %slice3A_809 = vector.extract_strided_slice %add3A_537 {offsets = [10], sizes = [1], strides = [1]} : vector<16xi32> to vector<1xi32>
          %squeeze3A_810 = vector.extract %slice3A_809[0] : i32 from vector<1xi32>
          %add3A_811 = vector.broadcast %squeeze3A_810 : i32 to vector<16xi32>
          %add3A_812 = arith.addi %broadcast_in_dim3A_808, %add3A_811 : vector<16xi32>
          %add3A_813 = arith.addi %add3A_812, %iota3A : vector<16xi32>
          %gather3A_814 = tpu.vector_load_idx %arg9[%add3A_813] : memref<12288xf32, #tpu.memory_space<vmem>>[vector<16xi32>], vector<16xf32>,
          %slice3A_815 = vector.extract_strided_slice %select_n3A_531 {offsets = [10], sizes = [1], strides = [1]} : vector<16xf32> to vector<1xf32>
          %squeeze3A_816 = vector.extract %slice3A_815[0] : f32 from vector<1xf32>
          %mul3A_817 = vector.broadcast %squeeze3A_816 : f32 to vector<16xf32>
          %mul3A_818 = arith.mulf %mul3A_817, %gather3A_814 : vector<16xf32>
          %slice3A_819 = vector.extract_strided_slice %gather3A_532 {offsets = [10], sizes = [1], strides = [1]} : vector<16xf32> to vector<1xf32>
          %squeeze3A_820 = vector.extract %slice3A_819[0] : f32 from vector<1xf32>
          %add3A_821 = vector.broadcast %squeeze3A_820 : f32 to vector<16xf32>
          %add3A_822 = arith.addf %mul3A_455, %add3A_821 : vector<16xf32>
          %sub3A_823 = arith.subf %add3A_822, %mul3A_818 : vector<16xf32>
          %max3A_824 = arith.constant 1.000000e-01 : f32
          %max3A_825 = vector.broadcast %max3A_824 : f32 to vector<16xf32>
          %max3A_826 = arith.maximumf %sub3A_823, %max3A_825 : vector<16xf32>
          %div3A_827 = arith.divf %mul3A_818, %max3A_826 : vector<16xf32>
          %gt3A_828 = arith.cmpf ogt, %div3A_827, %select_n3A_802 : vector<16xf32>
          %select_n3A_829 = arith.select %gt3A_828, %div3A_827, %select_n3A_802 : vector<16xi1>, vector<16xf32>
          %slice3A_830 = vector.extract_strided_slice %select_n3A_521 {offsets = [10], sizes = [1], strides = [1]} : vector<16xi32> to vector<1xi32>
          %squeeze3A_831 = vector.extract %slice3A_830[0] : i32 from vector<1xi32>
          %broadcast_in_dim3A_832 = vector.broadcast %squeeze3A_831 : i32 to vector<16xi32>
          %select_n3A_833 = arith.select %gt3A_828, %broadcast_in_dim3A_832, %select_n3A_806 : vector<16xi1>, vector<16xi32>
          %broadcast_in_dim3A_834 = arith.constant 0 : i32
          %broadcast_in_dim3A_835 = vector.broadcast %broadcast_in_dim3A_834 : i32 to vector<16xi32>
          %slice3A_836 = vector.extract_strided_slice %add3A_537 {offsets = [11], sizes = [1], strides = [1]} : vector<16xi32> to vector<1xi32>
          %squeeze3A_837 = vector.extract %slice3A_836[0] : i32 from vector<1xi32>
          %add3A_838 = vector.broadcast %squeeze3A_837 : i32 to vector<16xi32>
          %add3A_839 = arith.addi %broadcast_in_dim3A_835, %add3A_838 : vector<16xi32>
          %add3A_840 = arith.addi %add3A_839, %iota3A : vector<16xi32>
          %gather3A_841 = tpu.vector_load_idx %arg9[%add3A_840] : memref<12288xf32, #tpu.memory_space<vmem>>[vector<16xi32>], vector<16xf32>,
          %slice3A_842 = vector.extract_strided_slice %select_n3A_531 {offsets = [11], sizes = [1], strides = [1]} : vector<16xf32> to vector<1xf32>
          %squeeze3A_843 = vector.extract %slice3A_842[0] : f32 from vector<1xf32>
          %mul3A_844 = vector.broadcast %squeeze3A_843 : f32 to vector<16xf32>
          %mul3A_845 = arith.mulf %mul3A_844, %gather3A_841 : vector<16xf32>
          %slice3A_846 = vector.extract_strided_slice %gather3A_532 {offsets = [11], sizes = [1], strides = [1]} : vector<16xf32> to vector<1xf32>
          %squeeze3A_847 = vector.extract %slice3A_846[0] : f32 from vector<1xf32>
          %add3A_848 = vector.broadcast %squeeze3A_847 : f32 to vector<16xf32>
          %add3A_849 = arith.addf %mul3A_455, %add3A_848 : vector<16xf32>
          %sub3A_850 = arith.subf %add3A_849, %mul3A_845 : vector<16xf32>
          %max3A_851 = arith.constant 1.000000e-01 : f32
          %max3A_852 = vector.broadcast %max3A_851 : f32 to vector<16xf32>
          %max3A_853 = arith.maximumf %sub3A_850, %max3A_852 : vector<16xf32>
          %div3A_854 = arith.divf %mul3A_845, %max3A_853 : vector<16xf32>
          %gt3A_855 = arith.cmpf ogt, %div3A_854, %select_n3A_829 : vector<16xf32>
          %select_n3A_856 = arith.select %gt3A_855, %div3A_854, %select_n3A_829 : vector<16xi1>, vector<16xf32>
          %slice3A_857 = vector.extract_strided_slice %select_n3A_521 {offsets = [11], sizes = [1], strides = [1]} : vector<16xi32> to vector<1xi32>
          %squeeze3A_858 = vector.extract %slice3A_857[0] : i32 from vector<1xi32>
          %broadcast_in_dim3A_859 = vector.broadcast %squeeze3A_858 : i32 to vector<16xi32>
          %select_n3A_860 = arith.select %gt3A_855, %broadcast_in_dim3A_859, %select_n3A_833 : vector<16xi1>, vector<16xi32>
          %broadcast_in_dim3A_861 = arith.constant 0 : i32
          %broadcast_in_dim3A_862 = vector.broadcast %broadcast_in_dim3A_861 : i32 to vector<16xi32>
          %slice3A_863 = vector.extract_strided_slice %add3A_537 {offsets = [12], sizes = [1], strides = [1]} : vector<16xi32> to vector<1xi32>
          %squeeze3A_864 = vector.extract %slice3A_863[0] : i32 from vector<1xi32>
          %add3A_865 = vector.broadcast %squeeze3A_864 : i32 to vector<16xi32>
          %add3A_866 = arith.addi %broadcast_in_dim3A_862, %add3A_865 : vector<16xi32>
          %add3A_867 = arith.addi %add3A_866, %iota3A : vector<16xi32>
          %gather3A_868 = tpu.vector_load_idx %arg9[%add3A_867] : memref<12288xf32, #tpu.memory_space<vmem>>[vector<16xi32>], vector<16xf32>,
          %slice3A_869 = vector.extract_strided_slice %select_n3A_531 {offsets = [12], sizes = [1], strides = [1]} : vector<16xf32> to vector<1xf32>
          %squeeze3A_870 = vector.extract %slice3A_869[0] : f32 from vector<1xf32>
          %mul3A_871 = vector.broadcast %squeeze3A_870 : f32 to vector<16xf32>
          %mul3A_872 = arith.mulf %mul3A_871, %gather3A_868 : vector<16xf32>
          %slice3A_873 = vector.extract_strided_slice %gather3A_532 {offsets = [12], sizes = [1], strides = [1]} : vector<16xf32> to vector<1xf32>
          %squeeze3A_874 = vector.extract %slice3A_873[0] : f32 from vector<1xf32>
          %add3A_875 = vector.broadcast %squeeze3A_874 : f32 to vector<16xf32>
          %add3A_876 = arith.addf %mul3A_455, %add3A_875 : vector<16xf32>
          %sub3A_877 = arith.subf %add3A_876, %mul3A_872 : vector<16xf32>
          %max3A_878 = arith.constant 1.000000e-01 : f32
          %max3A_879 = vector.broadcast %max3A_878 : f32 to vector<16xf32>
          %max3A_880 = arith.maximumf %sub3A_877, %max3A_879 : vector<16xf32>
          %div3A_881 = arith.divf %mul3A_872, %max3A_880 : vector<16xf32>
          %gt3A_882 = arith.cmpf ogt, %div3A_881, %select_n3A_856 : vector<16xf32>
          %select_n3A_883 = arith.select %gt3A_882, %div3A_881, %select_n3A_856 : vector<16xi1>, vector<16xf32>
          %slice3A_884 = vector.extract_strided_slice %select_n3A_521 {offsets = [12], sizes = [1], strides = [1]} : vector<16xi32> to vector<1xi32>
          %squeeze3A_885 = vector.extract %slice3A_884[0] : i32 from vector<1xi32>
          %broadcast_in_dim3A_886 = vector.broadcast %squeeze3A_885 : i32 to vector<16xi32>
          %select_n3A_887 = arith.select %gt3A_882, %broadcast_in_dim3A_886, %select_n3A_860 : vector<16xi1>, vector<16xi32>
          %broadcast_in_dim3A_888 = arith.constant 0 : i32
          %broadcast_in_dim3A_889 = vector.broadcast %broadcast_in_dim3A_888 : i32 to vector<16xi32>
          %slice3A_890 = vector.extract_strided_slice %add3A_537 {offsets = [13], sizes = [1], strides = [1]} : vector<16xi32> to vector<1xi32>
          %squeeze3A_891 = vector.extract %slice3A_890[0] : i32 from vector<1xi32>
          %add3A_892 = vector.broadcast %squeeze3A_891 : i32 to vector<16xi32>
          %add3A_893 = arith.addi %broadcast_in_dim3A_889, %add3A_892 : vector<16xi32>
          %add3A_894 = arith.addi %add3A_893, %iota3A : vector<16xi32>
          %gather3A_895 = tpu.vector_load_idx %arg9[%add3A_894] : memref<12288xf32, #tpu.memory_space<vmem>>[vector<16xi32>], vector<16xf32>,
          %slice3A_896 = vector.extract_strided_slice %select_n3A_531 {offsets = [13], sizes = [1], strides = [1]} : vector<16xf32> to vector<1xf32>
          %squeeze3A_897 = vector.extract %slice3A_896[0] : f32 from vector<1xf32>
          %mul3A_898 = vector.broadcast %squeeze3A_897 : f32 to vector<16xf32>
          %mul3A_899 = arith.mulf %mul3A_898, %gather3A_895 : vector<16xf32>
          %slice3A_900 = vector.extract_strided_slice %gather3A_532 {offsets = [13], sizes = [1], strides = [1]} : vector<16xf32> to vector<1xf32>
          %squeeze3A_901 = vector.extract %slice3A_900[0] : f32 from vector<1xf32>
          %add3A_902 = vector.broadcast %squeeze3A_901 : f32 to vector<16xf32>
          %add3A_903 = arith.addf %mul3A_455, %add3A_902 : vector<16xf32>
          %sub3A_904 = arith.subf %add3A_903, %mul3A_899 : vector<16xf32>
          %max3A_905 = arith.constant 1.000000e-01 : f32
          %max3A_906 = vector.broadcast %max3A_905 : f32 to vector<16xf32>
          %max3A_907 = arith.maximumf %sub3A_904, %max3A_906 : vector<16xf32>
          %div3A_908 = arith.divf %mul3A_899, %max3A_907 : vector<16xf32>
          %gt3A_909 = arith.cmpf ogt, %div3A_908, %select_n3A_883 : vector<16xf32>
          %select_n3A_910 = arith.select %gt3A_909, %div3A_908, %select_n3A_883 : vector<16xi1>, vector<16xf32>
          %slice3A_911 = vector.extract_strided_slice %select_n3A_521 {offsets = [13], sizes = [1], strides = [1]} : vector<16xi32> to vector<1xi32>
          %squeeze3A_912 = vector.extract %slice3A_911[0] : i32 from vector<1xi32>
          %broadcast_in_dim3A_913 = vector.broadcast %squeeze3A_912 : i32 to vector<16xi32>
          %select_n3A_914 = arith.select %gt3A_909, %broadcast_in_dim3A_913, %select_n3A_887 : vector<16xi1>, vector<16xi32>
          %broadcast_in_dim3A_915 = arith.constant 0 : i32
          %broadcast_in_dim3A_916 = vector.broadcast %broadcast_in_dim3A_915 : i32 to vector<16xi32>
          %slice3A_917 = vector.extract_strided_slice %add3A_537 {offsets = [14], sizes = [1], strides = [1]} : vector<16xi32> to vector<1xi32>
          %squeeze3A_918 = vector.extract %slice3A_917[0] : i32 from vector<1xi32>
          %add3A_919 = vector.broadcast %squeeze3A_918 : i32 to vector<16xi32>
          %add3A_920 = arith.addi %broadcast_in_dim3A_916, %add3A_919 : vector<16xi32>
          %add3A_921 = arith.addi %add3A_920, %iota3A : vector<16xi32>
          %gather3A_922 = tpu.vector_load_idx %arg9[%add3A_921] : memref<12288xf32, #tpu.memory_space<vmem>>[vector<16xi32>], vector<16xf32>,
          %slice3A_923 = vector.extract_strided_slice %select_n3A_531 {offsets = [14], sizes = [1], strides = [1]} : vector<16xf32> to vector<1xf32>
          %squeeze3A_924 = vector.extract %slice3A_923[0] : f32 from vector<1xf32>
          %mul3A_925 = vector.broadcast %squeeze3A_924 : f32 to vector<16xf32>
          %mul3A_926 = arith.mulf %mul3A_925, %gather3A_922 : vector<16xf32>
          %slice3A_927 = vector.extract_strided_slice %gather3A_532 {offsets = [14], sizes = [1], strides = [1]} : vector<16xf32> to vector<1xf32>
          %squeeze3A_928 = vector.extract %slice3A_927[0] : f32 from vector<1xf32>
          %add3A_929 = vector.broadcast %squeeze3A_928 : f32 to vector<16xf32>
          %add3A_930 = arith.addf %mul3A_455, %add3A_929 : vector<16xf32>
          %sub3A_931 = arith.subf %add3A_930, %mul3A_926 : vector<16xf32>
          %max3A_932 = arith.constant 1.000000e-01 : f32
          %max3A_933 = vector.broadcast %max3A_932 : f32 to vector<16xf32>
          %max3A_934 = arith.maximumf %sub3A_931, %max3A_933 : vector<16xf32>
          %div3A_935 = arith.divf %mul3A_926, %max3A_934 : vector<16xf32>
          %gt3A_936 = arith.cmpf ogt, %div3A_935, %select_n3A_910 : vector<16xf32>
          %select_n3A_937 = arith.select %gt3A_936, %div3A_935, %select_n3A_910 : vector<16xi1>, vector<16xf32>
          %slice3A_938 = vector.extract_strided_slice %select_n3A_521 {offsets = [14], sizes = [1], strides = [1]} : vector<16xi32> to vector<1xi32>
          %squeeze3A_939 = vector.extract %slice3A_938[0] : i32 from vector<1xi32>
          %broadcast_in_dim3A_940 = vector.broadcast %squeeze3A_939 : i32 to vector<16xi32>
          %select_n3A_941 = arith.select %gt3A_936, %broadcast_in_dim3A_940, %select_n3A_914 : vector<16xi1>, vector<16xi32>
          %broadcast_in_dim3A_942 = arith.constant 0 : i32
          %broadcast_in_dim3A_943 = vector.broadcast %broadcast_in_dim3A_942 : i32 to vector<16xi32>
          %slice3A_944 = vector.extract_strided_slice %add3A_537 {offsets = [15], sizes = [1], strides = [1]} : vector<16xi32> to vector<1xi32>
          %squeeze3A_945 = vector.extract %slice3A_944[0] : i32 from vector<1xi32>
          %add3A_946 = vector.broadcast %squeeze3A_945 : i32 to vector<16xi32>
          %add3A_947 = arith.addi %broadcast_in_dim3A_943, %add3A_946 : vector<16xi32>
          %add3A_948 = arith.addi %add3A_947, %iota3A : vector<16xi32>
          %gather3A_949 = tpu.vector_load_idx %arg9[%add3A_948] : memref<12288xf32, #tpu.memory_space<vmem>>[vector<16xi32>], vector<16xf32>,
          %slice3A_950 = vector.extract_strided_slice %select_n3A_531 {offsets = [15], sizes = [1], strides = [1]} : vector<16xf32> to vector<1xf32>
          %squeeze3A_951 = vector.extract %slice3A_950[0] : f32 from vector<1xf32>
          %mul3A_952 = vector.broadcast %squeeze3A_951 : f32 to vector<16xf32>
          %mul3A_953 = arith.mulf %mul3A_952, %gather3A_949 : vector<16xf32>
          %slice3A_954 = vector.extract_strided_slice %gather3A_532 {offsets = [15], sizes = [1], strides = [1]} : vector<16xf32> to vector<1xf32>
          %squeeze3A_955 = vector.extract %slice3A_954[0] : f32 from vector<1xf32>
          %add3A_956 = vector.broadcast %squeeze3A_955 : f32 to vector<16xf32>
          %add3A_957 = arith.addf %mul3A_455, %add3A_956 : vector<16xf32>
          %sub3A_958 = arith.subf %add3A_957, %mul3A_953 : vector<16xf32>
          %max3A_959 = arith.constant 1.000000e-01 : f32
          %max3A_960 = vector.broadcast %max3A_959 : f32 to vector<16xf32>
          %max3A_961 = arith.maximumf %sub3A_958, %max3A_960 : vector<16xf32>
          %div3A_962 = arith.divf %mul3A_953, %max3A_961 : vector<16xf32>
          %gt3A_963 = arith.cmpf ogt, %div3A_962, %select_n3A_937 : vector<16xf32>
          %select_n3A_964 = arith.select %gt3A_963, %div3A_962, %select_n3A_937 : vector<16xi1>, vector<16xf32>
          %slice3A_965 = vector.extract_strided_slice %select_n3A_521 {offsets = [15], sizes = [1], strides = [1]} : vector<16xi32> to vector<1xi32>
          %squeeze3A_966 = vector.extract %slice3A_965[0] : i32 from vector<1xi32>
          %broadcast_in_dim3A_967 = vector.broadcast %squeeze3A_966 : i32 to vector<16xi32>
          %select_n3A_968 = arith.select %gt3A_963, %broadcast_in_dim3A_967, %select_n3A_941 : vector<16xi1>, vector<16xi32>
          scf.yield %select_n3A_964, %select_n3A_968 : vector<16xf32>, vector<16xi32>
        }
        %add3A_471 = vector.broadcast %mul3A_43 : i32 to vector<16xi32>
        %add3A_472 = arith.addi %add3A_471, %while3A_470#1 : vector<16xi32>
        %gather3A_473 = tpu.vector_load_idx %arg7[%add3A_472] : memref<8192xf32, #tpu.memory_space<vmem>>[vector<16xi32>], vector<16xf32>,
        %add3A_474 = vector.broadcast %mul3A_45 : i32 to vector<16xi32>
        %add3A_475 = arith.addi %add3A_474, %while3A_470#1 : vector<16xi32>
        %gather3A_476 = tpu.vector_load_idx %arg8[%add3A_475] : memref<8192xf32, #tpu.memory_space<vmem>>[vector<16xi32>], vector<16xf32>,
        %mul3A_477 = arith.constant 48 : i32
        %mul3A_478 = vector.broadcast %mul3A_477 : i32 to vector<16xi32>
        %mul3A_479 = arith.muli %while3A_470#1, %mul3A_478 : vector<16xi32>
        %add3A_480 = vector.broadcast %add3A_448 : i32 to vector<16xi32>
        %add3A_481 = arith.addi %mul3A_479, %add3A_480 : vector<16xi32>
        %add3A_482 = arith.addi %add3A_481, %iota3A : vector<16xi32>
        %gather3A_483 = tpu.vector_load_idx %arg9[%add3A_482] : memref<12288xf32, #tpu.memory_space<vmem>>[vector<16xi32>], vector<16xf32>,
        %mul3A_484 = arith.mulf %gather3A_473, %gather3A_476 : vector<16xf32>
        %mul3A_485 = arith.mulf %mul3A_484, %gather3A_483 : vector<16xf32>
        %gt3A_486 = vector.broadcast %squeeze3A : f32 to vector<16xf32>
        %gt3A_487 = arith.cmpf ogt, %mul3A_485, %gt3A_486 : vector<16xf32>
        %gt3A_488 = arith.constant 5.000000e-01 : f32
        %gt3A_489 = vector.broadcast %gt3A_488 : f32 to vector<16xf32>
        %gt3A_490 = arith.cmpf ogt, %gather3A_454, %gt3A_489 : vector<16xf32>
        %and3A_491 = arith.andi %gt3A_487, %gt3A_490 : vector<16xi1>
        %gather3A_492 = tpu.vector_load_idx %arg11[%while3A_470#1] : memref<256xf32, #tpu.memory_space<vmem>>[vector<16xi32>], vector<16xf32>,
        %gather3A_493 = tpu.vector_load_idx %arg12[%while3A_470#1] : memref<256xf32, #tpu.memory_space<vmem>>[vector<16xi32>], vector<16xf32>,
        %select_n3A_494 = arith.select %and3A_491, %gather3A_492, %broadcast_in_dim3A_14 : vector<16xi1>, vector<16xf32>
        %select_n3A_495 = arith.select %and3A_491, %gather3A_493, %broadcast_in_dim3A_14 : vector<16xi1>, vector<16xf32>
        %mul3A_496 = arith.constant 64 : i32
        %mul3A_497 = arith.muli %scan3A_26, %mul3A_496 : i32
        %mul3A_498 = arith.constant 2 : i32
        %mul3A_499 = vector.broadcast %mul3A_498 : i32 to vector<16xi32>
        %mul3A_500 = arith.muli %add3A_450, %mul3A_499 : vector<16xi32>
        %add3A_501 = vector.broadcast %mul3A_497 : i32 to vector<16xi32>
        %add3A_502 = arith.addi %add3A_501, %mul3A_500 : vector<16xi32>
        tpu.vector_store_idx %arg19[%add3A_502], %select_n3A_494 masked %lt3A_452 : memref<2048xf32, #tpu.memory_space<vmem>>[vector<16xi32>], vector<16xf32>, vector<16xi1>
        %add3A_503 = arith.constant 1 : i32
        %add3A_504 = vector.broadcast %add3A_503 : i32 to vector<16xi32>
        %add3A_505 = arith.addi %add3A_502, %add3A_504 : vector<16xi32>
        tpu.vector_store_idx %arg19[%add3A_505], %select_n3A_495 masked %lt3A_452 : memref<2048xf32, #tpu.memory_space<vmem>>[vector<16xi32>], vector<16xf32>, vector<16xi1>
      }
      %mul3A_433 = arith.constant 64 : i32
      %mul3A_434 = arith.muli %scan3A_26, %mul3A_433 : i32
      %mul3A_435 = arith.constant 1024 : i32
      %mul3A_436 = arith.muli %sub3A, %mul3A_435 : i32
      %mul3A_437 = arith.constant 32 : i32
      %mul3A_438 = arith.muli %scan3A_26, %mul3A_437 : i32
      %add3A_439 = arith.addi %mul3A_436, %mul3A_438 : i32
      %mul3A_440 = arith.constant 2 : i32
      %mul3A_441 = arith.muli %add3A_439, %mul3A_440 : i32
      %dma_start3A = tpu.memref_slice %arg19[%mul3A_434] : memref<2048xf32, #tpu.memory_space<vmem>> -> memref<64xf32, #tpu.memory_space<vmem>>
      %dma_start3A_442 = tpu.memref_slice %arg6[%mul3A_441] : memref<65536xf32, #tpu.memory_space<hbm>> -> memref<64xf32, #tpu.memory_space<hbm>>
      %dma_start3A_443 = tpu.memref_slice %arg6[%mul3A_441] : memref<65536xf32, #tpu.memory_space<hbm>> -> memref<64xf32, #tpu.memory_space<hbm>>
      %dma_start3A_444 = tpu.memref_slice %arg19[%mul3A_434] : memref<2048xf32, #tpu.memory_space<vmem>> -> memref<64xf32, #tpu.memory_space<vmem>>
      tpu.enqueue_dma source(%dma_start3A_444 : memref<64xf32, #tpu.memory_space<vmem>>) target(%dma_start3A_443 : memref<64xf32, #tpu.memory_space<hbm>>) target_semaphore(%arg20 : memref<!tpu.dma_semaphore, #tpu.memory_space<semaphore_mem>>)
    }
    %scan3A_19 = arith.constant 32 : i32
    %scan3A_20 = arith.constant 0 : i32
    %scan3A_21 = arith.constant 0 : i32
    %scan3A_22 = arith.constant 32 : i32
    %scan3A_23 = arith.addi %scan3A_21, %scan3A_22 : i32
    %scan3A_24 = arith.constant 1 : i32
    scf.for %scan3A_26 = %scan3A_21 to %scan3A_23 step %scan3A_24  : i32 {
      %dma_wait3A = arith.constant 0 : i32
      %dma_wait3A_27 = tpu.memref_slice %arg19[%dma_wait3A] : memref<2048xf32, #tpu.memory_space<vmem>> -> memref<64xf32, #tpu.memory_space<vmem>>
      %dma_wait3A_28 = arith.constant 0 : i32
      %dma_wait3A_29 = tpu.memref_slice %arg6[%dma_wait3A_28] : memref<65536xf32, #tpu.memory_space<hbm>> -> memref<64xf32, #tpu.memory_space<hbm>>
      %dma_wait3A_30 = arith.constant 0 : i32
      %dma_wait3A_31 = tpu.memref_slice %arg6[%dma_wait3A_30] : memref<65536xf32, #tpu.memory_space<hbm>> -> memref<64xf32, #tpu.memory_space<hbm>>
      %dma_wait3A_32 = arith.constant 0 : i32
      %dma_wait3A_33 = tpu.memref_slice %arg19[%dma_wait3A_32] : memref<2048xf32, #tpu.memory_space<vmem>> -> memref<64xf32, #tpu.memory_space<vmem>>
      tpu.wait_dma2 semaphore(%arg20 : memref<!tpu.dma_semaphore, #tpu.memory_space<semaphore_mem>>) src(%dma_wait3A_33 : memref<64xf32, #tpu.memory_space<vmem>>) dst(%dma_wait3A_31 : memref<64xf32, #tpu.memory_space<hbm>>)
    }
    %scan3A_25 = arith.constant 32 : i32
    return
  }
}

module attributes {stable_mosaic.version = 14 : i64} {
  func.func @_tables_body(%arg0: memref<8x256xf32, #tpu.memory_space<vmem>>, %arg1: memref<8x256xf32, #tpu.memory_space<vmem>>, %arg2: memref<8x256xf32, #tpu.memory_space<vmem>>, %arg3: memref<256x8xf32, #tpu.memory_space<vmem>>, %arg4: memref<8x128xf32, #tpu.memory_space<vmem>>, %arg5: memref<32x256xf32, #tpu.memory_space<vmem>>, %arg6: memref<32x256xf32, #tpu.memory_space<vmem>>, %arg7: memref<256x48xf32, #tpu.memory_space<vmem>>, %arg8: memref<8x256xf32, #tpu.memory_space<vmem>>) attributes {dimension_semantics = [], scalar_prefetch = 0 : i64, scratch_operands = 0 : i64, tpu.core_type = #tpu.core_type<tc>} {
    %get3A = arith.constant 0 : index
    %get3A_0 = arith.constant 0 : index
    %get3A_1 = vector.load %arg0[%get3A, %get3A_0] : memref<8x256xf32, #tpu.memory_space<vmem>>, vector<8x256xf32>
    %get3A_2 = arith.constant 0 : index
    %get3A_3 = arith.constant 0 : index
    %get3A_4 = vector.load %arg1[%get3A_2, %get3A_3] : memref<8x256xf32, #tpu.memory_space<vmem>>, vector<8x256xf32>
    %get3A_5 = arith.constant 0 : index
    %get3A_6 = arith.constant 0 : index
    %get3A_7 = vector.load %arg2[%get3A_5, %get3A_6] : memref<8x256xf32, #tpu.memory_space<vmem>>, vector<8x256xf32>
    %get3A_8 = arith.constant 0 : index
    %get3A_9 = arith.constant 0 : index
    %get3A_10 = vector.load %arg3[%get3A_8, %get3A_9] : memref<256x8xf32, #tpu.memory_space<vmem>>, vector<256x8xf32>
    %get3A_11 = arith.constant 0 : index
    %get3A_12 = arith.constant 0 : index
    %get3A_13 = vector.load %arg4[%get3A_11, %get3A_12] : memref<8x128xf32, #tpu.memory_space<vmem>>, vector<1x1xf32>
    %get3A_14 = arith.constant 1 : index
    %get3A_15 = arith.constant 0 : index
    %get3A_16 = vector.load %arg4[%get3A_14, %get3A_15] : memref<8x128xf32, #tpu.memory_space<vmem>>, vector<1x1xf32>
    %get3A_17 = arith.constant 2 : index
    %get3A_18 = arith.constant 0 : index
    %get3A_19 = vector.load %arg4[%get3A_17, %get3A_18] : memref<8x128xf32, #tpu.memory_space<vmem>>, vector<1x1xf32>
    %reduce_min3A = arith.constant dense<0x7F800000> : vector<256xf32>
    %reduce_min3A_20 = vector.multi_reduction <minimumf>, %get3A_1, %reduce_min3A [0] : vector<8x256xf32> to vector<256xf32>
    %broadcast_in_dim3A = vector.shape_cast %reduce_min3A_20 : vector<256xf32> to vector<1x256xf32>
    %reduce_max3A = arith.constant dense<0xFF800000> : vector<256xf32>
    %reduce_max3A_21 = vector.multi_reduction <maximumf>, %get3A_1, %reduce_max3A [0] : vector<8x256xf32> to vector<256xf32>
    %broadcast_in_dim3A_22 = vector.shape_cast %reduce_max3A_21 : vector<256xf32> to vector<1x256xf32>
    %reduce_min3A_23 = arith.constant dense<0x7F800000> : vector<256xf32>
    %reduce_min3A_24 = vector.multi_reduction <minimumf>, %get3A_4, %reduce_min3A_23 [0] : vector<8x256xf32> to vector<256xf32>
    %broadcast_in_dim3A_25 = vector.shape_cast %reduce_min3A_24 : vector<256xf32> to vector<1x256xf32>
    %reduce_max3A_26 = arith.constant dense<0xFF800000> : vector<256xf32>
    %reduce_max3A_27 = vector.multi_reduction <maximumf>, %get3A_4, %reduce_max3A_26 [0] : vector<8x256xf32> to vector<256xf32>
    %broadcast_in_dim3A_28 = vector.shape_cast %reduce_max3A_27 : vector<256xf32> to vector<1x256xf32>
    %reduce_min3A_29 = arith.constant dense<0x7F800000> : vector<256xf32>
    %reduce_min3A_30 = vector.multi_reduction <minimumf>, %get3A_7, %reduce_min3A_29 [0] : vector<8x256xf32> to vector<256xf32>
    %broadcast_in_dim3A_31 = vector.shape_cast %reduce_min3A_30 : vector<256xf32> to vector<1x256xf32>
    %reduce_max3A_32 = arith.constant dense<0xFF800000> : vector<256xf32>
    %reduce_max3A_33 = vector.multi_reduction <maximumf>, %get3A_7, %reduce_max3A_32 [0] : vector<8x256xf32> to vector<256xf32>
    %broadcast_in_dim3A_34 = vector.shape_cast %reduce_max3A_33 : vector<256xf32> to vector<1x256xf32>
    %sub3A = arith.subf %broadcast_in_dim3A_22, %broadcast_in_dim3A : vector<1x256xf32>
    %sub3A_35 = arith.subf %broadcast_in_dim3A_28, %broadcast_in_dim3A_25 : vector<1x256xf32>
    %mul3A = arith.mulf %sub3A, %sub3A_35 : vector<1x256xf32>
    %sub3A_36 = arith.subf %broadcast_in_dim3A_34, %broadcast_in_dim3A_31 : vector<1x256xf32>
    %mul3A_37 = arith.mulf %mul3A, %sub3A_36 : vector<1x256xf32>
    %slice3A = vector.extract_strided_slice %get3A_4 {offsets = [0, 0], sizes = [1, 256], strides = [1, 1]} : vector<8x256xf32> to vector<1x256xf32>
    %slice3A_38 = vector.extract_strided_slice %get3A_4 {offsets = [3, 0], sizes = [1, 256], strides = [1, 1]} : vector<8x256xf32> to vector<1x256xf32>
    %sub3A_39 = arith.subf %slice3A, %slice3A_38 : vector<1x256xf32>
    %slice3A_40 = vector.extract_strided_slice %get3A_1 {offsets = [0, 0], sizes = [1, 256], strides = [1, 1]} : vector<8x256xf32> to vector<1x256xf32>
    %slice3A_41 = vector.extract_strided_slice %get3A_1 {offsets = [3, 0], sizes = [1, 256], strides = [1, 1]} : vector<8x256xf32> to vector<1x256xf32>
    %sub3A_42 = arith.subf %slice3A_40, %slice3A_41 : vector<1x256xf32>
    %atan23A = math.atan2 %sub3A_39, %sub3A_42 : vector<1x256xf32>
    %sin3A = math.sin %atan23A : vector<1x256xf32>
    %cos3A = math.cos %atan23A : vector<1x256xf32>
    %reduce_max3A_43 = vector.shape_cast %get3A_7 : vector<8x256xf32> to vector<1x8x256xf32>
    %reduce_max3A_44 = arith.constant dense<0xFF800000> : vector<1xf32>
    %reduce_max3A_45 = vector.multi_reduction <maximumf>, %reduce_max3A_43, %reduce_max3A_44 [1, 2] : vector<1x8x256xf32> to vector<1xf32>
    %reduce_max3A_46 = vector.shape_cast %reduce_max3A_45 : vector<1xf32> to vector<1x1x1xf32>
    %reduce_max3A_47 = vector.extract %reduce_max3A_46[0, 0, 0] : f32 from vector<1x1x1xf32>
    %reduce_min3A_48 = vector.shape_cast %get3A_7 : vector<8x256xf32> to vector<1x8x256xf32>
    %reduce_min3A_49 = arith.constant dense<0x7F800000> : vector<1xf32>
    %reduce_min3A_50 = vector.multi_reduction <minimumf>, %reduce_min3A_48, %reduce_min3A_49 [1, 2] : vector<1x8x256xf32> to vector<1xf32>
    %reduce_min3A_51 = vector.shape_cast %reduce_min3A_50 : vector<1xf32> to vector<1x1x1xf32>
    %reduce_min3A_52 = vector.extract %reduce_min3A_51[0, 0, 0] : f32 from vector<1x1x1xf32>
    %iota3A = tpu.iota {dimensions = array<i32: 0>} : vector<32x256xi32>
    %convert_element_type3A = arith.sitofp %iota3A : vector<32x256xi32> to vector<32x256xf32>
    %add3A = arith.constant -1.600000e+01 : f32
    %add3A_53 = vector.broadcast %add3A : f32 to vector<32x256xf32>
    %add3A_54 = arith.addf %convert_element_type3A, %add3A_53 : vector<32x256xf32>
    %mul3A_55 = vector.broadcast %get3A_13 : vector<1x1xf32> to vector<32x256xf32>
    %mul3A_56 = arith.mulf %add3A_54, %mul3A_55 : vector<32x256xf32>
    %add3A_57 = arith.constant 1.000000e+00 : f32
    %add3A_58 = vector.broadcast %add3A_57 : f32 to vector<32x256xf32>
    %add3A_59 = arith.addf %add3A_54, %add3A_58 : vector<32x256xf32>
    %mul3A_60 = vector.broadcast %get3A_13 : vector<1x1xf32> to vector<32x256xf32>
    %mul3A_61 = arith.mulf %add3A_59, %mul3A_60 : vector<32x256xf32>
    %min3A = vector.broadcast %broadcast_in_dim3A_22 : vector<1x256xf32> to vector<32x256xf32>
    %min3A_62 = arith.minimumf %mul3A_61, %min3A : vector<32x256xf32>
    %max3A = vector.broadcast %broadcast_in_dim3A : vector<1x256xf32> to vector<32x256xf32>
    %max3A_63 = arith.maximumf %mul3A_56, %max3A : vector<32x256xf32>
    %sub3A_64 = arith.subf %min3A_62, %max3A_63 : vector<32x256xf32>
    %max3A_65 = arith.constant 0.000000e+00 : f32
    %max3A_66 = vector.broadcast %max3A_65 : f32 to vector<32x256xf32>
    %max3A_67 = arith.maximumf %sub3A_64, %max3A_66 : vector<32x256xf32>
    %swap3A = arith.constant 0 : index
    %swap3A_68 = arith.constant 0 : index
    %swap3A_69 = vector.load %arg5[%swap3A, %swap3A_68] : memref<32x256xf32, #tpu.memory_space<vmem>>, vector<32x256xf32>
    tpu.vector_store %arg5[%swap3A, %swap3A_68], %max3A_67 {strides = array<i32>} : memref<32x256xf32, #tpu.memory_space<vmem>>, vector<32x256xf32>,
    %mul3A_70 = vector.broadcast %get3A_16 : vector<1x1xf32> to vector<32x256xf32>
    %mul3A_71 = arith.mulf %add3A_54, %mul3A_70 : vector<32x256xf32>
    %add3A_72 = arith.constant 1.000000e+00 : f32
    %add3A_73 = vector.broadcast %add3A_72 : f32 to vector<32x256xf32>
    %add3A_74 = arith.addf %add3A_54, %add3A_73 : vector<32x256xf32>
    %mul3A_75 = vector.broadcast %get3A_16 : vector<1x1xf32> to vector<32x256xf32>
    %mul3A_76 = arith.mulf %add3A_74, %mul3A_75 : vector<32x256xf32>
    %min3A_77 = vector.broadcast %broadcast_in_dim3A_28 : vector<1x256xf32> to vector<32x256xf32>
    %min3A_78 = arith.minimumf %mul3A_76, %min3A_77 : vector<32x256xf32>
    %max3A_79 = vector.broadcast %broadcast_in_dim3A_25 : vector<1x256xf32> to vector<32x256xf32>
    %max3A_80 = arith.maximumf %mul3A_71, %max3A_79 : vector<32x256xf32>
    %sub3A_81 = arith.subf %min3A_78, %max3A_80 : vector<32x256xf32>
    %max3A_82 = arith.constant 0.000000e+00 : f32
    %max3A_83 = vector.broadcast %max3A_82 : f32 to vector<32x256xf32>
    %max3A_84 = arith.maximumf %sub3A_81, %max3A_83 : vector<32x256xf32>
    %swap3A_85 = arith.constant 0 : index
    %swap3A_86 = arith.constant 0 : index
    %swap3A_87 = vector.load %arg6[%swap3A_85, %swap3A_86] : memref<32x256xf32, #tpu.memory_space<vmem>>, vector<32x256xf32>
    tpu.vector_store %arg6[%swap3A_85, %swap3A_86], %max3A_84 {strides = array<i32>} : memref<32x256xf32, #tpu.memory_space<vmem>>, vector<32x256xf32>,
    %iota3A_88 = tpu.iota {dimensions = array<i32: 1>} : vector<256x48xi32>
    %convert_element_type3A_89 = arith.sitofp %iota3A_88 : vector<256x48xi32> to vector<256x48xf32>
    %add3A_90 = arith.constant -1.600000e+01 : f32
    %add3A_91 = vector.broadcast %add3A_90 : f32 to vector<256x48xf32>
    %add3A_92 = arith.addf %convert_element_type3A_89, %add3A_91 : vector<256x48xf32>
    %reduce_min3A_93 = arith.constant dense<0x7F800000> : vector<256xf32>
    %reduce_min3A_94 = vector.multi_reduction <minimumf>, %get3A_10, %reduce_min3A_93 [1] : vector<256x8xf32> to vector<256xf32>
    %broadcast_in_dim3A_95 = vector.shape_cast %reduce_min3A_94 : vector<256xf32> to vector<256x1xf32>
    %reduce_max3A_96 = arith.constant dense<0xFF800000> : vector<256xf32>
    %reduce_max3A_97 = vector.multi_reduction <maximumf>, %get3A_10, %reduce_max3A_96 [1] : vector<256x8xf32> to vector<256xf32>
    %broadcast_in_dim3A_98 = vector.shape_cast %reduce_max3A_97 : vector<256xf32> to vector<256x1xf32>
    %mul3A_99 = vector.broadcast %get3A_19 : vector<1x1xf32> to vector<256x48xf32>
    %mul3A_100 = arith.mulf %add3A_92, %mul3A_99 : vector<256x48xf32>
    %add3A_101 = arith.constant 1.000000e+00 : f32
    %add3A_102 = vector.broadcast %add3A_101 : f32 to vector<256x48xf32>
    %add3A_103 = arith.addf %add3A_92, %add3A_102 : vector<256x48xf32>
    %mul3A_104 = vector.broadcast %get3A_19 : vector<1x1xf32> to vector<256x48xf32>
    %mul3A_105 = arith.mulf %add3A_103, %mul3A_104 : vector<256x48xf32>
    %min3A_106 = vector.broadcast %broadcast_in_dim3A_98 : vector<256x1xf32> to vector<256x48xf32>
    %min3A_107 = arith.minimumf %mul3A_105, %min3A_106 : vector<256x48xf32>
    %max3A_108 = vector.broadcast %broadcast_in_dim3A_95 : vector<256x1xf32> to vector<256x48xf32>
    %max3A_109 = arith.maximumf %mul3A_100, %max3A_108 : vector<256x48xf32>
    %sub3A_110 = arith.subf %min3A_107, %max3A_109 : vector<256x48xf32>
    %max3A_111 = arith.constant 0.000000e+00 : f32
    %max3A_112 = vector.broadcast %max3A_111 : f32 to vector<256x48xf32>
    %max3A_113 = arith.maximumf %sub3A_110, %max3A_112 : vector<256x48xf32>
    %lt3A = arith.constant 32 : i32
    %lt3A_114 = vector.broadcast %lt3A : i32 to vector<256x48xi32>
    %lt3A_115 = arith.cmpi slt, %iota3A_88, %lt3A_114 : vector<256x48xi32>
    %jit3A = arith.constant 0.000000e+00 : f32
    %broadcast_in_dim3A_116 = vector.broadcast %jit3A : f32 to vector<256x48xf32>
    %select_n3A = arith.select %lt3A_115, %max3A_113, %broadcast_in_dim3A_116 : vector<256x48xi1>, vector<256x48xf32>
    %swap3A_117 = arith.constant 0 : index
    %swap3A_118 = arith.constant 0 : index
    %swap3A_119 = vector.load %arg7[%swap3A_117, %swap3A_118] : memref<256x48xf32, #tpu.memory_space<vmem>>, vector<256x48xf32>
    tpu.vector_store %arg7[%swap3A_117, %swap3A_118], %select_n3A {strides = array<i32>} : memref<256x48xf32, #tpu.memory_space<vmem>>, vector<256x48xf32>,
    %reduce_max3A_120 = arith.constant dense<0xFF800000> : vector<48xf32>
    %reduce_max3A_121 = vector.multi_reduction <maximumf>, %select_n3A, %reduce_max3A_120 [0] : vector<256x48xf32> to vector<48xf32>
    %broadcast_in_dim3A_122 = vector.shape_cast %reduce_max3A_121 : vector<48xf32> to vector<1x48xf32>
    %gt3A = arith.constant 0.000000e+00 : f32
    %gt3A_123 = vector.broadcast %gt3A : f32 to vector<1x48xf32>
    %gt3A_124 = arith.cmpf ogt, %broadcast_in_dim3A_122, %gt3A_123 : vector<1x48xf32>
    %iota3A_125 = tpu.iota {dimensions = array<i32: 1>} : vector<1x48xi32>
    %jit3A_126 = arith.constant 9999 : i32
    %broadcast_in_dim3A_127 = vector.broadcast %jit3A_126 : i32 to vector<1x48xi32>
    %select_n3A_128 = arith.select %gt3A_124, %iota3A_125, %broadcast_in_dim3A_127 : vector<1x48xi1>, vector<1x48xi32>
    %reduce_min3A_129 = vector.shape_cast %select_n3A_128 : vector<1x48xi32> to vector<1x1x48xi32>
    %reduce_min3A_130 = arith.constant dense<2147483647> : vector<1xi32>
    %reduce_min3A_131 = vector.multi_reduction <minsi>, %reduce_min3A_129, %reduce_min3A_130 [1, 2] : vector<1x1x48xi32> to vector<1xi32>
    %reduce_min3A_132 = vector.shape_cast %reduce_min3A_131 : vector<1xi32> to vector<1x1x1xi32>
    %reduce_min3A_133 = vector.extract %reduce_min3A_132[0, 0, 0] : i32 from vector<1x1x1xi32>
    %jit3A_134 = arith.constant -1 : i32
    %broadcast_in_dim3A_135 = vector.broadcast %jit3A_134 : i32 to vector<1x48xi32>
    %select_n3A_136 = arith.select %gt3A_124, %iota3A_125, %broadcast_in_dim3A_135 : vector<1x48xi1>, vector<1x48xi32>
    %reduce_max3A_137 = vector.shape_cast %select_n3A_136 : vector<1x48xi32> to vector<1x1x48xi32>
    %reduce_max3A_138 = arith.constant dense<-2147483648> : vector<1xi32>
    %reduce_max3A_139 = vector.multi_reduction <maxsi>, %reduce_max3A_137, %reduce_max3A_138 [1, 2] : vector<1x1x48xi32> to vector<1xi32>
    %reduce_max3A_140 = vector.shape_cast %reduce_max3A_139 : vector<1xi32> to vector<1x1x1xi32>
    %reduce_max3A_141 = vector.extract %reduce_max3A_140[0, 0, 0] : i32 from vector<1x1x1xi32>
    %sub3A_142 = arith.subi %reduce_max3A_141, %reduce_min3A_133 : i32
    %add3A_143 = arith.constant 16 : i32
    %add3A_144 = arith.addi %sub3A_142, %add3A_143 : i32
    %jit3A_145 = arith.constant 16 : i32
    %div3A = arith.divsi %add3A_144, %jit3A_145 : i32
    %sign3A = arith.constant 0 : i32
    %sign3A_146 = arith.cmpi sgt, %add3A_144, %sign3A : i32
    %sign3A_147 = arith.extui %sign3A_146 : i1 to i32
    %sign3A_148 = arith.constant 0 : i32
    %sign3A_149 = arith.cmpi slt, %add3A_144, %sign3A_148 : i32
    %sign3A_150 = arith.extui %sign3A_149 : i1 to i32
    %sign3A_151 = arith.subi %sign3A_147, %sign3A_150 : i32
    %sign3A_152 = arith.constant 0 : i32
    %sign3A_153 = arith.cmpi sgt, %jit3A_145, %sign3A_152 : i32
    %sign3A_154 = arith.extui %sign3A_153 : i1 to i32
    %sign3A_155 = arith.constant 0 : i32
    %sign3A_156 = arith.cmpi slt, %jit3A_145, %sign3A_155 : i32
    %sign3A_157 = arith.extui %sign3A_156 : i1 to i32
    %sign3A_158 = arith.subi %sign3A_154, %sign3A_157 : i32
    %ne3A = arith.cmpi ne, %sign3A_151, %sign3A_158 : i32
    %rem3A = arith.remsi %add3A_144, %jit3A_145 : i32
    %ne3A_159 = arith.constant 0 : i32
    %ne3A_160 = arith.cmpi ne, %rem3A, %ne3A_159 : i32
    %and3A = arith.andi %ne3A, %ne3A_160 : i1
    %sub3A_161 = arith.constant 1 : i32
    %sub3A_162 = arith.subi %div3A, %sub3A_161 : i32
    %select_n3A_163 = arith.select %and3A, %sub3A_162, %div3A : i32
    %max3A_164 = arith.constant 0 : i32
    %max3A_165 = arith.maxsi %select_n3A_163, %max3A_164 : i32
    %iota3A_166 = tpu.iota {dimensions = array<i32: 1>} : vector<1x256xi32>
    %convert_element_type3A_167 = arith.sitofp %iota3A_166 : vector<1x256xi32> to vector<1x256xf32>
    %add3A_168 = arith.constant -1.600000e+01 : f32
    %add3A_169 = vector.broadcast %add3A_168 : f32 to vector<1x256xf32>
    %add3A_170 = arith.addf %convert_element_type3A_167, %add3A_169 : vector<1x256xf32>
    %add3A_171 = arith.constant 1.000000e+00 : f32
    %add3A_172 = vector.broadcast %add3A_171 : f32 to vector<1x256xf32>
    %add3A_173 = arith.addf %add3A_170, %add3A_172 : vector<1x256xf32>
    %mul3A_174 = vector.broadcast %get3A_13 : vector<1x1xf32> to vector<1x256xf32>
    %mul3A_175 = arith.mulf %add3A_173, %mul3A_174 : vector<1x256xf32>
    %mul3A_176 = vector.broadcast %get3A_13 : vector<1x1xf32> to vector<1x256xf32>
    %mul3A_177 = arith.mulf %add3A_170, %mul3A_176 : vector<1x256xf32>
    %sub3A_178 = arith.subf %mul3A_175, %mul3A_177 : vector<1x256xf32>
    %mul3A_179 = vector.broadcast %get3A_16 : vector<1x1xf32> to vector<1x256xf32>
    %mul3A_180 = arith.mulf %add3A_173, %mul3A_179 : vector<1x256xf32>
    %mul3A_181 = vector.broadcast %get3A_16 : vector<1x1xf32> to vector<1x256xf32>
    %mul3A_182 = arith.mulf %add3A_170, %mul3A_181 : vector<1x256xf32>
    %sub3A_183 = arith.subf %mul3A_180, %mul3A_182 : vector<1x256xf32>
    %lt3A_184 = arith.constant 32 : i32
    %lt3A_185 = vector.broadcast %lt3A_184 : i32 to vector<1x256xi32>
    %lt3A_186 = arith.cmpi slt, %iota3A_166, %lt3A_185 : vector<1x256xi32>
    %mul3A_187 = vector.broadcast %get3A_19 : vector<1x1xf32> to vector<1x256xf32>
    %mul3A_188 = arith.mulf %add3A_173, %mul3A_187 : vector<1x256xf32>
    %mul3A_189 = vector.broadcast %get3A_19 : vector<1x1xf32> to vector<1x256xf32>
    %mul3A_190 = arith.mulf %add3A_170, %mul3A_189 : vector<1x256xf32>
    %sub3A_191 = arith.subf %mul3A_188, %mul3A_190 : vector<1x256xf32>
    %jit3A_192 = arith.constant 0.000000e+00 : f32
    %broadcast_in_dim3A_193 = vector.broadcast %jit3A_192 : f32 to vector<1x256xf32>
    %select_n3A_194 = arith.select %lt3A_186, %sub3A_191, %broadcast_in_dim3A_193 : vector<1x256xi1>, vector<1x256xf32>
    %mul3A_195 = vector.broadcast %get3A_19 : vector<1x1xf32> to vector<1x256xf32>
    %mul3A_196 = arith.mulf %add3A_170, %mul3A_195 : vector<1x256xf32>
    %mul3A_197 = vector.broadcast %get3A_19 : vector<1x1xf32> to vector<1x256xf32>
    %mul3A_198 = arith.mulf %add3A_173, %mul3A_197 : vector<1x256xf32>
    %gt3A_199 = vector.broadcast %reduce_max3A_47 : f32 to vector<1x256xf32>
    %gt3A_200 = arith.cmpf ogt, %mul3A_196, %gt3A_199 : vector<1x256xf32>
    %lt3A_201 = vector.broadcast %reduce_min3A_52 : f32 to vector<1x256xf32>
    %lt3A_202 = arith.cmpf olt, %mul3A_198, %lt3A_201 : vector<1x256xf32>
    %or3A = arith.ori %gt3A_200, %lt3A_202 : vector<1x256xi1>
    %ge3A = arith.constant 32 : i32
    %ge3A_203 = vector.broadcast %ge3A : i32 to vector<1x256xi32>
    %ge3A_204 = arith.cmpi sge, %iota3A_166, %ge3A_203 : vector<1x256xi32>
    %or3A_205 = arith.ori %or3A, %ge3A_204 : vector<1x256xi1>
    %jit3A_206 = arith.constant 0.000000e+00 : f32
    %jit3A_207 = arith.constant 1.000000e+00 : f32
    %broadcast_in_dim3A_208 = vector.broadcast %jit3A_206 : f32 to vector<1x256xf32>
    %broadcast_in_dim3A_209 = vector.broadcast %jit3A_207 : f32 to vector<1x256xf32>
    %select_n3A_210 = arith.select %or3A_205, %broadcast_in_dim3A_208, %broadcast_in_dim3A_209 : vector<1x256xi1>, vector<1x256xf32>
    %mul3A_211 = arith.mulf %get3A_13, %get3A_16 : vector<1x1xf32>
    %mul3A_212 = arith.mulf %mul3A_211, %get3A_19 : vector<1x1xf32>
    %mul3A_213 = arith.constant 5.000000e-01 : f32
    %mul3A_214 = vector.broadcast %mul3A_213 : f32 to vector<1x1xf32>
    %mul3A_215 = arith.mulf %mul3A_214, %mul3A_212 : vector<1x1xf32>
    %broadcast_in_dim3A_216 = vector.shape_cast %mul3A_215 : vector<1x1xf32> to vector<1x1xf32>
    %broadcast_in_dim3A_217 = vector.broadcast %broadcast_in_dim3A_216 : vector<1x1xf32> to vector<1x256xf32>
    %eq3A = arith.constant 1 : i32
    %eq3A_218 = vector.broadcast %eq3A : i32 to vector<1x256xi32>
    %eq3A_219 = arith.cmpi eq, %iota3A_166, %eq3A_218 : vector<1x256xi32>
    %convert_element_type3A_220 = arith.sitofp %reduce_min3A_133 : i32 to f32
    %eq3A_221 = arith.constant 2 : i32
    %eq3A_222 = vector.broadcast %eq3A_221 : i32 to vector<1x256xi32>
    %eq3A_223 = arith.cmpi eq, %iota3A_166, %eq3A_222 : vector<1x256xi32>
    %convert_element_type3A_224 = arith.sitofp %max3A_165 : i32 to f32
    %jit3A_225 = arith.constant 0.000000e+00 : f32
    %broadcast_in_dim3A_226 = vector.broadcast %convert_element_type3A_224 : f32 to vector<1x256xf32>
    %broadcast_in_dim3A_227 = vector.broadcast %jit3A_225 : f32 to vector<1x256xf32>
    %select_n3A_228 = arith.select %eq3A_223, %broadcast_in_dim3A_226, %broadcast_in_dim3A_227 : vector<1x256xi1>, vector<1x256xf32>
    %broadcast_in_dim3A_229 = vector.broadcast %convert_element_type3A_220 : f32 to vector<1x256xf32>
    %select_n3A_230 = arith.select %eq3A_219, %broadcast_in_dim3A_229, %select_n3A_228 : vector<1x256xi1>, vector<1x256xf32>
    %eq3A_231 = arith.constant 0 : i32
    %eq3A_232 = vector.broadcast %eq3A_231 : i32 to vector<1x256xi32>
    %eq3A_233 = arith.cmpi eq, %iota3A_166, %eq3A_232 : vector<1x256xi32>
    %select_n3A_234 = arith.select %eq3A_233, %broadcast_in_dim3A_217, %select_n3A_230 : vector<1x256xi1>, vector<1x256xf32>
    %concatenate3A = tpu.concatenate %mul3A_37, %sin3A, %cos3A, %sub3A_178, %sub3A_183, %select_n3A_194, %select_n3A_210, %select_n3A_234 in 0 : vector<1x256xf32>, vector<1x256xf32>, vector<1x256xf32>, vector<1x256xf32>, vector<1x256xf32>, vector<1x256xf32>, vector<1x256xf32>, vector<1x256xf32> -> vector<8x256xf32>
    %swap3A_235 = arith.constant 0 : index
    %swap3A_236 = arith.constant 0 : index
    %swap3A_237 = vector.load %arg8[%swap3A_235, %swap3A_236] : memref<8x256xf32, #tpu.memory_space<vmem>>, vector<8x256xf32>
    tpu.vector_store %arg8[%swap3A_235, %swap3A_236], %concatenate3A {strides = array<i32>} : memref<8x256xf32, #tpu.memory_space<vmem>>, vector<8x256xf32>,
    return
  }
}

</mosaic_0001>

<sc_bundles>
// kernel: kernel.4.cloned.1.call-start
scs
__scs_entry_jumppad:
0x0: {  	(pc) =	sbr.rel $0x88, $3  }
0x1: {  	(tag) =	ssettag $0x0;
	lr =	simm.s32 $0x1  }
0x2: {  	[smem:$0x3F9F] =	sst lr;
	_ =	strace $0xD0000000  }
0x3: {  	_ = 	snop  }
0x4: {  	_ = 	snop  }
0x5: {  	_ = 	snop  }
0x6: {  	_ = 	snop  }
0x7: {  	_ = 	snop  }
__scs_overlays_trampoline_lowered:
0x8: {  	[smem:$0x3FAE] =	sst s0  }
0x9: {  	[smem:$0x3FAF] =	sst s1  }
0xa: {  	[smem:$0x3FB0] =	sst s2  }
0xb: {  	[smem:$0x3FB1] =	sst s3  }
0xc: {  	[smem:$0x3FB2] =	sst s4  }
0xd: {  	[smem:$0x3FB3] =	sst s5  }
0xe: {  	[smem:$0x3FB4] =	sst s6  }
0xf: {  	[smem:$0x3FB5] =	sst s7  }
0x10: {  	[smem:$0x3FB6] =	sst s8  }
0x11: {  	[smem:$0x3FB7] =	sst s9;
	s0 =	simm.s32 @!p0 $0x0  }
0x12: {  	s1 =	sld [smem:$0x3F9D];
	s0 =	simm.s32 @p0 $0x1  }
0x13: {  	[smem:$0x3FB8] =	sst s0;
	s0 =	simm.s32 @!p1 $0x0  }
0x14: {  	s2 =	sld [smem:$0x3F9C];
	s0 =	simm.s32 @p1 $0x1  }
0x15: {  	[smem:$0x3FB9] =	sst s0;
	s0 =	simm.s32 @!p2 $0x0  }
0x16: {  	s3 =	sld [smem:$0x3FDB];
	s0 =	simm.s32 @p2 $0x1  }
0x17: {  	s4 =	simm.s32 $0x1BF5;
	[smem:$0x3FBB] =	sst s0  }
0x18: {  	s0 =	sld [smem:$0x3F9E];
	_ =	swait.ge [sflag:s4], $0x0  }
0x19: {  	s7 =	sld [smem:$0x3F9F]  }
0x1a: {  	s8 =	sadd.s32 $0xFFFFE003, lr  }
0x1b: {  	s9 =	sadd.s32 $0xFFFFFEF7, lr;
	s5 =	simm.s32 $0xFFFFFFFF;
	p2 =	slt.u32 s8, $0xFFFFF086  }
0x1c: {  	p1 =	slt.u32 s9, $0xF7A;
	s5 =	simm.s32 @!p2 $0x0  }
0x1d: {  	s5 =	simm.s32 @p1 $0x1;
	p0 =	seq.s32 s7, s2  }
0x1e: {  	s7 =	smul.u32 @!p0 $0xF7A, s2;
	p2 =	seq.s32 @!p0 s5, $0x0  }
0x1f: {  	s9 =	smul.u32 $0xF7A, s1;
	s8 =	simm.s32 @!p0 $0x1BF5;
	p2 =	por !p2, p0  }
0x20: {  	[sflag:s8] =	ssyncset.s32 @!p0 $0xFFFFF086;
	s6 =	sadd.s32 @!p0 s3, s7;
	s7 =	simm.s32 @!p0 $0x108  }
0x21: {  	s3 =	sadd.s32 s3, s9;
	s6 =	sadd.s32 @!p0 $0x88, s6;
	s7 =	simm.s32 @p2 $0x1082  }
0x22: {  	[simem:s7], [sflag:s8] =	dma.local @!p0 [hbm:s6], $0xF7A  }
0x23: {  	s9 =	sor.u32 $0xD0000000, s2;
	s6 =	simm.s32 $0x108;
	_ =	swait.ge @!p0 [sflag:s8], $0x0  }
0x24: {  	s3 =	sadd.s32 $0x88, s3;
	s6 =	simm.s32 @!p1 $0x1082;
	[sflag:s4] =	ssyncset.s32 $0xFFFFF086  }
0x25: {  	[simem:s6], [sflag:s4] =	dma.local [hbm:s3], $0xF7A  }
0x26: {  	[smem:$0x3F9F] =	sst s1;
	(tag) =	ssettag s2;
	_ =	strace s9  }
0x27: {  	s1 =	sld [smem:$0x3FAF]  }
0x28: {  	s2 =	sld [smem:$0x3FB0]  }
0x29: {  	s4 =	sld [smem:$0x3FB2]  }
0x2a: {  	p0 =	seq.s32 s5, $0x0;
	s5 =	sld [smem:$0x3FB3]  }
0x2b: {  	s6 =	sld [smem:$0x3FB4]  }
0x2c: {  	s7 =	sld [smem:$0x3FB5]  }
0x2d: {  	s3 =	simm.s32 $0x108;
	s8 =	sld [smem:$0x3FB6]  }
0x2e: {  	s3 =	simm.s32 @!p0 $0x1082;
	s9 =	sld [smem:$0x3FB7]  }
0x2f: {  	lr =	sadd.s32 s0, s3;
	s0 =	sld [smem:$0x3FAE]  }
0x30: {  	s3 =	sld [smem:$0x3FB1]  }
0x31: {  	[smem:$0x3FBA] =	sst s10  }
0x32: {  	s10 =	sld [smem:$0x3FB8];
	_ =	sdelay $0x3  }
0x33: {  	p0 =	seq.s32 s10, $0x1;
	s10 =	sld [smem:$0x3FBA];
	_ =	sdelay $0x3  }
0x34: {  	[smem:$0x3FBA] =	sst s10  }
0x35: {  	s10 =	sld [smem:$0x3FB9];
	_ =	sdelay $0x3  }
0x36: {  	p1 =	seq.s32 s10, $0x1;
	s10 =	sld [smem:$0x3FBA];
	_ =	sdelay $0x3  }
0x37: {  	[smem:$0x3FBA] =	sst s10  }
0x38: {  	s10 =	sld [smem:$0x3FBB]  }
0x39: {  	_ = 	snop;
	(pc) =	sbr.ind lr, $3  }
0x3a: {  	_ = 	snop  }
0x3b: {  	_ = 	snop  }
0x3c: {  	p2 =	seq.s32 s10, $0x1;
	s10 =	sld [smem:$0x3FBA]  }
0x3d: {  	_ =	shalt  }
0x3e: {  	_ =	shalt  }
0x3f: {  	_ =	shalt  }
0x40: {  	_ =	shalt  }
0x41: {  	_ =	shalt  }
0x42: {  	_ =	shalt  }
0x43: {  	_ =	shalt  }
0x44: {  	_ =	shalt  }
0x45: {  	_ =	shalt  }
0x46: {  	_ =	shalt  }
0x47: {  	_ =	shalt  }
0x48: {  	_ =	shalt  }
0x49: {  	_ =	shalt  }
0x4a: {  	_ =	shalt  }
0x4b: {  	_ =	shalt  }
0x4c: {  	_ =	shalt  }
0x4d: {  	_ =	shalt  }
0x4e: {  	_ =	shalt  }
0x4f: {  	_ =	shalt  }
0x50: {  	_ =	shalt  }
0x51: {  	_ =	shalt  }
0x52: {  	_ =	shalt  }
0x53: {  	_ =	shalt  }
0x54: {  	_ =	shalt  }
0x55: {  	_ =	shalt  }
0x56: {  	_ =	shalt  }
0x57: {  	_ =	shalt  }
0x58: {  	_ =	shalt  }
0x59: {  	_ =	shalt  }
0x5a: {  	_ =	shalt  }
0x5b: {  	_ =	shalt  }
0x5c: {  	_ =	shalt  }
0x5d: {  	_ =	shalt  }
0x5e: {  	_ =	shalt  }
0x5f: {  	_ =	shalt  }
0x60: {  	_ =	shalt  }
0x61: {  	_ =	shalt  }
0x62: {  	_ =	shalt  }
0x63: {  	_ =	shalt  }
0x64: {  	_ =	shalt  }
0x65: {  	_ =	shalt  }
0x66: {  	_ =	shalt  }
0x67: {  	_ =	shalt  }
0x68: {  	_ =	shalt  }
0x69: {  	_ =	shalt  }
0x6a: {  	_ =	shalt  }
0x6b: {  	_ =	shalt  }
0x6c: {  	_ =	shalt  }
0x6d: {  	_ =	shalt  }
0x6e: {  	_ =	shalt  }
0x6f: {  	_ =	shalt  }
0x70: {  	_ =	shalt  }
0x71: {  	_ =	shalt  }
0x72: {  	_ =	shalt  }
0x73: {  	_ =	shalt  }
0x74: {  	_ =	shalt  }
0x75: {  	_ =	shalt  }
0x76: {  	_ =	shalt  }
0x77: {  	_ =	shalt  }
0x78: {  	_ =	shalt  }
0x79: {  	_ =	shalt  }
0x7a: {  	_ =	shalt  }
0x7b: {  	_ =	shalt  }
0x7c: {  	_ =	shalt  }
0x7d: {  	_ =	shalt  }
0x7e: {  	_ =	shalt  }
0x7f: {  	_ =	shalt  }
0x80: {  	_ =	shalt  }
0x81: {  	_ =	shalt  }
0x82: {  	_ =	shalt  }
0x83: {  	_ =	shalt  }
0x84: {  	_ =	shalt  }
0x85: {  	_ =	shalt  }
0x86: {  	_ =	shalt  }
0x87: {  	_ =	shalt  }
.Lfunc_end0:
.L_simem_size_0:
called_computation_lowered:
.L_overlay_start_0:
0x88: {  	s2 =	sld [smem:$0x3FD9]  }
0x89: {  	s3 =	sld [smem:$0x3FFE];
	_ =	sdelay $0x1  }
0x8a: {  	s1 =	srdreg.scid  }
0x8b: {  	s0 =	sand.u32 $0x1, s1  }
0x8c: {  	s17 =	sshll.u32 s0, $0xA;
	s2 =	sadd.s32 s3, s2  }
0x8d: {  	s2 =	sadd.s32 s2, s17  }
0x8e: {  	[smem:$0x3FC6] =	sst s2  }
0x8f: {  	_ = 	snop  }
0x90: {  	s2 =	sld [smem:$0x3FD0];
	(tm) =	ssettm $0x1  }
0x91: {  	s18 =	sld [smem:$0x3FFB];
	_ =	sdelay $0x3  }
0x92: {  	_ =	strace s18  }
0x93: {  	s3 =	sld [smem:$0x3FFC];
	_ =	sdelay $0x3  }
0x94: {  	_ =	strace s3  }
0x95: {  	s3 =	sld [smem:$0x3FFD];
	_ =	sdelay $0x3  }
0x96: {  	_ =	strace s3  }
0x97: {  	_ =	strace $0x8FFFFFFF  }
0x98: {  	s19 =	sld [smem:$0x3FDB];
	_ =	sdelay $0x1  }
0x99: {  	s4 =	simm.s32 $_scs_section_size  }
0x9a: {  	s5 =	simm.s32 $_size__tile_overlayer_lowered;
	s6 =	simm.s32 $_tile_overlayer_lowered  }
0x9b: {  	s22 =	simm.s32 $0x1BFF;
	s21 =	sshll.u32 s6, $0x1;
	s3 =	sadd.s32 s4, s19  }
0x9c: {  	s7 =	simm.s32 $0x0;
	s20 =	sshll.u32 s5, $0x1;
	s5 =	sadd.s32 s21, s3  }
0x9d: {  	[timem:s7], [sflag:s22] =	dma.local [hbm:s5], s20  }
0x9e: {  	_ =	swait.ge [sflag:s22], s20  }
0x9f: {  	s4 =	ssub.s32 $0x0, s20;
	[sflag:s22] =	ssyncset.done $0x0  }
0xa0: {  	[sflag:s22] =	ssyncadd.s32 s4;
	_ =	sdelay $0x1  }
0xa1: {  	s23 =	simm.s32 $0x1B8B  }
0xa2: {  	_ =	swait.ge [sflag:s23], $0x1  }
0xa3: {  	[sflag:s23] =	ssyncset.done $0x0  }
0xa4: {  	s25 =	simm.s32 $0x1B8E;
	s24 =	sld [smem:$0x3FFE];
	[sflag:s23] =	ssyncadd.s32 $0xFFFFFFFF  }
0xa5: {  	s26 =	simm.s32 $execute0_lowered;
	[smem:$0x3FD2] =	sst s25  }
0xa6: {  	s5 =	sshll.u32 s26, $0x1;
	_ =	strace $0x80000046;
	[dreg:$0x1] =	wrdreg $0xFFFFFFFF  }
0xa7: {  	s28 =	simm.s32 $_size_execute0_lowered;
	s3 =	sadd.s32 s3, s5;
	[dreg:$0x0] =	wrdreg $0x0  }
0xa8: {  	s5 =	sshll.u32 s28, $0x1;
	[dreg:$0x2] =	wrdreg s3  }
0xa9: {  	[dreg:$0x3] =	wrdreg s5  }
0xaa: {  	[dreg:$0x4] =	wrdreg $0xC0  }
0xab: {  	_ =	task [dreg:s7], $0x5FFFF  }
0xac: {  	[dreg:$0x1] =	wrdreg $0xFFFFFFFF  }
0xad: {  	[dreg:$0x0] =	wrdreg $0x60  }
0xae: {  	[dreg:$0x2] =	wrdreg s24  }
0xaf: {  	[dreg:$0x3] =	wrdreg s2  }
0xb0: {  	[dreg:$0x4] =	wrdreg $0x9  }
0xb1: {  	_ =	task.clear_ibuf [dreg:s7], $0x5FFFF;
	_ =	strace $0x90000046  }
0xb2: {  	s29 =	simm.s32 $0x9;
	_ =	strace $0x80000048  }
0xb3: {  	_ =	swait.ge [sflag:s29], $0x1  }
0xb4: {  	[sflag:s29] =	ssyncadd.s32 $0xFFFFFFFF  }
0xb5: {  	_ =	strace $0x90000048  }
0xb6: {  	_ =	sfence  }
0xb7: {  	s30 =	sld [smem:$0x0];
	_ =	sdelay $0x2  }
0xb8: {  	s31 =	sshll.u32 s1, $0xD;
	s1 =	sshrl.u32 s1, $0x2  }
0xb9: {  	s3 =	sand.u32 $0x4000, s31;
	s1 =	sadd.s32 s1, s30  }
0xba: {  	s0 =	sor.u32 s3, s0;
	s1 =	sshll.u32 s1, $0x11  }
0xbb: {  	s0 =	sor.u32 s1, s0  }
0xbc: {  	s0 =	sadd.s32 $0x8F2B, s0  }
0xbd: {  	[sflag:s0] =	ssyncadd.remote.s32 $0x1  }
0xbe: {  	_ =	sfence.sel $0xFFFF  }
0xbf: {  	[dreg:$0x0] =	wrdreg $0xFFFFFFFF;
	(pc) =	sbr.abs _section_cstart, $3  }
0xc0: {  	[dreg:$0x1] =	wrdreg $0xFFFFFFFF  }
0xc1: {  	_ =	task.clear_ibuf [dreg:s7], $0x2FFFF;
	_ =	strace $0x9FFFFFFF  }
0xc2: {  	(tm) =	ssettm $0x7FFFFFFF  }
0xc3: {  	_ =	shalt  }
tec
execute0_lowered:
.L_overlay_start_1:
0x0: {  	(tag) =	ssettag $0x1  }
0x1: {  	s0 =	rddreg [dreg:$0x0]  }
0x2: {  	s1 =	rddreg [dreg:$0x1];
	s2 =	simm.s32 $0x0;
	v1 =	vlaneseq.u32  }
0x3: {  	[smem:$0x7FF] =	sst s2;
	v0 =	vor.u32 $0x10, v1  }
0x4: {  	s3 =	srdreg.scid;
	s6 =	stileid.u32;
	_ =	strace $0x80000047;
	[tilespmem:$0x1FF10] =	vst v0;
	v0 =	vor.u32 $0x20, v1  }
0x5: {  	s17 =	simm.s32 $0x2;
	s18 =	simm.s32 $0x2000;
	s29 =	simm.s32 $0x73B0;
	[tilespmem:$0x1FF20] =	vst v0;
	v0 =	vor.u32 $0x30, v1  }
0x6: {  	s30 =	simm.s32 $0x1;
	s31 =	simm.s32 $0x74C0;
	s4 =	sadd.s32 $0x800, s0;
	[tilespmem:$0x1FF30] =	vst v0;
	v0 =	vor.u32 $0x40, v1  }
0x7: {  	s3 =	sand.u32 $0x1, s3;
	s19 =	sadd.s32 $0xC00, s0;
	[dreg:$0x3] =	wrdreg s4;
	[tilespmem:$0x1FF40] =	vst v0;
	v0 =	vor.u32 $0x50, v1  }
0x8: {  	s5 =	sadd.s32 $0x1200, s0;
	s7 =	sadd.s32 $0x1000, s0;
	[dreg:$0x4] =	wrdreg s19;
	[tilespmem:$0x1FF50] =	vst v0;
	v0 =	vor.u32 $0x60, v1  }
0x9: {  	s22 =	sshll.u32 s6, $0x1;
	s23 =	sadd.s32 $0x1020, s0;
	[dreg:$0x5] =	wrdreg s5;
	[tilespmem:$0x1FF60] =	vst v0;
	v0 =	vor.u32 $0x70, v1  }
0xa: {  	s24 =	sadd.s32 $0x1040, s0;
	s25 =	sadd.s32 $0x1060, s0;
	[dreg:$0x6] =	wrdreg s7;
	[tilespmem:$0x1FF70] =	vst v0;
	v0 =	vor.u32 $0x80, v1  }
0xb: {  	s26 =	sadd.s32 $0x1080, s0;
	s28 =	sadd.s32 $0x10A0, s0;
	[dreg:$0x7] =	wrdreg s23;
	[tilespmem:$0x1FF80] =	vst v0;
	v0 =	vor.u32 $0x90, v1  }
0xc: {  	s14 =	sadd.s32 $0x10C0, s0;
	s15 =	sadd.s32 $0x10E0, s0;
	[dreg:$0x8] =	wrdreg s24;
	[tilespmem:$0x1FF90] =	vst v0;
	v0 =	vor.u32 $0xA0, v1  }
0xd: {  	s0 =	simm.s32 $0x0;
	s20 =	ssub.s32 $0x2, s3;
	[dreg:$0x9] =	wrdreg s25;
	[tilespmem:$0x1FFA0] =	vst v0;
	v0 =	vor.u32 $0xB0, v1  }
.Ltmp0:
0xe: {  	s8 =	sor.u32 s3, s22;
	[dreg:$0xa] =	wrdreg s26;
	[tilespmem:$0x1FFB0] =	vst v0;
	v0 =	vor.u32 $0xC0, v1;
	(pc) =	sbr.rel .LBB2_1-.Ltmp0, $4  }
0xf: {  	[dreg:$0xb] =	wrdreg s28;
	s19 =	simm.s32 $0x4000;
	s22 =	simm.s32 $0x7200;
	[tilespmem:$0x1FFC0] =	vst v0;
	v0 =	vor.u32 $0xD0, v1  }
0x10: {  	s23 =	simm.s32 $0x7300;
	s24 =	simm.s32 $0x7320;
	s21 =	sshrl.u32 s20, $0x1;
	[tilespmem:$0x1FFD0] =	vst v0;
	v0 =	vor.u32 $0xE0, v1  }
0x11: {  	s25 =	simm.s32 $0x7340;
	s26 =	simm.s32 $0x7370;
	s4 =	ssub.s32 s20, s21;
	[tilespmem:$0x1FFE0] =	vst v0;
	v0 =	vor.u32 $0xF0, v1  }
0x12: {  	s20 =	simm.s32 $0x7000;
	s21 =	simm.s32 $0x7100;
	s16 =	smax.u32 s4, $0x1;
	[tilespmem:$0x1FFF0] =	vst v0  }
.LBB2_10:
0x13: {  	_ =	swait.ge [sflag:s30], $0x40  }
0x14: {  	[sflag:s30] =	ssyncset.done $0x0  }
0x15: {  	[sflag:s30] =	ssyncadd.s32 $0xFFFFFFC0  }
0x16: {  	_ =	swait.ge [sflag:s30], $0x40  }
0x17: {  	[sflag:s30] =	ssyncset.done $0x0  }
0x18: {  	[sflag:s30] =	ssyncadd.s32 $0xFFFFFFC0  }
0x19: {  	_ =	swait.ge [sflag:s30], $0x40  }
0x1a: {  	[sflag:s30] =	ssyncset.done $0x0  }
0x1b: {  	[sflag:s30] =	ssyncadd.s32 $0xFFFFFFC0  }
0x1c: {  	_ =	swait.ge [sflag:s30], $0x40  }
0x1d: {  	[sflag:s30] =	ssyncset.done $0x0  }
0x1e: {  	[sflag:s30] =	ssyncadd.s32 $0xFFFFFFC0  }
0x1f: {  	_ =	swait.ge [sflag:s30], $0x40  }
0x20: {  	[sflag:s30] =	ssyncset.done $0x0  }
0x21: {  	[sflag:s30] =	ssyncadd.s32 $0xFFFFFFC0  }
0x22: {  	_ =	swait.ge [sflag:s30], $0x40  }
0x23: {  	[sflag:s30] =	ssyncset.done $0x0  }
0x24: {  	[sflag:s30] =	ssyncadd.s32 $0xFFFFFFC0  }
0x25: {  	_ =	swait.ge [sflag:s30], $0x40  }
0x26: {  	[sflag:s30] =	ssyncset.done $0x0  }
0x27: {  	[sflag:s30] =	ssyncadd.s32 $0xFFFFFFC0  }
0x28: {  	_ =	swait.ge [sflag:s30], $0x40  }
0x29: {  	[sflag:s30] =	ssyncset.done $0x0  }
0x2a: {  	[sflag:s30] =	ssyncadd.s32 $0xFFFFFFC0  }
0x2b: {  	_ =	swait.ge [sflag:s30], $0x40  }
0x2c: {  	[sflag:s30] =	ssyncset.done $0x0  }
0x2d: {  	[sflag:s30] =	ssyncadd.s32 $0xFFFFFFC0  }
0x2e: {  	_ =	swait.ge [sflag:s30], $0x40  }
0x2f: {  	[sflag:s30] =	ssyncset.done $0x0  }
0x30: {  	[sflag:s30] =	ssyncadd.s32 $0xFFFFFFC0  }
0x31: {  	_ =	swait.ge [sflag:s30], $0x40  }
0x32: {  	[sflag:s30] =	ssyncset.done $0x0  }
0x33: {  	[sflag:s30] =	ssyncadd.s32 $0xFFFFFFC0  }
0x34: {  	_ =	swait.ge [sflag:s30], $0x40  }
0x35: {  	[sflag:s30] =	ssyncset.done $0x0  }
0x36: {  	[sflag:s30] =	ssyncadd.s32 $0xFFFFFFC0  }
0x37: {  	_ =	swait.ge [sflag:s30], $0x40  }
0x38: {  	[sflag:s30] =	ssyncset.done $0x0  }
0x39: {  	[sflag:s30] =	ssyncadd.s32 $0xFFFFFFC0  }
0x3a: {  	_ =	swait.ge [sflag:s30], $0x40  }
0x3b: {  	[sflag:s30] =	ssyncset.done $0x0  }
0x3c: {  	[sflag:s30] =	ssyncadd.s32 $0xFFFFFFC0  }
0x3d: {  	_ =	swait.ge [sflag:s30], $0x40  }
0x3e: {  	[sflag:s30] =	ssyncset.done $0x0  }
0x3f: {  	[sflag:s30] =	ssyncadd.s32 $0xFFFFFFC0  }
0x40: {  	_ =	swait.ge [sflag:s30], $0x40  }
0x41: {  	[sflag:s30] =	ssyncset.done $0x0  }
0x42: {  	[sflag:s30] =	ssyncadd.s32 $0xFFFFFFC0  }
0x43: {  	_ =	swait.ge [sflag:s30], $0x40  }
0x44: {  	[sflag:s30] =	ssyncset.done $0x0  }
0x45: {  	[sflag:s30] =	ssyncadd.s32 $0xFFFFFFC0  }
0x46: {  	_ =	swait.ge [sflag:s30], $0x40  }
0x47: {  	[sflag:s30] =	ssyncset.done $0x0  }
0x48: {  	[sflag:s30] =	ssyncadd.s32 $0xFFFFFFC0  }
0x49: {  	_ =	swait.ge [sflag:s30], $0x40  }
0x4a: {  	[sflag:s30] =	ssyncset.done $0x0  }
0x4b: {  	[sflag:s30] =	ssyncadd.s32 $0xFFFFFFC0  }
0x4c: {  	_ =	swait.ge [sflag:s30], $0x40  }
0x4d: {  	[sflag:s30] =	ssyncset.done $0x0  }
0x4e: {  	[sflag:s30] =	ssyncadd.s32 $0xFFFFFFC0  }
0x4f: {  	_ =	swait.ge [sflag:s30], $0x40  }
0x50: {  	[sflag:s30] =	ssyncset.done $0x0  }
0x51: {  	[sflag:s30] =	ssyncadd.s32 $0xFFFFFFC0  }
0x52: {  	_ =	swait.ge [sflag:s30], $0x40  }
0x53: {  	[sflag:s30] =	ssyncset.done $0x0  }
0x54: {  	[sflag:s30] =	ssyncadd.s32 $0xFFFFFFC0  }
0x55: {  	_ =	swait.ge [sflag:s30], $0x40  }
0x56: {  	[sflag:s30] =	ssyncset.done $0x0  }
0x57: {  	[sflag:s30] =	ssyncadd.s32 $0xFFFFFFC0  }
0x58: {  	_ =	swait.ge [sflag:s30], $0x40  }
0x59: {  	[sflag:s30] =	ssyncset.done $0x0  }
0x5a: {  	[sflag:s30] =	ssyncadd.s32 $0xFFFFFFC0  }
0x5b: {  	_ =	swait.ge [sflag:s30], $0x40  }
0x5c: {  	[sflag:s30] =	ssyncset.done $0x0  }
0x5d: {  	[sflag:s30] =	ssyncadd.s32 $0xFFFFFFC0  }
0x5e: {  	_ =	swait.ge [sflag:s30], $0x40  }
0x5f: {  	[sflag:s30] =	ssyncset.done $0x0  }
0x60: {  	[sflag:s30] =	ssyncadd.s32 $0xFFFFFFC0  }
0x61: {  	_ =	swait.ge [sflag:s30], $0x40  }
0x62: {  	[sflag:s30] =	ssyncset.done $0x0  }
0x63: {  	[sflag:s30] =	ssyncadd.s32 $0xFFFFFFC0  }
0x64: {  	_ =	swait.ge [sflag:s30], $0x40  }
0x65: {  	[sflag:s30] =	ssyncset.done $0x0  }
0x66: {  	[sflag:s30] =	ssyncadd.s32 $0xFFFFFFC0  }
0x67: {  	_ =	swait.ge [sflag:s30], $0x40  }
0x68: {  	[sflag:s30] =	ssyncset.done $0x0  }
0x69: {  	[sflag:s30] =	ssyncadd.s32 $0xFFFFFFC0  }
0x6a: {  	_ =	swait.ge [sflag:s30], $0x40  }
0x6b: {  	[sflag:s30] =	ssyncset.done $0x0  }
0x6c: {  	s0 =	sadd.s32 $0x1, s0;
	[sflag:s30] =	ssyncadd.s32 $0xFFFFFFC0  }
0x6d: {  	p0 =	sne.s32 s0, s16;
	_ =	swait.ge [sflag:s30], $0x40  }
.Ltmp1:
0x6e: {  	[sflag:s30] =	ssyncset.done $0x0;
	(pc) =	sbr.rel @!p0 .LBB2_11-.Ltmp1, $4  }
0x6f: {  	[sflag:s30] =	ssyncadd.s32 $0xFFFFFFC0  }
0x70: {  	_ =	swait.ge [sflag:s30], $0x40  }
0x71: {  	[sflag:s30] =	ssyncset.done $0x0  }
0x72: {  	[sflag:s30] =	ssyncadd.s32 $0xFFFFFFC0  }
.LBB2_1:
0x73: {  	s3 =	rddreg [dreg:$0x3]  }
0x74: {  	[tilespmem:s2], [sflag:$0x2] =	stream.linear.gather [hbm4b:s3+s2], $0x2000, $0x38;
	[tilespmem:$0x7CC0] =	vst v63  }
0x75: {  	_ =	swait.ge [sflag:s17], $0x2000  }
0x76: {  	[sflag:s17] =	ssyncset.done $0x0  }
0x77: {  	s13 =	rddreg [dreg:$0x4];
	[sflag:s17] =	ssyncadd.s32 $0xFFFFE000  }
0x78: {  	[tilespmem:s18], [sflag:$0x2] =	stream.linear.gather [hbm4b:s13+s2], $0x2000, $0x38;
	[tilespmem:$0x7CC0] =	vst v63  }
0x79: {  	_ =	swait.ge [sflag:s17], $0x2000  }
0x7a: {  	[sflag:s17] =	ssyncset.done $0x0  }
0x7b: {  	s4 =	rddreg [dreg:$0x5];
	[sflag:s17] =	ssyncadd.s32 $0xFFFFE000  }
0x7c: {  	[tilespmem:s19], [sflag:$0x2] =	stream.linear.gather [hbm4b:s4+s2], $0x3000, $0x38;
	[tilespmem:$0x7CC0] =	vst v63  }
0x7d: {  	_ =	swait.ge [sflag:s17], $0x3000  }
0x7e: {  	[sflag:s17] =	ssyncset.done $0x0  }
0x7f: {  	s5 =	rddreg [dreg:$0x6];
	[sflag:s17] =	ssyncadd.s32 $0xFFFFD000  }
0x80: {  	[tilespmem:s20], [sflag:$0x2] =	stream.linear.gather [hbm4b:s5+s2], $0x100, $0x38;
	[tilespmem:$0x7CC0] =	vst v63  }
0x81: {  	_ =	swait.ge [sflag:s17], $0x100  }
0x82: {  	[sflag:s17] =	ssyncset.done $0x0  }
0x83: {  	s6 =	rddreg [dreg:$0x7];
	[sflag:s17] =	ssyncadd.s32 $0xFFFFFF00  }
0x84: {  	[tilespmem:s21], [sflag:$0x2] =	stream.linear.gather [hbm4b:s6+s2], $0x100, $0x38;
	[tilespmem:$0x7CC0] =	vst v63  }
0x85: {  	_ =	swait.ge [sflag:s17], $0x100  }
0x86: {  	[sflag:s17] =	ssyncset.done $0x0  }
0x87: {  	s7 =	rddreg [dreg:$0x8];
	[sflag:s17] =	ssyncadd.s32 $0xFFFFFF00  }
0x88: {  	[tilespmem:s22], [sflag:$0x2] =	stream.linear.gather [hbm4b:s7+s2], $0x100, $0x38;
	[tilespmem:$0x7CC0] =	vst v63  }
0x89: {  	_ =	swait.ge [sflag:s17], $0x100  }
0x8a: {  	[sflag:s17] =	ssyncset.done $0x0  }
0x8b: {  	s9 =	rddreg [dreg:$0x9];
	[sflag:s17] =	ssyncadd.s32 $0xFFFFFF00  }
0x8c: {  	[tilespmem:s23], [sflag:$0x2] =	stream.linear.gather [hbm4b:s9+s2], $0x20, $0x38;
	[tilespmem:$0x7CC0] =	vst v63  }
0x8d: {  	_ =	swait.ge [sflag:s17], $0x20  }
0x8e: {  	[sflag:s17] =	ssyncset.done $0x0  }
0x8f: {  	s10 =	rddreg [dreg:$0xa];
	[sflag:s17] =	ssyncadd.s32 $0xFFFFFFE0  }
0x90: {  	[tilespmem:s24], [sflag:$0x2] =	stream.linear.gather [hbm4b:s10+s2], $0x20, $0x38;
	[tilespmem:$0x7CC0] =	vst v63  }
0x91: {  	_ =	swait.ge [sflag:s17], $0x20  }
0x92: {  	[sflag:s17] =	ssyncset.done $0x0  }
0x93: {  	s11 =	rddreg [dreg:$0xb];
	[sflag:s17] =	ssyncadd.s32 $0xFFFFFFE0  }
0x94: {  	[tilespmem:s25], [sflag:$0x2] =	stream.linear.gather [hbm4b:s11+s2], $0x30, $0x38;
	[tilespmem:$0x7CC0] =	vst v63  }
0x95: {  	_ =	swait.ge [sflag:s17], $0x30  }
0x96: {  	[sflag:s17] =	ssyncset.done $0x0  }
0x97: {  	[sflag:s17] =	ssyncadd.s32 $0xFFFFFFD0  }
0x98: {  	[tilespmem:s26], [sflag:$0x2] =	stream.linear.gather [hbm4b:s14+s2], $0x30, $0x38;
	[tilespmem:$0x7CC0] =	vst v63  }
0x99: {  	_ =	swait.ge [sflag:s17], $0x30  }
0x9a: {  	[sflag:s17] =	ssyncset.done $0x0  }
0x9b: {  	s12 =	simm.s32 $0x73A0;
	[sflag:s17] =	ssyncadd.s32 $0xFFFFFFD0  }
0x9c: {  	[tilespmem:s12], [sflag:$0x2] =	stream.linear.gather [hbm4b:s15+s2], $0x10, $0x38;
	[tilespmem:$0x7CC0] =	vst v63  }
0x9d: {  	_ =	swait.ge [sflag:s17], $0x10  }
0x9e: {  	[sflag:s17] =	ssyncset.done $0x0  }
0x9f: {  	[sflag:s17] =	ssyncadd.s32 $0xFFFFFFF0  }
0xa0: {  	v17 =	vld [tilespmem:$0x73A0];
	_ =	sdelay $0x4  }
0xa1: {  	(v2sf) =	vpush v17, $0x1  }
0xa2: {  	(v2sf) =	vpush v17, $0x2;
	_ =	sdelay $0xd  }
.Ltmp2:
0xa3: {  	s4 =	spop (v2sf);
	(pc) =	sbr.rel .LBB2_2-.Ltmp2, $3  }
0xa4: {  	s13 =	spop (v2sf)  }
0xa5: {  	v0 =	vbroadcast v17, $0x0;
	s3 =	scvt.f32.s32 s13;
	_ =	sdelay $0x1  }
0xa6: {  	[tilespmem:$0x1FF00] =	vst v0;
	s28 =	scvt.f32.s32 s4;
	s4 =	simm.s32 $0x0;
	p0 =	slt.s32 s3, $0x1  }
.LBB2_9:
0xa7: {  	s4 =	sadd.s32 $0x1, s4  }
0xa8: {  	p1 =	sne.s32 s4, $0x20  }
.Ltmp3:
0xa9: {  	s5 =	sshll.u32 s5, $0xB;
	(pc) =	sbr.rel @!p1 .LBB2_10-.Ltmp3, $4  }
0xaa: {  	s5 =	sadd.s32 s6, s5  }
0xab: {  	s5 =	sshrl.u32 s5, $0x3  }
0xac: {  	s13 =	sadd.s32 $0x74C0, s6;
	s5 =	sadd.s32 s1, s5  }
0xad: {  	[hbm4b:s5+s2] =	stream.linear.scatter [tilespmem:s13], [sflag:$0x1], $0x40, $0x38;
	[tilespmem:$0x7CC0] =	vst v63  }
.LBB2_2:
0xae: {  	s5 =	sadd.s32 s4, s8  }
0xaf: {  	s6 =	simm.s32 $0x0;
	p1 =	slt.u32 s5, $0x20  }
0xb0: {  	s6 =	simm.s32 @!p1 $0xFFFFFFE0  }
0xb1: {  	v19 =	vmov s4;
	s5 =	sadd.s32 s5, s6  }
0xb2: {  	v18 =	vmov s5;
	_ =	sdelay $0x3  }
0xb3: {  	v0 =	vimm.f32 $0.0e+00;
	s6 =	sshll.u32 s4, $0x6;
	v19 =	vld.idx.msk [tilespmem:v19+s24+$0x0], $0xffff  }
0xb4: {  	v18 =	vld.idx.msk [tilespmem:v18+s23+$0x0], $0xffff;
	[tilespmem:s6+$0x74C0] =	vst v0  }
0xb5: {  	[tilespmem:s6+$0x74D0] =	vst v0  }
0xb6: {  	[tilespmem:s6+$0x74E0] =	vst v0  }
0xb7: {  	s9 =	sshll.u32 s5, $0x8;
	[tilespmem:s6+$0x74F0] =	vst v0  }
0xb8: {  	s10 =	sshll.u32 s4, $0x8;
	v20 =	vld [tilespmem:s9+$0x0]  }
0xb9: {  	v21 =	vld [tilespmem:s10+$0x2000];
	_ =	sdelay $0x4  }
0xba: {  	v20 =	vmul.f32 v21, v20;
	_ =	sdelay $0x1  }
0xbb: {  	vm0 =	vgt.f32 v20, $0.0e+00  }
0xbc: {  	[tilespmem:s29+$0x0] =	vst.msk vm0, v1  }
0xbd: {  	v20 =	vmpcnt.ones.xlane vm0;
	v48 =	vld [tilespmem:s9+$0x10]  }
0xbe: {  	v22 =	vld [tilespmem:s10+$0x2010]  }
0xbf: {  	(v2sf) =	vpush v20, $0x0;
	_ =	sdelay $0x3  }
0xc0: {  	v20 =	vmul.f32 v22, v48;
	_ =	sdelay $0x1  }
0xc1: {  	vm13 =	vgt.f32 v20, $0.0e+00  }
0xc2: {  	v20 =	vmpcnt.ones.xlane vm13;
	_ =	sdelay $0x1  }
0xc3: {  	(v2sf) =	vpush v20, $0x0;
	_ =	sdelay $0x1  }
0xc4: {  	v0 =	vld [tilespmem:$0x1FF10];
	_ =	sdelay $0x3  }
0xc5: {  	s7 =	spop (v2sf)  }
0xc6: {  	[tilespmem:s7+$0x73B0] =	vst.msk vm13, v0  }
0xc7: {  	v20 =	vld [tilespmem:s9+$0x20]  }
0xc8: {  	v49 =	vld [tilespmem:s10+$0x2020];
	_ =	sdelay $0x2  }
0xc9: {  	v0 =	vld [tilespmem:$0x1FF20];
	_ =	sdelay $0x1  }
0xca: {  	v20 =	vmul.f32 v49, v20  }
0xcb: {  	s11 =	spop (v2sf)  }
0xcc: {  	vm14 =	vgt.f32 v20, $0.0e+00;
	s7 =	sadd.s32 s7, s11  }
0xcd: {  	v20 =	vmpcnt.ones.xlane vm14;
	[tilespmem:s7+$0x73B0] =	vst.msk vm14, v0  }
0xce: {  	v50 =	vld [tilespmem:s9+$0x30]  }
0xcf: {  	(v2sf) =	vpush v20, $0x0;
	v20 =	vld [tilespmem:s10+$0x2030];
	_ =	sdelay $0x4  }
0xd0: {  	v20 =	vmul.f32 v20, v50;
	_ =	sdelay $0x1  }
0xd1: {  	vm15 =	vgt.f32 v20, $0.0e+00  }
0xd2: {  	v20 =	vmpcnt.ones.xlane vm15;
	_ =	sdelay $0x1  }
0xd3: {  	(v2sf) =	vpush v20, $0x0;
	_ =	sdelay $0x1  }
0xd4: {  	v0 =	vld [tilespmem:$0x1FF30];
	_ =	sdelay $0x2  }
0xd5: {  	s13 =	spop (v2sf)  }
0xd6: {  	s7 =	sadd.s32 s7, s13  }
0xd7: {  	[tilespmem:s7+$0x73B0] =	vst.msk vm15, v0  }
0xd8: {  	v20 =	vld [tilespmem:s9+$0x40]  }
0xd9: {  	v51 =	vld [tilespmem:s10+$0x2040];
	_ =	sdelay $0x2  }
0xda: {  	v0 =	vld [tilespmem:$0x1FF40];
	_ =	sdelay $0x1  }
0xdb: {  	v20 =	vmul.f32 v51, v20  }
0xdc: {  	s12 =	spop (v2sf)  }
0xdd: {  	vm4 =	vgt.f32 v20, $0.0e+00;
	s7 =	sadd.s32 s7, s12  }
0xde: {  	v20 =	vmpcnt.ones.xlane vm4;
	[tilespmem:s7+$0x73B0] =	vst.msk vm4, v0  }
0xdf: {  	v52 =	vld [tilespmem:s9+$0x50]  }
0xe0: {  	(v2sf) =	vpush v20, $0x0;
	v20 =	vld [tilespmem:s10+$0x2050];
	_ =	sdelay $0x4  }
0xe1: {  	v20 =	vmul.f32 v20, v52;
	_ =	sdelay $0x1  }
0xe2: {  	vm5 =	vgt.f32 v20, $0.0e+00  }
0xe3: {  	v20 =	vmpcnt.ones.xlane vm5;
	_ =	sdelay $0x1  }
0xe4: {  	(v2sf) =	vpush v20, $0x0;
	_ =	sdelay $0x1  }
0xe5: {  	v0 =	vld [tilespmem:$0x1FF50];
	_ =	sdelay $0x2  }
0xe6: {  	s13 =	spop (v2sf)  }
0xe7: {  	s7 =	sadd.s32 s7, s13  }
0xe8: {  	[tilespmem:s7+$0x73B0] =	vst.msk vm5, v0  }
0xe9: {  	v20 =	vld [tilespmem:s9+$0x60]  }
0xea: {  	v53 =	vld [tilespmem:s10+$0x2060];
	_ =	sdelay $0x2  }
0xeb: {  	v0 =	vld [tilespmem:$0x1FF60];
	_ =	sdelay $0x1  }
0xec: {  	v20 =	vmul.f32 v53, v20  }
0xed: {  	s12 =	spop (v2sf)  }
0xee: {  	vm6 =	vgt.f32 v20, $0.0e+00;
	s7 =	sadd.s32 s7, s12  }
0xef: {  	v20 =	vmpcnt.ones.xlane vm6;
	[tilespmem:s7+$0x73B0] =	vst.msk vm6, v0  }
0xf0: {  	v54 =	vld [tilespmem:s9+$0x70]  }
0xf1: {  	(v2sf) =	vpush v20, $0x0;
	v20 =	vld [tilespmem:s10+$0x2070];
	_ =	sdelay $0x4  }
0xf2: {  	v20 =	vmul.f32 v20, v54;
	_ =	sdelay $0x1  }
0xf3: {  	vm7 =	vgt.f32 v20, $0.0e+00  }
0xf4: {  	v20 =	vmpcnt.ones.xlane vm7;
	_ =	sdelay $0x1  }
0xf5: {  	(v2sf) =	vpush v20, $0x0;
	_ =	sdelay $0x1  }
0xf6: {  	v0 =	vld [tilespmem:$0x1FF70];
	_ =	sdelay $0x2  }
0xf7: {  	s13 =	spop (v2sf)  }
0xf8: {  	s7 =	sadd.s32 s7, s13  }
0xf9: {  	[tilespmem:s7+$0x73B0] =	vst.msk vm7, v0  }
0xfa: {  	v20 =	vld [tilespmem:s9+$0x80]  }
0xfb: {  	v55 =	vld [tilespmem:s10+$0x2080];
	_ =	sdelay $0x2  }
0xfc: {  	v0 =	vld [tilespmem:$0x1FF80];
	_ =	sdelay $0x1  }
0xfd: {  	v20 =	vmul.f32 v55, v20  }
0xfe: {  	s12 =	spop (v2sf)  }
0xff: {  	vm8 =	vgt.f32 v20, $0.0e+00;
	s7 =	sadd.s32 s7, s12  }
0x100: {  	v20 =	vmpcnt.ones.xlane vm8;
	[tilespmem:s7+$0x73B0] =	vst.msk vm8, v0  }
0x101: {  	v56 =	vld [tilespmem:s9+$0x90]  }
0x102: {  	(v2sf) =	vpush v20, $0x0;
	v20 =	vld [tilespmem:s10+$0x2090];
	_ =	sdelay $0x4  }
0x103: {  	v20 =	vmul.f32 v20, v56;
	_ =	sdelay $0x1  }
0x104: {  	vm9 =	vgt.f32 v20, $0.0e+00  }
0x105: {  	v20 =	vmpcnt.ones.xlane vm9;
	_ =	sdelay $0x1  }
0x106: {  	(v2sf) =	vpush v20, $0x0;
	_ =	sdelay $0x1  }
0x107: {  	v0 =	vld [tilespmem:$0x1FF90];
	_ =	sdelay $0x2  }
0x108: {  	s13 =	spop (v2sf)  }
0x109: {  	s7 =	sadd.s32 s7, s13  }
0x10a: {  	[tilespmem:s7+$0x73B0] =	vst.msk vm9, v0  }
0x10b: {  	v20 =	vld [tilespmem:s9+$0xA0]  }
0x10c: {  	v57 =	vld [tilespmem:s10+$0x20A0];
	_ =	sdelay $0x2  }
0x10d: {  	v0 =	vld [tilespmem:$0x1FFA0];
	_ =	sdelay $0x1  }
0x10e: {  	v20 =	vmul.f32 v57, v20  }
0x10f: {  	s12 =	spop (v2sf)  }
0x110: {  	vm10 =	vgt.f32 v20, $0.0e+00;
	s7 =	sadd.s32 s7, s12  }
0x111: {  	v20 =	vmpcnt.ones.xlane vm10;
	[tilespmem:s7+$0x73B0] =	vst.msk vm10, v0  }
0x112: {  	v58 =	vld [tilespmem:s9+$0xB0]  }
0x113: {  	(v2sf) =	vpush v20, $0x0;
	v20 =	vld [tilespmem:s10+$0x20B0];
	_ =	sdelay $0x4  }
0x114: {  	v20 =	vmul.f32 v20, v58;
	_ =	sdelay $0x1  }
0x115: {  	vm11 =	vgt.f32 v20, $0.0e+00  }
0x116: {  	v20 =	vmpcnt.ones.xlane vm11;
	_ =	sdelay $0x1  }
0x117: {  	(v2sf) =	vpush v20, $0x0;
	_ =	sdelay $0x1  }
0x118: {  	v0 =	vld [tilespmem:$0x1FFB0];
	_ =	sdelay $0x2  }
0x119: {  	s13 =	spop (v2sf)  }
0x11a: {  	s7 =	sadd.s32 s7, s13  }
0x11b: {  	[tilespmem:s7+$0x73B0] =	vst.msk vm11, v0  }
0x11c: {  	v20 =	vld [tilespmem:s9+$0xC0]  }
0x11d: {  	v59 =	vld [tilespmem:s10+$0x20C0];
	_ =	sdelay $0x2  }
0x11e: {  	v0 =	vld [tilespmem:$0x1FFC0];
	_ =	sdelay $0x1  }
0x11f: {  	v20 =	vmul.f32 v59, v20  }
0x120: {  	s12 =	spop (v2sf)  }
0x121: {  	vm12 =	vgt.f32 v20, $0.0e+00;
	s7 =	sadd.s32 s7, s12  }
0x122: {  	v20 =	vmpcnt.ones.xlane vm12;
	[tilespmem:s7+$0x73B0] =	vst.msk vm12, v0  }
0x123: {  	v60 =	vld [tilespmem:s9+$0xD0]  }
0x124: {  	(v2sf) =	vpush v20, $0x0;
	v20 =	vld [tilespmem:s10+$0x20D0];
	_ =	sdelay $0x4  }
0x125: {  	v20 =	vmul.f32 v20, v60;
	_ =	sdelay $0x1  }
0x126: {  	vm13 =	vgt.f32 v20, $0.0e+00  }
0x127: {  	v20 =	vmpcnt.ones.xlane vm13;
	_ =	sdelay $0x1  }
0x128: {  	(v2sf) =	vpush v20, $0x0;
	_ =	sdelay $0x1  }
0x129: {  	v0 =	vld [tilespmem:$0x1FFD0];
	_ =	sdelay $0x2  }
0x12a: {  	s13 =	spop (v2sf)  }
0x12b: {  	s7 =	sadd.s32 s7, s13  }
0x12c: {  	[tilespmem:s7+$0x73B0] =	vst.msk vm13, v0  }
0x12d: {  	v20 =	vld [tilespmem:s9+$0xE0]  }
0x12e: {  	v61 =	vld [tilespmem:s10+$0x20E0];
	_ =	sdelay $0x2  }
0x12f: {  	v0 =	vld [tilespmem:$0x1FFE0];
	_ =	sdelay $0x1  }
0x130: {  	v20 =	vmul.f32 v61, v20  }
0x131: {  	s12 =	spop (v2sf)  }
0x132: {  	vm14 =	vgt.f32 v20, $0.0e+00;
	s7 =	sadd.s32 s7, s12  }
0x133: {  	[tilespmem:s7+$0x73B0] =	vst.msk vm14, v0  }
0x134: {  	v20 =	vld [tilespmem:s9+$0xF0]  }
0x135: {  	v62 =	vld [tilespmem:s10+$0x20F0];
	_ =	sdelay $0x4  }
0x136: {  	v20 =	vmul.f32 v62, v20  }
0x137: {  	v63 =	vmpcnt.ones.xlane vm14  }
0x138: {  	vm15 =	vgt.f32 v20, $0.0e+00  }
0x139: {  	(v2sf) =	vpush v63, $0x0;
	v20 =	vmpcnt.ones.xlane vm15;
	_ =	sdelay $0x1  }
0x13a: {  	(v2sf) =	vpush v20, $0x0;
	_ =	sdelay $0x9  }
0x13b: {  	v0 =	vld [tilespmem:$0x1FFF0]  }
.Ltmp4:
0x13c: {  	_ = 	snop;
	(pc) =	sbr.rel @p0 .LBB2_9-.Ltmp4, $4  }
0x13d: {  	_ = 	snop  }
0x13e: {  	s13 =	spop (v2sf)  }
0x13f: {  	s7 =	sadd.s32 s7, s13  }
0x140: {  	[tilespmem:s7+$0x73B0] =	vst.msk vm15, v0;
	s11 =	spop (v2sf)  }
0x141: {  	s11 =	sadd.s32 s7, s11  }
0x142: {  	s7 =	sadd.s32 $0xF, s11  }
0x143: {  	s12 =	sand.u32 $0xF, s7  }
0x144: {  	s13 =	sshra.s32 s7, $0x1F;
	p2 =	slt.s32 s7, $0x1;
	p1 =	sne.s32 s12, $0x0  }
.Ltmp5:
0x145: {  	v8 =	vmov s9;
	s12 =	sshrl.u32 s13, $0x1C;
	p1 =	por !p2, !p1;
	(pc) =	sbr.rel .LBB2_4-.Ltmp5, $4  }
0x146: {  	v0 =	vmul.f32 v19, v18;
	v9 =	vmov s10;
	[tilespmem:$0x1FEE0] =	vst v8;
	s7 =	sadd.s32 s12, s7;
	s12 =	simm.s32 $0x1;
	p1 =	por !p1, !p1  }
0x147: {  	[tilespmem:$0x1FEF0] =	vst v9;
	s7 =	sshra.s32 s7, $0x4;
	s12 =	simm.s32 @!p1 $0x0  }
0x148: {  	[tilespmem:$0x1FEC0] =	vst v0;
	v0 =	vmov s6;
	s7 =	ssub.s32 s7, s12  }
0x149: {  	s9 =	simm.s32 $0x0;
	s10 =	simm.s32 $0x0;
	v63 =	vmov s11;
	[tilespmem:$0x1FED0] =	vst v0;
	p1 =	slt.s32 s7, $0x1  }
.LBB2_7:
0x14a: {  	_ =	sdelay $0x2  }
0x14b: {  	v0 =	vbroadcast v45, $0x0;
	v2 =	vbroadcast v45, $0x1;
	v3 =	vadd.s32 v1, v50  }
0x14c: {  	v5 =	vadd.s32 v1, v52;
	v6 =	vadd.s32 v1, v43;
	v8 =	vadd.s32 v1, v48;
	v9 =	vld.idx.msk [tilespmem:v55+s2+$0x0], $0xffff  }
0x14d: {  	v10 =	vadd.s32 v1, v47;
	v13 =	vld.idx.msk [tilespmem:v56+s18+$0x0], $0xffff;
	v14 =	vbroadcast v39, $0xF;
	v16 =	vbroadcast v39, $0xD  }
0x14e: {  	v12 =	vadd.s32 v1, v44;
	v17 =	vbroadcast v39, $0xE;
	v19 =	vbroadcast v39, $0xB  }
0x14f: {  	v15 =	vadd.s32 v1, v46;
	v20 =	vbroadcast v39, $0xC;
	v22 =	vbroadcast v39, $0x9  }
0x150: {  	v21 =	vadd.s32 v1, v41;
	v23 =	vbroadcast v39, $0xA;
	v37 =	vbroadcast v39, $0x7  }
0x151: {  	v25 =	vadd.s32 v1, v42;
	v41 =	vbroadcast v39, $0x8;
	v42 =	vbroadcast v39, $0x5  }
0x152: {  	v18 =	vadd.s32 v1, v49;
	v43 =	vbroadcast v39, $0x6;
	v9 =	vmul.f32 v13, v9  }
0x153: {  	v44 =	vbroadcast v39, $0x2;
	v45 =	vbroadcast v39, $0x3;
	v0 =	vadd.s32 v1, v0  }
0x154: {  	v46 =	vbroadcast v39, $0x0;
	v47 =	vbroadcast v39, $0x1;
	v9 =	vnsel vm0, $0x0, v9  }
0x155: {  	v2 =	vadd.s32 v1, v2;
	v13 =	vbroadcast v39, $0x4;
	v39 =	vbroadcast v9, $0xF  }
0x156: {  	v40 =	vadd.s32 v1, v40;
	v3 =	vld.idx.msk [tilespmem:v3+s19+$0x0], $0xffff;
	v48 =	vbroadcast v9, $0xD;
	v49 =	vbroadcast v9, $0xE  }
0x157: {  	v4 =	vadd.s32 v1, v51;
	v6 =	vld.idx.msk [tilespmem:v6+s19+$0x0], $0xffff;
	v50 =	vbroadcast v9, $0xB;
	v51 =	vbroadcast v9, $0xC  }
0x158: {  	v11 =	vadd.s32 v1, v53;
	v0 =	vld.idx.msk [tilespmem:v0+s19+$0x0], $0xffff;
	v52 =	vbroadcast v9, $0x9;
	v53 =	vbroadcast v9, $0xA  }
0x159: {  	v7 =	vadd.s32 v1, v54;
	v5 =	vld.idx.msk [tilespmem:v5+s19+$0x0], $0xffff;
	v54 =	vbroadcast v9, $0x7;
	v55 =	vbroadcast v9, $0x8  }
0x15a: {  	v2 =	vld.idx.msk [tilespmem:v2+s19+$0x0], $0xffff;
	v56 =	vbroadcast v9, $0x5;
	v57 =	vbroadcast v9, $0x6  }
0x15b: {  	v61 =	vld.idx.msk [tilespmem:v40+s19+$0x0], $0xffff;
	v58 =	vbroadcast v9, $0x3;
	v59 =	vbroadcast v9, $0x0  }
0x15c: {  	v60 =	vbroadcast v9, $0x4;
	v62 =	vbroadcast v9, $0x2  }
0x15d: {  	v4 =	vld.idx.msk [tilespmem:v4+s19+$0x0], $0xffff;
	v9 =	vbroadcast v9, $0x1;
	v0 =	vmul.f32 v59, v0;
	v59 =	vadd.f32 v46, v29  }
0x15e: {  	v46 =	vadd.f32 v37, v29;
	v37 =	vmul.f32 v3, v39;
	v3 =	vld.idx.msk [tilespmem:v25+s19+$0x0], $0xffff;
	v39 =	vmul.f32 v6, v49  }
0x15f: {  	v6 =	vld.idx.msk [tilespmem:v7+s19+$0x0], $0xffff;
	v7 =	vadd.f32 v47, v29;
	v2 =	vmul.f32 v2, v9;
	v49 =	vsub.f32 v59, v0  }
0x160: {  	v16 =	vadd.f32 v16, v29;
	v40 =	vmul.f32 v5, v48;
	v5 =	vld.idx.msk [tilespmem:v21+s19+$0x0], $0xffff;
	v61 =	vmul.f32 v61, v62  }
0x161: {  	v10 =	vld.idx.msk [tilespmem:v10+s19+$0x0], $0xffff;
	v9 =	vadd.f32 v44, v29;
	v7 =	vsub.f32 v7, v2;
	v59 =	vmax.f32 v49, $1.000000010e-01  }
0x162: {  	v19 =	vadd.f32 v19, v29;
	v18 =	vld.idx.msk [tilespmem:v18+s19+$0x0], $0xffff;
	v62 =	vadd.f32 v45, v29;
	(erf) = vrcp.f32 v59  }
0x163: {  	v12 =	vld.idx.msk [tilespmem:v12+s19+$0x0], $0xffff;
	v9 =	vsub.f32 v9, v61;
	v7 =	vmax.f32 v7, $1.000000010e-01;
	v3 =	vmul.f32 v3, v58  }
0x164: {  	v23 =	vadd.f32 v23, v29;
	v15 =	vld.idx.msk [tilespmem:v15+s19+$0x0], $0xffff;
	v13 =	vadd.f32 v13, v29;
	(erf) = vrcp.f32 v7  }
0x165: {  	v5 =	vmul.f32 v5, v60;
	v9 =	vmax.f32 v9, $1.000000010e-01;
	v7 =	vld.idx.msk [tilespmem:v11+s19+$0x0], $0xffff;
	v11 =	vsub.f32 v62, v3  }
0x166: {  	v41 =	vadd.f32 v41, v29;
	v8 =	vld.idx.msk [tilespmem:v8+s19+$0x0], $0xffff;
	v4 =	vmul.f32 v4, v51;
	(erf) = vrcp.f32 v9  }
0x167: {  	v10 =	vmul.f32 v10, v50;
	v9 =	vmax.f32 v11, $1.000000010e-01;
	v11 =	vsub.f32 v13, v5  }
0x168: {  	v45 =	vmul.f32 v18, v56;
	v44 =	vadd.f32 v42, v29;
	(erf) = vrcp.f32 v9  }
0x169: {  	v12 =	vmul.f32 v12, v55;
	v47 =	vadd.f32 v43, v29;
	v11 =	vmax.f32 v11, $1.000000010e-01  }
0x16a: {  	v48 =	vsub.f32 v44, v45;
	v9 =	vmul.f32 v15, v57;
	(erf) = vrcp.f32 v11  }
0x16b: {  	v8 =	vmul.f32 v8, v53;
	v55 =	vsub.f32 v41, v12;
	v7 =	vmul.f32 v7, v54;
	v51 =	vpop (erf)  }
0x16c: {  	v49 =	vmax.f32 v48, $1.000000010e-01;
	v50 =	vsub.f32 v47, v9;
	v0 =	vmul.f32 v51, v0  }
0x16d: {  	v6 =	vmul.f32 v6, v52;
	v53 =	vsub.f32 v46, v7;
	(erf) = vrcp.f32 v49;
	v54 =	vpop (erf)  }
0x16e: {  	v15 =	vmax.f32 v50, $1.000000010e-01;
	v2 =	vmul.f32 v54, v2;
	vm12 =	vgt.f32 v0, v38  }
0x16f: {  	v52 =	vsub.f32 v19, v10;
	(erf) = vrcp.f32 v15;
	v56 =	vpop (erf);
	v0 =	vsel vm12, v0, v38  }
0x170: {  	v18 =	vmax.f32 v53, $1.000000010e-01;
	v19 =	vmul.f32 v56, v61;
	vm1 =	vgt.f32 v2, v0  }
0x171: {  	v22 =	vadd.f32 v22, v29;
	(erf) = vrcp.f32 v18;
	v58 =	vpop (erf);
	v0 =	vsel vm1, v2, v0  }
0x172: {  	v2 =	vmax.f32 v55, $1.000000010e-01;
	v3 =	vmul.f32 v58, v3;
	vm2 =	vgt.f32 v19, v0  }
0x173: {  	v57 =	vsub.f32 v22, v6;
	(erf) = vrcp.f32 v2;
	v60 =	vpop (erf);
	v0 =	vsel vm2, v19, v0  }
0x174: {  	v2 =	vsub.f32 v23, v8;
	v5 =	vmul.f32 v60, v5;
	vm3 =	vgt.f32 v3, v0  }
0x175: {  	v20 =	vadd.f32 v20, v29;
	v59 =	vmax.f32 v57, $1.000000010e-01;
	v0 =	vsel vm3, v3, v0  }
0x176: {  	(erf) = vrcp.f32 v59;
	v2 =	vmax.f32 v2, $1.000000010e-01;
	vm4 =	vgt.f32 v5, v0  }
0x177: {  	v3 =	vpop (erf);
	(erf) = vrcp.f32 v2;
	v0 =	vsel vm4, v5, v0;
	v5 =	vmax.f32 v52, $1.000000010e-01  }
0x178: {  	v17 =	vadd.f32 v17, v29;
	v14 =	vadd.f32 v14, v29;
	v3 =	vmul.f32 v3, v45  }
0x179: {  	v16 =	vsub.f32 v16, v40;
	v61 =	vsub.f32 v20, v4;
	v62 =	vpop (erf)  }
0x17a: {  	v9 =	vmul.f32 v62, v9;
	vm13 =	vgt.f32 v3, v0;
	(erf) = vrcp.f32 v5;
	v5 =	vpop (erf)  }
0x17b: {  	v17 =	vsub.f32 v17, v39;
	v0 =	vsel vm13, v3, v0;
	v5 =	vmul.f32 v5, v7  }
0x17c: {  	v11 =	vsub.f32 v14, v37;
	v3 =	vmax.f32 v61, $1.000000010e-01;
	vm14 =	vgt.f32 v9, v0  }
0x17d: {  	(erf) = vrcp.f32 v3;
	v3 =	vmax.f32 v16, $1.000000010e-01;
	v0 =	vsel vm14, v9, v0  }
0x17e: {  	v7 =	vpop (erf);
	(erf) = vrcp.f32 v3;
	v3 =	vmax.f32 v17, $1.000000010e-01;
	vm15 =	vgt.f32 v5, v0  }
0x17f: {  	v0 =	vsel vm15, v5, v0;
	v5 =	vpop (erf);
	(erf) = vrcp.f32 v3;
	v3 =	vmax.f32 v11, $1.000000010e-01  }
0x180: {  	v2 =	vsel vm12, v36, v33;
	v5 =	vmul.f32 v5, v6;
	v6 =	vpop (erf);
	(erf) = vrcp.f32 v3;
	v3 =	vld [tilespmem:$0x1FEA0]  }
0x181: {  	v2 =	vsel vm1, v35, v2;
	v7 =	vmul.f32 v7, v12  }
0x182: {  	v2 =	vsel vm2, v34, v2  }
0x183: {  	v2 =	vsel vm3, v32, v2;
	vm8 =	vgt.f32 v7, v0  }
0x184: {  	v2 =	vsel vm4, v31, v2;
	v0 =	vsel vm8, v7, v0  }
0x185: {  	v6 =	vmul.f32 v6, v8;
	vm9 =	vgt.f32 v5, v0;
	v2 =	vsel vm13, v3, v2;
	v3 =	vpop (erf)  }
0x186: {  	v0 =	vsel vm9, v5, v0;
	v3 =	vmul.f32 v3, v10  }
0x187: {  	vm10 =	vgt.f32 v6, v0  }
0x188: {  	v0 =	vsel vm10, v6, v0;
	v5 =	vpop (erf)  }
0x189: {  	v2 =	vsel vm14, v30, v2;
	v4 =	vmul.f32 v5, v4;
	vm11 =	vgt.f32 v3, v0  }
0x18a: {  	v2 =	vsel vm15, v28, v2;
	v0 =	vsel vm11, v3, v0;
	v3 =	vpop (erf)  }
0x18b: {  	v5 =	vbroadcast v24, $0xA;
	v2 =	vsel vm8, v27, v2;
	v3 =	vmul.f32 v3, v40  }
0x18c: {  	v6 =	vbroadcast v24, $0xB;
	v2 =	vsel vm9, v26, v2;
	vm12 =	vgt.f32 v4, v0  }
0x18d: {  	v2 =	vsel vm10, v5, v2;
	v5 =	vbroadcast v24, $0xC;
	v0 =	vsel vm12, v4, v0;
	v4 =	vpop (erf)  }
0x18e: {  	v2 =	vsel vm11, v6, v2;
	v4 =	vmul.f32 v4, v39;
	vm13 =	vgt.f32 v3, v0  }
0x18f: {  	v2 =	vsel vm12, v5, v2;
	v5 =	vbroadcast v24, $0xD;
	v0 =	vsel vm13, v3, v0;
	v3 =	vpop (erf)  }
0x190: {  	v6 =	vbroadcast v24, $0xE;
	vm14 =	vgt.f32 v4, v0;
	v3 =	vmul.f32 v3, v37  }
0x191: {  	v9 =	vld [tilespmem:$0x1FEF0];
	v2 =	vsel vm13, v5, v2;
	v5 =	vbroadcast v24, $0xF;
	v0 =	vsel vm14, v4, v0  }
0x192: {  	v8 =	vld [tilespmem:$0x1FEE0];
	v2 =	vsel vm14, v6, v2;
	vm15 =	vgt.f32 v3, v0  }
0x193: {  	v6 =	vld [tilespmem:$0x1FE90];
	v33 =	vsel vm15, v5, v2  }
.LBB2_8:
0x194: {  	_ =	sdelay $0x1  }
0x195: {  	v2 =	vadd.s32 v9, v33  }
0x196: {  	v0 =	vadd.s32 v8, v33;
	_ =	sdelay $0x3  }
0x197: {  	v2 =	vld.idx.msk [tilespmem:v2+s18+$0x0], $0xffff  }
0x198: {  	v3 =	vmul.u32 $0x30, v33;
	v0 =	vld.idx.msk [tilespmem:v0+s2+$0x0], $0xffff;
	_ =	sdelay $0x1  }
0x199: {  	v3 =	vadd.s32 v3, v6;
	_ =	sdelay $0x2  }
0x19a: {  	v0 =	vmul.f32 v2, v0;
	v2 =	vld [tilespmem:$0x1FED0];
	_ =	sdelay $0x1  }
0x19b: {  	v3 =	vld.idx.msk [tilespmem:v3+s19+$0x0], $0xffff  }
0x19c: {  	v7 =	vld [tilespmem:$0x1FF00]  }
0x19d: {  	v4 =	vld.idx.msk [tilespmem:v6+s26+$0x0], $0xffff;
	v5 =	vshll.u32 v6, $0x1  }
0x19e: {  	v2 =	vadd.s32 v2, v5  }
0x19f: {  	vm0 =	vlt.s32 v6, $0x20;
	v6 =	vld.idx.msk [tilespmem:v33+s21+$0x0], $0xffff;
	v5 =	vand.u32 $0x6, v5;
	v2 =	vand.u32 $0xFFFFFFF8, v2  }
0x1a0: {  	s10 =	sadd.s32 $0x1, s10;
	v0 =	vmul.f32 v3, v0;
	v3 =	vld.idx.msk [tilespmem:v33+s22+$0x0], $0xffff;
	v2 =	vor.u32 v5, v2  }
0x1a1: {  	p2 =	sne.s32 s10, s3;
	v5 =	vor.u32 $0x1, v2  }
.Ltmp6:
0x1a2: {  	vm2 =	vgt.f32 v4, $5.000000000e-01;
	vm1 =	vgt.f32 v0, v7;
	(pc) =	sbr.rel @!p2 .LBB2_9-.Ltmp6, $4  }
0x1a3: {  	vm1 =	vmand vm2, vm1  }
0x1a4: {  	v0 =	vnsel vm1, $0x0, v6  }
0x1a5: {  	v3 =	vnsel vm1, $0x0, v3;
	[tilespmem:v2+s31+$0x0] =	vst.idx.msk vm0, v0  }
0x1a6: {  	[tilespmem:v5+s31+$0x0] =	vst.idx.msk vm0, v3  }
.LBB2_4:
.Ltmp7:
0x1a7: {  	(pc) =	sbr.rel @p1 .LBB2_8-.Ltmp7, $4  }
0x1a8: {  	_ = 	snop  }
0x1a9: {  	s11 =	sshll.u32 s10, $0x4  }
0x1aa: {  	s12 =	sadd.s32 s28, s11  }
0x1ab: {  	v33 =	vimm.s32 $0x0;
	v6 =	vadd.s32 s12, v1  }
0x1ac: {  	_ =	sdelay $0x3  }
0x1ad: {  	v24 =	vld.idx.msk [tilespmem:v6+s25+$0x0], $0xffff  }
0x1ae: {  	s11 =	simm.s32 $0x73B0;
	v0 =	vld [tilespmem:$0x1FEC0]  }
0x1af: {  	v25 =	vld [tilespmem:s11+$0x0];
	_ =	sdelay $0x2  }
0x1b0: {  	v26 =	vor.u32 s9, v1  }
0x1b1: {  	vm0 =	vlt.s32 v26, v63  }
0x1b2: {  	v29 =	vmul.f32 v24, v0;
	v24 =	vnsel vm0, $0x0, v25  }
0x1b3: {  	v26 =	vbroadcast v24, $0x9;
	v28 =	vbroadcast v24, $0x7  }
0x1b4: {  	v27 =	vbroadcast v24, $0x8;
	v0 =	vbroadcast v24, $0x5  }
0x1b5: {  	v30 =	vbroadcast v24, $0x6;
	v35 =	vmul.u32 $0x30, v24;
	v31 =	vbroadcast v24, $0x4  }
0x1b6: {  	v34 =	vbroadcast v24, $0x2;
	v32 =	vbroadcast v24, $0x3;
	[tilespmem:$0x1FEA0] =	vst v0;
	v0 =	vmov s12  }
0x1b7: {  	v36 =	vbroadcast v24, $0x0;
	v45 =	vadd.s32 v0, v35;
	v35 =	vbroadcast v24, $0x1  }
0x1b8: {  	v43 =	vbroadcast v45, $0xE;
	v50 =	vbroadcast v45, $0xF  }
0x1b9: {  	p2 =	sne.s32 s7, $0x1;
	v51 =	vbroadcast v45, $0xC;
	v52 =	vbroadcast v45, $0xD  }
.Ltmp8:
0x1ba: {  	v48 =	vbroadcast v45, $0xA;
	v47 =	vbroadcast v45, $0xB;
	(pc) =	sbr.rel @!p2 .LBB2_7-.Ltmp8, $4  }
0x1bb: {  	v44 =	vbroadcast v45, $0x8;
	v54 =	vbroadcast v45, $0x9  }
0x1bc: {  	v38 =	vimm.f32 $-1.000000000e+00;
	v46 =	vbroadcast v45, $0x6;
	v53 =	vbroadcast v45, $0x7  }
0x1bd: {  	[tilespmem:$0x1FE90] =	vst v6;
	v55 =	vadd.s32 v8, v24;
	v41 =	vbroadcast v45, $0x4;
	v49 =	vbroadcast v45, $0x5;
	v39 =	vld.idx.msk [tilespmem:v24+s20+$0x0], $0xffff  }
0x1be: {  	s13 =	simm.s32 $0x0;
	v56 =	vadd.s32 v9, v24;
	s12 =	sadd.s32 $0xFFFFFFFF, s7;
	[tilespmem:$0x1FEB0] =	vst v0;
	v40 =	vbroadcast v45, $0x2;
	v42 =	vbroadcast v45, $0x3  }
.LBB2_6:
0x1bf: {  	v57 =	vbroadcast v45, $0x0;
	v37 =	vbroadcast v45, $0x1  }
0x1c0: {  	v50 =	vadd.s32 v1, v50;
	v51 =	vadd.s32 v1, v51;
	v52 =	vadd.s32 v1, v52  }
0x1c1: {  	v43 =	vadd.s32 v1, v43;
	v54 =	vadd.s32 v1, v54;
	v48 =	vadd.s32 v1, v48  }
0x1c2: {  	v47 =	vadd.s32 v1, v47;
	v58 =	vbroadcast v39, $0xF;
	v59 =	vbroadcast v39, $0xD  }
0x1c3: {  	v55 =	vld.idx.msk [tilespmem:v55+s2+$0x0], $0xffff;
	v53 =	vadd.s32 v1, v53;
	v60 =	vbroadcast v39, $0xE;
	v61 =	vbroadcast v39, $0xB  }
0x1c4: {  	v56 =	vld.idx.msk [tilespmem:v56+s18+$0x0], $0xffff;
	v44 =	vadd.s32 v1, v44;
	v62 =	vbroadcast v39, $0xC;
	v2 =	vbroadcast v39, $0xA  }
0x1c5: {  	v46 =	vadd.s32 v1, v46;
	v3 =	vbroadcast v39, $0x7;
	v4 =	vbroadcast v39, $0x8  }
0x1c6: {  	v49 =	vadd.s32 v1, v49;
	v5 =	vbroadcast v39, $0x5;
	v6 =	vbroadcast v39, $0x6  }
0x1c7: {  	v0 =	vlaneseq.u32;
	v7 =	vbroadcast v39, $0x2;
	v8 =	vbroadcast v39, $0x3  }
0x1c8: {  	v1 =	vmovc v26;
	v9 =	vbroadcast v39, $0x0;
	v10 =	vbroadcast v39, $0x1;
	v26 =	vadd.s32 v0, v41  }
0x1c9: {  	v41 =	vbroadcast v39, $0x9;
	v42 =	vadd.s32 v0, v42;
	v55 =	vmul.f32 v56, v55  }
0x1ca: {  	v40 =	vadd.s32 v0, v40;
	v45 =	vadd.s32 v0, v37;
	v57 =	vadd.s32 v0, v57  }
0x1cb: {  	v60 =	vadd.f32 v60, v29;
	v58 =	vadd.f32 v58, v29;
	v50 =	vld.idx.msk [tilespmem:v50+s19+$0x0], $0xffff;
	v55 =	vnsel vm0, $0x0, v55  }
0x1cc: {  	v59 =	vadd.f32 v59, v29;
	v56 =	vbroadcast v39, $0x4;
	v43 =	vld.idx.msk [tilespmem:v43+s19+$0x0], $0xffff;
	v39 =	vbroadcast v55, $0xF  }
0x1cd: {  	v62 =	vadd.f32 v62, v29;
	v52 =	vld.idx.msk [tilespmem:v52+s19+$0x0], $0xffff;
	v11 =	vbroadcast v55, $0xD;
	v12 =	vbroadcast v55, $0xE  }
0x1ce: {  	v61 =	vadd.f32 v61, v29;
	v47 =	vld.idx.msk [tilespmem:v47+s19+$0x0], $0xffff;
	v13 =	vbroadcast v55, $0xB;
	v14 =	vbroadcast v55, $0xC  }
0x1cf: {  	v2 =	vadd.f32 v2, v29;
	v48 =	vld.idx.msk [tilespmem:v48+s19+$0x0], $0xffff;
	v15 =	vbroadcast v55, $0x9;
	v16 =	vbroadcast v55, $0xA  }
0x1d0: {  	v4 =	vadd.f32 v4, v29;
	v57 =	vld.idx.msk [tilespmem:v57+s19+$0x0], $0xffff;
	v0 =	vbroadcast v55, $0x7;
	v18 =	vbroadcast v55, $0x8  }
0x1d1: {  	v3 =	vadd.f32 v3, v29;
	v54 =	vld.idx.msk [tilespmem:v54+s19+$0x0], $0xffff;
	v17 =	vbroadcast v55, $0x5;
	v22 =	vbroadcast v55, $0x6  }
0x1d2: {  	v6 =	vadd.f32 v6, v29;
	v45 =	vld.idx.msk [tilespmem:v45+s19+$0x0], $0xffff;
	v19 =	vbroadcast v55, $0x3;
	v20 =	vbroadcast v55, $0x4  }
0x1d3: {  	v23 =	vadd.f32 v41, v29;
	v25 =	vld.idx.msk [tilespmem:v44+s19+$0x0], $0xffff;
	v41 =	vbroadcast v55, $0x0;
	v37 =	vbroadcast v55, $0x2  }
0x1d4: {  	v9 =	vadd.f32 v9, v29;
	v21 =	vld.idx.msk [tilespmem:v40+s19+$0x0], $0xffff;
	v55 =	vbroadcast v55, $0x1;
	v39 =	vmul.f32 v50, v39  }
0x1d5: {  	v10 =	vadd.f32 v10, v29;
	v51 =	vld.idx.msk [tilespmem:v51+s19+$0x0], $0xffff;
	v40 =	vmul.f32 v43, v12;
	v50 =	vmul.f32 v41, v57  }
0x1d6: {  	v7 =	vadd.f32 v7, v29;
	v43 =	vmul.f32 v47, v13;
	v44 =	vmul.f32 v48, v16;
	v57 =	vld.idx.msk [tilespmem:v42+s19+$0x0], $0xffff  }
0x1d7: {  	v12 =	vld.idx.msk [tilespmem:v53+s19+$0x0], $0xffff;
	v41 =	vmul.f32 v52, v11;
	v11 =	vmul.f32 v45, v55;
	v9 =	vsub.f32 v9, v50  }
0x1d8: {  	v8 =	vadd.f32 v8, v29;
	v18 =	vmul.f32 v25, v18;
	v52 =	vld.idx.msk [tilespmem:v26+s19+$0x0], $0xffff;
	v45 =	vmul.f32 v54, v15  }
0x1d9: {  	v53 =	vld.idx.msk [tilespmem:v46+s19+$0x0], $0xffff;
	v15 =	vmul.f32 v21, v37;
	v10 =	vsub.f32 v10, v11;
	v9 =	vmax.f32 v9, $1.000000010e-01  }
0x1da: {  	v5 =	vadd.f32 v5, v29;
	v42 =	vmul.f32 v51, v14;
	v54 =	vld.idx.msk [tilespmem:v49+s19+$0x0], $0xffff;
	(erf) = vrcp.f32 v9  }
0x1db: {  	v7 =	vsub.f32 v7, v15;
	v55 =	vmax.f32 v10, $1.000000010e-01;
	v10 =	vmul.f32 v57, v19  }
0x1dc: {  	v21 =	vadd.f32 v56, v29;
	v0 =	vmul.f32 v12, v0;
	(erf) = vrcp.f32 v55  }
0x1dd: {  	v7 =	vmax.f32 v7, $1.000000010e-01;
	v9 =	vmul.f32 v52, v20;
	v8 =	vsub.f32 v8, v10  }
0x1de: {  	v14 =	vsub.f32 v60, v40;
	v12 =	vmul.f32 v53, v22;
	(erf) = vrcp.f32 v7  }
0x1df: {  	v46 =	vmul.f32 v54, v17;
	v37 =	vsub.f32 v21, v9;
	v22 =	vmax.f32 v8, $1.000000010e-01  }
0x1e0: {  	v16 =	vsub.f32 v58, v39;
	v49 =	vsub.f32 v61, v43;
	(erf) = vrcp.f32 v22  }
0x1e1: {  	v2 =	vsub.f32 v2, v44;
	v5 =	vsub.f32 v5, v46;
	v47 =	vmax.f32 v37, $1.000000010e-01  }
0x1e2: {  	v4 =	vsub.f32 v4, v18;
	v48 =	vsub.f32 v59, v41;
	(erf) = vrcp.f32 v47  }
0x1e3: {  	v52 =	vsub.f32 v6, v12;
	v3 =	vsub.f32 v3, v0;
	v5 =	vmax.f32 v5, $1.000000010e-01;
	v53 =	vpop (erf)  }
0x1e4: {  	v51 =	vsub.f32 v62, v42;
	(erf) = vrcp.f32 v5;
	v7 =	vmul.f32 v53, v50  }
0x1e5: {  	v4 =	vmax.f32 v4, $1.000000010e-01;
	v55 =	vmax.f32 v52, $1.000000010e-01;
	v3 =	vmax.f32 v3, $1.000000010e-01;
	v56 =	vpop (erf)  }
0x1e6: {  	(erf) = vrcp.f32 v55;
	v57 =	vmul.f32 v56, v11;
	vm0 =	vgt.f32 v7, v38  }
0x1e7: {  	v54 =	vsub.f32 v23, v45;
	v60 =	vpop (erf);
	(erf) = vrcp.f32 v3;
	v58 =	vsel vm0, v7, v38  }
0x1e8: {  	v11 =	vmul.f32 v60, v15;
	v59 =	vsel vm0, v36, v33;
	vm0 =	vgt.f32 v57, v58  }
0x1e9: {  	v21 =	vmax.f32 v54, $1.000000010e-01;
	v62 =	vpop (erf);
	(erf) = vrcp.f32 v4;
	v3 =	vsel vm0, v57, v58  }
0x1ea: {  	v61 =	vsel vm0, v35, v59;
	v6 =	vmul.f32 v62, v10;
	vm0 =	vgt.f32 v11, v3  }
0x1eb: {  	v2 =	vmax.f32 v2, $1.000000010e-01;
	v22 =	vpop (erf);
	(erf) = vrcp.f32 v21;
	v3 =	vsel vm0, v11, v3  }
0x1ec: {  	v7 =	vmul.f32 v22, v9;
	v15 =	vsel vm0, v34, v61;
	vm0 =	vgt.f32 v6, v3  }
0x1ed: {  	v33 =	vmax.f32 v49, $1.000000010e-01;
	v35 =	vld [tilespmem:$0x1FEA0];
	v23 =	vpop (erf);
	(erf) = vrcp.f32 v2;
	v3 =	vsel vm0, v6, v3  }
0x1ee: {  	v4 =	vsel vm0, v32, v15;
	v32 =	vmul.f32 v23, v46;
	vm0 =	vgt.f32 v7, v3  }
0x1ef: {  	v36 =	vmax.f32 v51, $1.000000010e-01;
	v34 =	vpop (erf);
	(erf) = vrcp.f32 v33;
	v2 =	vsel vm0, v7, v3  }
0x1f0: {  	v6 =	vmul.f32 v34, v12;
	v3 =	vsel vm0, v31, v4;
	vm0 =	vgt.f32 v32, v2  }
0x1f1: {  	v38 =	vmax.f32 v48, $1.000000010e-01;
	v37 =	vpop (erf);
	(erf) = vrcp.f32 v36;
	v2 =	vsel vm0, v32, v2  }
0x1f2: {  	v0 =	vmul.f32 v37, v0;
	v3 =	vsel vm0, v35, v3;
	vm0 =	vgt.f32 v6, v2  }
0x1f3: {  	v46 =	vpop (erf);
	(erf) = vrcp.f32 v38;
	v2 =	vsel vm0, v6, v2  }
0x1f4: {  	v47 =	vmul.f32 v46, v18;
	v3 =	vsel vm0, v30, v3;
	vm0 =	vgt.f32 v0, v2  }
0x1f5: {  	v48 =	vpop (erf);
	v0 =	vsel vm0, v0, v2;
	v2 =	vsel vm0, v28, v3;
	v3 =	vmax.f32 v14, $1.000000010e-01  }
0x1f6: {  	v49 =	vmul.f32 v48, v45;
	v50 =	vpop (erf);
	vm0 =	vgt.f32 v47, v0;
	(erf) = vrcp.f32 v3  }
0x1f7: {  	v3 =	vmax.f32 v16, $1.000000010e-01;
	v51 =	vmul.f32 v50, v44;
	v0 =	vsel vm0, v47, v0  }
0x1f8: {  	v2 =	vsel vm0, v27, v2;
	(erf) = vrcp.f32 v3;
	vm0 =	vgt.f32 v49, v0  }
0x1f9: {  	v52 =	vpop (erf);
	v3 =	vbroadcast v24, $0xA;
	v0 =	vsel vm0, v49, v0  }
0x1fa: {  	v53 =	vmul.f32 v52, v43;
	v2 =	vsel vm0, v1, v2;
	vm0 =	vgt.f32 v51, v0  }
0x1fb: {  	v55 =	vpop (erf);
	v0 =	vsel vm0, v51, v0;
	v2 =	vsel vm0, v3, v2;
	v3 =	vbroadcast v24, $0xB  }
0x1fc: {  	v57 =	vmul.f32 v55, v42;
	vm0 =	vgt.f32 v53, v0  }
0x1fd: {  	s11 =	sadd.s32 $0x10, s11;
	v58 =	vpop (erf);
	v0 =	vsel vm0, v53, v0;
	v2 =	vsel vm0, v3, v2;
	v3 =	vbroadcast v24, $0xC  }
0x1fe: {  	v54 =	vld [tilespmem:s11+$0x0];
	v1 =	vlaneseq.u32;
	v59 =	vmul.f32 v58, v41;
	vm1 =	vgt.f32 v57, v0  }
0x1ff: {  	s13 =	sadd.s32 $0x10, s13;
	v0 =	vsel vm1, v57, v0;
	v2 =	vsel vm1, v3, v2;
	v3 =	vbroadcast v24, $0xD;
	v60 =	vpop (erf)  }
0x200: {  	v56 =	vor.u32 s13, v1;
	vm1 =	vgt.f32 v59, v0;
	v5 =	vmul.f32 v60, v40  }
0x201: {  	vm0 =	vlt.s32 v56, v63;
	v61 =	vpop (erf);
	v0 =	vsel vm1, v59, v0;
	v2 =	vsel vm1, v3, v2  }
0x202: {  	v3 =	vbroadcast v24, $0xE;
	v4 =	vmul.f32 v61, v39;
	vm1 =	vgt.f32 v5, v0  }
0x203: {  	v62 =	vbroadcast v24, $0xF;
	v6 =	vnsel vm0, $0x0, v54;
	v0 =	vsel vm1, v5, v0  }
0x204: {  	v24 =	vmov v6;
	v2 =	vsel vm1, v3, v2;
	vm1 =	vgt.f32 v4, v0  }
0x205: {  	v33 =	vsel vm1, v62, v2;
	v2 =	vbroadcast v24, $0x5;
	_ =	sdelay $0x1  }
0x206: {  	[tilespmem:$0x1FEA0] =	vst v2;
	v2 =	vld [tilespmem:$0x1FEB0];
	_ =	sdelay $0x2  }
0x207: {  	v38 =	vsel vm1, v4, v0;
	v0 =	vmul.u32 $0x30, v24  }
0x208: {  	v26 =	vbroadcast v24, $0x9  }
0x209: {  	v28 =	vbroadcast v24, $0x7;
	v27 =	vbroadcast v24, $0x8;
	v45 =	vadd.s32 v2, v0;
	v0 =	vld [tilespmem:$0x1FEE0]  }
0x20a: {  	v30 =	vbroadcast v24, $0x6;
	v31 =	vbroadcast v24, $0x4  }
0x20b: {  	v34 =	vbroadcast v24, $0x2;
	v32 =	vbroadcast v24, $0x3  }
0x20c: {  	v36 =	vbroadcast v24, $0x0;
	v35 =	vbroadcast v24, $0x1  }
0x20d: {  	v43 =	vbroadcast v45, $0xE;
	v50 =	vbroadcast v45, $0xF  }
0x20e: {  	p2 =	sne.s32 s12, $0x1;
	v51 =	vbroadcast v45, $0xC;
	v52 =	vbroadcast v45, $0xD;
	v55 =	vadd.s32 v0, v24;
	v0 =	vld [tilespmem:$0x1FEF0]  }
.Ltmp9:
0x20f: {  	v48 =	vbroadcast v45, $0xA;
	v47 =	vbroadcast v45, $0xB;
	(pc) =	sbr.rel @p2 .LBB2_6-.Ltmp9, $4  }
0x210: {  	v44 =	vbroadcast v45, $0x8;
	v54 =	vbroadcast v45, $0x9  }
0x211: {  	v46 =	vbroadcast v45, $0x6;
	v53 =	vbroadcast v45, $0x7  }
0x212: {  	v41 =	vbroadcast v45, $0x4;
	v49 =	vbroadcast v45, $0x5  }
0x213: {  	s12 =	sadd.s32 $0xFFFFFFFF, s12;
	v39 =	vld.idx.msk [tilespmem:v6+s20+$0x0], $0xffff;
	v40 =	vbroadcast v45, $0x2;
	v42 =	vbroadcast v45, $0x3;
	v56 =	vadd.s32 v0, v24  }
.Ltmp10:
0x214: {  	_ = 	snop;
	(pc) =	sbr.rel .LBB2_7-.Ltmp10, $1  }
0x215: {  	_ =	sdelay $0x3  }
.LBB2_11:
0x216: {  	_ =	sfence.sel $0x180000  }
0x217: {  	[bflag:$0x0] =	sbarrier.arrive $0xFFFF  }
0x218: {  	_ =	strace $0x90000047  }
0x219: {  	s0 =	stileid.u32;
	[bflag:$0x2] =	sbarrier.arrive $0xFFFF  }
0x21a: {  	p0 =	sne.s32 s0, $0x0;
	s0 =	rddreg [dreg:$0x2]  }
0x21b: {  	s0 =	sadd.s32 @!p0 $0x100000, s0  }
0x21c: {  	[sflag:s0] =	ssyncadd.tile.s32 @!p0 $0x1;
	_ =	shalt  }
.Lfunc_end2:
_tile_overlayer_lowered:
.L_overlay_start_2:
0x21d: {  	(tag) =	ssettag $0x2  }
0x21e: {  	s0 =	rddreg [dreg:$0x0];
	s2 =	stileid.u32  }
0x21f: {  	s1 =	rddreg [dreg:$0x1];
	p0 =	sne.s32 s2, $0x0  }
0x220: {  	s3 =	rddreg [dreg:$0x2];
	[bflag:$0x3] =	sbarrier.arrive $0xFFFF;
	s2 =	simm.s32 @!p0 $0x1C02  }
0x221: {  	[timem:s3], [sflag:s2] =	dma.local @!p0 [hbm:s0], s1  }
0x222: {  	s0 =	simm.s32 @!p0 $0x2  }
0x223: {  	_ =	swait.ge @!p0 [sflag:s0], s1  }
0x224: {  	s1 =	ssub.s32 @!p0 $0x0, s1;
	[sflag:s0] =	ssyncset.done @!p0 $0x0  }
0x225: {  	[sflag:s0] =	ssyncadd.s32 @!p0 s1  }
0x226: {  	[bflag:$0x3] =	sbarrier.arrive $0xFFFF  }
0x227: {  	_ =	shalt  }

</sc_bundles>
